<compile_context>
chip_gen: v7x
topology: tpu7x:2x2x1
jax: 0.10.2.dev20260603
libtpu: 0.0.44.dev20260713+nightly
codegen_flags: <defaults>
</compile_context>

<pallas_src>
import functools

import jax
import jax.numpy as jnp
from jax import lax
from jax.experimental import pallas as pl
from jax.experimental.pallas import tpu as pltpu
from jax.experimental.pallas import tpu_sc as plsc

N = 4096
L = 16
NC, NS = 2, 16
NW = NC * NS
KSC = 1536
RPW = KSC // NW
R8 = 8
N2 = N // 2
S2 = N2 // L
RGROUPS = RPW // R8
NQ = 2 * RGROUPS
TCROWS = N - KSC
BR = 256
NTB = TCROWS // BR
MARGIN = 0.2
INF = float("inf")

_mesh = plsc.VectorSubcoreMesh(core_axis_name="c", subcore_axis_name="s")


def _transpose_reduce8(blk, combine, init_val):
    rows = lax.rem(lax.iota(jnp.int32, L), R8)
    acc = jnp.full((L,), init_val, jnp.float32)
    for l in range(L):
        col = plsc.load_gather(blk, [rows, jnp.full((L,), l, jnp.int32)])
        acc = combine(acc, col)
    return acc


@functools.partial(
    pl.kernel,
    out_type=(
        jax.ShapeDtypeStruct((NW, N), jnp.float32),
        jax.ShapeDtypeStruct((NW, N), jnp.float32),
        jax.ShapeDtypeStruct((NW, L), jnp.float32),
    ),
    mesh=_mesh,
    compiler_params=pltpu.CompilerParams(needs_layout_passes=False),
    scratch_types=[
        pltpu.VMEM((2, R8, N2), jnp.float32),
        pltpu.VMEM((2, R8, N2), jnp.float32),
        pltpu.VMEM((N,), jnp.float32),
        pltpu.VMEM((N,), jnp.float32),
        pltpu.VMEM((R8, L), jnp.float32),
        pltpu.VMEM((R8, L), jnp.float32),
        pltpu.VMEM((L,), jnp.float32),
        pltpu.SemaphoreType.DMA,
        pltpu.SemaphoreType.DMA,
        pltpu.SemaphoreType.DMA,
        pltpu.SemaphoreType.DMA,
    ],
)
def _pass1(preds_hbm, targets_hbm, cpos_hbm, cneg_hbm, rowpart_hbm,
           pbuf, tbuf, cpos, cneg, bpos, bneg, stage, ps0, ps1, ts0, ts1):
    wid = lax.axis_index("s") * NC + lax.axis_index("c")
    row0 = wid * RPW
    psem = (ps0, ps1)
    tsem = (ts0, ts1)

    def start_q(q, e):
        rb = row0 + (q // 2) * R8
        cb = lax.rem(q, 2) * N2
        pltpu.async_copy(
            preds_hbm.at[pl.ds(rb, R8), pl.ds(cb, N2)], pbuf.at[e], psem[e])
        pltpu.async_copy(
            targets_hbm.at[pl.ds(rb, R8), pl.ds(cb, N2)], tbuf.at[e], tsem[e])

    def wait_group(e):
        pltpu.make_async_copy(
            preds_hbm.at[pl.ds(0, R8), pl.ds(0, N2)], pbuf.at[e],
            psem[e]).wait()
        pltpu.make_async_copy(
            targets_hbm.at[pl.ds(0, R8), pl.ds(0, N2)], tbuf.at[e],
            tsem[e]).wait()

    start_q(jnp.int32(0), 0)

    def init_body(s, carry):
        sl = pl.ds(s * L, L)
        cpos[sl] = jnp.full((L,), INF, jnp.float32)
        cneg[sl] = jnp.full((L,), -INF, jnp.float32)
        return carry

    lax.fori_loop(0, N // L, init_body, 0)

    def group_body(b, sumvec):
        rp = tuple(jnp.full((L,), INF, jnp.float32) for _ in range(R8))
        rn = tuple(jnp.full((L,), -INF, jnp.float32) for _ in range(R8))
        for half in range(2):
            e = half
            q = b * 2 + half
            start_q(lax.rem(q + 1, NQ), 1 - e)
            wait_group(e)
            pb = pbuf.at[e]
            tb = tbuf.at[e]
            coff = half * N2

            def stripe_body(s, carry):
                rp, rn = carry
                for u in range(4):
                    idx = s * 4 + u
                    slb = pl.ds(idx * L, L)
                    sla = pl.ds(coff + idx * L, L)
                    cp = cpos[sla]
                    cn = cneg[sla]
                    rp2 = []
                    rn2 = []
                    for r in range(R8):
                        p = pb[r, slb]
                        t = tb[r, slb]
                        pos = t >= 0.5
                        posv = jnp.where(pos, p, INF)
                        negv = jnp.where(pos, -INF, p)
                        rp2.append(jnp.minimum(rp[r], posv))
                        rn2.append(jnp.maximum(rn[r], negv))
                        cp = jnp.minimum(cp, posv)
                        cn = jnp.maximum(cn, negv)
                    cpos[sla] = cp
                    cneg[sla] = cn
                    rp, rn = tuple(rp2), tuple(rn2)
                return rp, rn

            rp, rn = lax.fori_loop(0, S2 // 4, stripe_body, (rp, rn))

        for r in range(R8):
            bpos[r, :] = rp[r]
            bneg[r, :] = rn[r]
        hp = _transpose_reduce8(bpos, jnp.minimum, INF)
        hn = _transpose_reduce8(bneg, jnp.maximum, -INF)
        loss = jnp.maximum(hn + MARGIN - hp, 0.0)
        lane = lax.iota(jnp.int32, L)
        return sumvec + jnp.where(lane < R8, loss, 0.0)

    sumvec = lax.fori_loop(0, RGROUPS, group_body,
                           jnp.zeros((L,), jnp.float32))

    wait_group(0)

    stage[...] = sumvec
    pltpu.sync_copy(cpos, cpos_hbm.at[wid])
    pltpu.sync_copy(cneg, cneg_hbm.at[wid])
    pltpu.sync_copy(stage, rowpart_hbm.at[wid])


def _tcmain_body(pref, tref, cposr, cnegr, rlossr):
    i = pl.program_id(0)
    p = pref[...]
    t = tref[...]
    pos = t >= 0.5
    posv = jnp.where(pos, p, INF)
    negv = jnp.where(pos, -INF, p)
    rp = jnp.min(posv, axis=1)
    rn = jnp.max(negv, axis=1)
    rlossr[i, :] = jnp.maximum(rn + MARGIN - rp, 0.0)
    cp = jnp.min(posv, axis=0, keepdims=True)
    cn = jnp.max(negv, axis=0, keepdims=True)

    @pl.when(i == 0)
    def _():
        cposr[...] = cp
        cnegr[...] = cn

    @pl.when(i > 0)
    def _():
        cposr[...] = jnp.minimum(cposr[...], cp)
        cnegr[...] = jnp.maximum(cnegr[...], cn)


_tcmain = pl.pallas_call(
    _tcmain_body,
    grid=(NTB,),
    in_specs=[
        pl.BlockSpec((BR, N), lambda i: (KSC // BR + i, 0)),
        pl.BlockSpec((BR, N), lambda i: (KSC // BR + i, 0)),
    ],
    out_specs=[
        pl.BlockSpec((1, N), lambda i: (0, 0)),
        pl.BlockSpec((1, N), lambda i: (0, 0)),
        pl.BlockSpec((NTB, BR), lambda i: (0, 0)),
    ],
    out_shape=[
        jax.ShapeDtypeStruct((1, N), jnp.float32),
        jax.ShapeDtypeStruct((1, N), jnp.float32),
        jax.ShapeDtypeStruct((NTB, BR), jnp.float32),
    ],
)


def _finish_body(cpos_ref, cneg_ref, rpart_ref, tcp_ref, tcn_ref, trl_ref,
                 out_ref):
    cp = jnp.minimum(jnp.min(cpos_ref[...], axis=0, keepdims=True),
                     tcp_ref[...])
    cn = jnp.maximum(jnp.max(cneg_ref[...], axis=0, keepdims=True),
                     tcn_ref[...])
    closs = jnp.maximum(cn + MARGIN - cp, 0.0)
    total = (jnp.sum(closs) + jnp.sum(rpart_ref[...]) + jnp.sum(trl_ref[...]))
    out_ref[0, 0] = total / (N * MARGIN * 2.0)


_finish = pl.pallas_call(
    _finish_body,
    out_shape=jax.ShapeDtypeStruct((1, 1), jnp.float32),
    out_specs=pl.BlockSpec(memory_space=pltpu.SMEM),
)


def kernel(preds, targets):
    cpos, cneg, rowpart = _pass1(preds, targets)
    tcp, tcn, trl = _tcmain(preds, targets)
    return _finish(cpos, cneg, rowpart, tcp, tcn, trl)[0, 0]

# --- scband reference (transcript-rebuilt; emitter-appended) ---
"""Pipeline reference for scband-hardest-triplet-margin-loss-63127429316729 (READ-ONLY COPY).

The authoritative reference and input builder live on the scoring server;
editing this copy changes nothing except your own understanding.
"""

import jax, jax.numpy as jnp
import numpy as np

MARGIN = 0.2

def _hardest_triplet_margin_loss(preds, targets, margin):
    max_pred = preds.max(axis=1)
    min_pred = preds.min(axis=1)
    pos_mask = (targets >= 0.5).astype(preds.dtype)
    neg_mask = 1.0 - pos_mask
    positives = preds * pos_mask + neg_mask * (max_pred + 1.0)[:, None]
    hardest_pos = positives.min(axis=1)
    negatives = preds * neg_mask + pos_mask * (min_pred - 1.0)[:, None]
    hardest_neg = negatives.max(axis=1)
    anchor_losses = jnp.clip(hardest_neg + margin - hardest_pos, 0.0)
    return anchor_losses.mean() / margin


def setup_inputs(seed: int = 0) -> dict:
    key = jax.random.key(seed)
    k1, k2 = jax.random.split(key)
    preds = jax.random.normal(k1, (4096, 4096), dtype=jnp.float32)
    targets = jax.random.uniform(k2, (4096, 4096), dtype=jnp.float32)
    return {"preds": preds, "targets": targets}


def reference(preds, targets):
    # hardest_fraction == 0.0 path of HardestTripletMarginLoss
    loss1 = _hardest_triplet_margin_loss(preds, targets, MARGIN)
    loss2 = _hardest_triplet_margin_loss(preds.T, targets.T, MARGIN)
    loss = (loss1 + loss2) / 2.0
    return loss

if __name__ == "__main__":
    import jax
    _d = setup_inputs()
    print(jax.jit(kernel)(*tuple(_d.values())))

</pallas_src>

<mosaic_0001>
#map = affine_map<(d0, d1) -> (0, 0)>
module attributes {stable_mosaic.version = 14 : i64} {
  func.func @_pass1(%arg0: i32, %arg1: i32, %arg2: memref<4096x4096xf32, #tpu.memory_space<hbm>>, %arg3: memref<4096x4096xf32, #tpu.memory_space<hbm>>, %arg4: memref<32x4096xf32, #tpu.memory_space<hbm>>, %arg5: memref<32x4096xf32, #tpu.memory_space<hbm>>, %arg6: memref<32x16xf32, #tpu.memory_space<hbm>>, %arg7: memref<2x8x2048xf32, #tpu.memory_space<vmem>>, %arg8: memref<2x8x2048xf32, #tpu.memory_space<vmem>>, %arg9: memref<4096xf32, #tpu.memory_space<vmem>>, %arg10: memref<4096xf32, #tpu.memory_space<vmem>>, %arg11: memref<8x16xf32, #tpu.memory_space<vmem>>, %arg12: memref<8x16xf32, #tpu.memory_space<vmem>>, %arg13: memref<16xf32, #tpu.memory_space<vmem>>, %arg14: memref<!tpu.dma_semaphore, #tpu.memory_space<semaphore_mem>>, %arg15: memref<!tpu.dma_semaphore, #tpu.memory_space<semaphore_mem>>, %arg16: memref<!tpu.dma_semaphore, #tpu.memory_space<semaphore_mem>>, %arg17: memref<!tpu.dma_semaphore, #tpu.memory_space<semaphore_mem>>) attributes {dimension_semantics = [#tpu.dimension_semantics<core_parallel>, #tpu.dimension_semantics<subcore_parallel>], iteration_bounds = array<i64: 2, 16>, scalar_prefetch = 0 : i64, scratch_operands = 11 : i64, tpu.core_type = #tpu.core_type<sc_vector_subcore>, window_params = [{transform_indices = #map}, {transform_indices = #map}, {transform_indices = #map}, {transform_indices = #map}, {transform_indices = #map}]} {
    %mul3A = arith.constant 2 : i32
    %mul3A_0 = arith.muli %arg1, %mul3A : i32
    %add3A = arith.addi %mul3A_0, %arg0 : i32
    %mul3A_1 = arith.constant 48 : i32
    %mul3A_2 = arith.muli %add3A, %mul3A_1 : i32
    %jit3A = arith.constant 0 : i32
    %jit3A_3 = arith.constant 2 : i32
    %div3A = arith.divsi %jit3A, %jit3A_3 : i32
    %sign3A = arith.constant 0 : i32
    %sign3A_4 = arith.cmpi sgt, %jit3A, %sign3A : i32
    %sign3A_5 = arith.extui %sign3A_4 : i1 to i32
    %sign3A_6 = arith.constant 0 : i32
    %sign3A_7 = arith.cmpi slt, %jit3A, %sign3A_6 : i32
    %sign3A_8 = arith.extui %sign3A_7 : i1 to i32
    %sign3A_9 = arith.subi %sign3A_5, %sign3A_8 : i32
    %sign3A_10 = arith.constant 0 : i32
    %sign3A_11 = arith.cmpi sgt, %jit3A_3, %sign3A_10 : i32
    %sign3A_12 = arith.extui %sign3A_11 : i1 to i32
    %sign3A_13 = arith.constant 0 : i32
    %sign3A_14 = arith.cmpi slt, %jit3A_3, %sign3A_13 : i32
    %sign3A_15 = arith.extui %sign3A_14 : i1 to i32
    %sign3A_16 = arith.subi %sign3A_12, %sign3A_15 : i32
    %ne3A = arith.cmpi ne, %sign3A_9, %sign3A_16 : i32
    %rem3A = arith.remsi %jit3A, %jit3A_3 : i32
    %ne3A_17 = arith.constant 0 : i32
    %ne3A_18 = arith.cmpi ne, %rem3A, %ne3A_17 : i32
    %and3A = arith.andi %ne3A, %ne3A_18 : i1
    %sub3A = arith.constant 1 : i32
    %sub3A_19 = arith.subi %div3A, %sub3A : i32
    %select_n3A = arith.select %and3A, %sub3A_19, %div3A : i32
    %mul3A_20 = arith.constant 8 : i32
    %mul3A_21 = arith.muli %select_n3A, %mul3A_20 : i32
    %add3A_22 = arith.addi %mul3A_2, %mul3A_21 : i32
    %rem3A_23 = arith.constant 0 : i32
    %rem3A_24 = arith.constant 2 : i32
    %rem3A_25 = arith.remsi %rem3A_23, %rem3A_24 : i32
    %mul3A_26 = arith.constant 2048 : i32
    %mul3A_27 = arith.muli %rem3A_25, %mul3A_26 : i32
    %dma_start3A = arith.constant 0 : i32
    %dma_start3A_28 = arith.constant 0 : i32
    %dma_start3A_29 = arith.constant 0 : i32
    %dma_start3A_30 = tpu.memref_slice %arg7[%dma_start3A, %dma_start3A_28, %dma_start3A_29] : memref<2x8x2048xf32, #tpu.memory_space<vmem>> -> memref<1x8x2048xf32, #tpu.memory_space<vmem>>
    %dma_start3A_31 = tpu.memref_squeeze %dma_start3A_30 : memref<1x8x2048xf32, #tpu.memory_space<vmem>> -> memref<8x2048xf32, #tpu.memory_space<vmem>>
    %dma_start3A_32 = tpu.memref_slice %arg2[%add3A_22, %mul3A_27] : memref<4096x4096xf32, #tpu.memory_space<hbm>> -> memref<8x2048xf32, #tpu.memory_space<hbm>>
    %dma_start3A_33 = arith.constant 0 : i32
    %dma_start3A_34 = arith.constant 0 : i32
    %dma_start3A_35 = tpu.memref_slice %arg7[%dma_start3A, %dma_start3A_33, %dma_start3A_34] : memref<2x8x2048xf32, #tpu.memory_space<vmem>> -> memref<1x8x2048xf32, #tpu.memory_space<vmem>>
    %dma_start3A_36 = tpu.memref_squeeze %dma_start3A_35 : memref<1x8x2048xf32, #tpu.memory_space<vmem>> -> memref<8x2048xf32, #tpu.memory_space<vmem>>
    %dma_start3A_37 = tpu.memref_slice %arg2[%add3A_22, %mul3A_27] : memref<4096x4096xf32, #tpu.memory_space<hbm>> -> memref<8x2048xf32, #tpu.memory_space<hbm>>
    tpu.enqueue_dma source(%dma_start3A_37 : memref<8x2048xf32, #tpu.memory_space<hbm>>) target(%dma_start3A_36 : memref<8x2048xf32, #tpu.memory_space<vmem>>) target_semaphore(%arg14 : memref<!tpu.dma_semaphore, #tpu.memory_space<semaphore_mem>>)
    %dma_start3A_38 = arith.constant 0 : i32
    %dma_start3A_39 = arith.constant 0 : i32
    %dma_start3A_40 = arith.constant 0 : i32
    %dma_start3A_41 = tpu.memref_slice %arg8[%dma_start3A_38, %dma_start3A_39, %dma_start3A_40] : memref<2x8x2048xf32, #tpu.memory_space<vmem>> -> memref<1x8x2048xf32, #tpu.memory_space<vmem>>
    %dma_start3A_42 = tpu.memref_squeeze %dma_start3A_41 : memref<1x8x2048xf32, #tpu.memory_space<vmem>> -> memref<8x2048xf32, #tpu.memory_space<vmem>>
    %dma_start3A_43 = tpu.memref_slice %arg3[%add3A_22, %mul3A_27] : memref<4096x4096xf32, #tpu.memory_space<hbm>> -> memref<8x2048xf32, #tpu.memory_space<hbm>>
    %dma_start3A_44 = arith.constant 0 : i32
    %dma_start3A_45 = arith.constant 0 : i32
    %dma_start3A_46 = tpu.memref_slice %arg8[%dma_start3A_38, %dma_start3A_44, %dma_start3A_45] : memref<2x8x2048xf32, #tpu.memory_space<vmem>> -> memref<1x8x2048xf32, #tpu.memory_space<vmem>>
    %dma_start3A_47 = tpu.memref_squeeze %dma_start3A_46 : memref<1x8x2048xf32, #tpu.memory_space<vmem>> -> memref<8x2048xf32, #tpu.memory_space<vmem>>
    %dma_start3A_48 = tpu.memref_slice %arg3[%add3A_22, %mul3A_27] : memref<4096x4096xf32, #tpu.memory_space<hbm>> -> memref<8x2048xf32, #tpu.memory_space<hbm>>
    tpu.enqueue_dma source(%dma_start3A_48 : memref<8x2048xf32, #tpu.memory_space<hbm>>) target(%dma_start3A_47 : memref<8x2048xf32, #tpu.memory_space<vmem>>) target_semaphore(%arg16 : memref<!tpu.dma_semaphore, #tpu.memory_space<semaphore_mem>>)
    %scan3A = arith.constant 0 : i32
    %scan3A_49 = arith.constant 0 : i32
    %scan3A_50 = arith.constant 256 : i32
    %scan3A_51 = arith.addi %scan3A_49, %scan3A_50 : i32
    %scan3A_52 = arith.constant 1 : i32
    scf.for %scan3A_91 = %scan3A_49 to %scan3A_51 step %scan3A_52  : i32 {
      %mul3A_92 = arith.constant 16 : i32
      %mul3A_93 = arith.muli %scan3A_91, %mul3A_92 : i32
      %broadcast_in_dim3A_94 = arith.constant 0x7F800000 : f32
      %broadcast_in_dim3A_95 = vector.broadcast %broadcast_in_dim3A_94 : f32 to vector<16xf32>
      %swap3A_96 = arith.index_cast %mul3A_93 : i32 to index
      %swap3A_97 = tpu.vector_load %arg9[%swap3A_96] {strides = array<i32>} : memref<4096xf32, #tpu.memory_space<vmem>>, vector<16xf32>,
      tpu.vector_store %arg9[%swap3A_96], %broadcast_in_dim3A_95 {strides = array<i32>} : memref<4096xf32, #tpu.memory_space<vmem>>, vector<16xf32>,
      %broadcast_in_dim3A_98 = arith.constant 0xFF800000 : f32
      %broadcast_in_dim3A_99 = vector.broadcast %broadcast_in_dim3A_98 : f32 to vector<16xf32>
      %swap3A_100 = arith.index_cast %mul3A_93 : i32 to index
      %swap3A_101 = tpu.vector_load %arg10[%swap3A_100] {strides = array<i32>} : memref<4096xf32, #tpu.memory_space<vmem>>, vector<16xf32>,
      tpu.vector_store %arg10[%swap3A_100], %broadcast_in_dim3A_99 {strides = array<i32>} : memref<4096xf32, #tpu.memory_space<vmem>>, vector<16xf32>,
    }
    %scan3A_53 = arith.constant 256 : i32
    %broadcast_in_dim3A = arith.constant 0.000000e+00 : f32
    %broadcast_in_dim3A_54 = vector.broadcast %broadcast_in_dim3A : f32 to vector<16xf32>
    %scan3A_55 = arith.constant 0 : i32
    %scan3A_56 = arith.constant 6 : i32
    %scan3A_57 = arith.addi %scan3A_55, %scan3A_56 : i32
    %scan3A_58 = arith.constant 1 : i32
    %scan3A_59 = scf.for %scan3A_91 = %scan3A_55 to %scan3A_57 step %scan3A_58 iter_args(%scan3A_92 = %broadcast_in_dim3A_54) -> (vector<16xf32>)  : i32 {
      %broadcast_in_dim3A_93 = arith.constant 0x7F800000 : f32
      %broadcast_in_dim3A_94 = vector.broadcast %broadcast_in_dim3A_93 : f32 to vector<16xf32>
      %broadcast_in_dim3A_95 = arith.constant 0x7F800000 : f32
      %broadcast_in_dim3A_96 = vector.broadcast %broadcast_in_dim3A_95 : f32 to vector<16xf32>
      %broadcast_in_dim3A_97 = arith.constant 0x7F800000 : f32
      %broadcast_in_dim3A_98 = vector.broadcast %broadcast_in_dim3A_97 : f32 to vector<16xf32>
      %broadcast_in_dim3A_99 = arith.constant 0x7F800000 : f32
      %broadcast_in_dim3A_100 = vector.broadcast %broadcast_in_dim3A_99 : f32 to vector<16xf32>
      %broadcast_in_dim3A_101 = arith.constant 0x7F800000 : f32
      %broadcast_in_dim3A_102 = vector.broadcast %broadcast_in_dim3A_101 : f32 to vector<16xf32>
      %broadcast_in_dim3A_103 = arith.constant 0x7F800000 : f32
      %broadcast_in_dim3A_104 = vector.broadcast %broadcast_in_dim3A_103 : f32 to vector<16xf32>
      %broadcast_in_dim3A_105 = arith.constant 0x7F800000 : f32
      %broadcast_in_dim3A_106 = vector.broadcast %broadcast_in_dim3A_105 : f32 to vector<16xf32>
      %broadcast_in_dim3A_107 = arith.constant 0x7F800000 : f32
      %broadcast_in_dim3A_108 = vector.broadcast %broadcast_in_dim3A_107 : f32 to vector<16xf32>
      %broadcast_in_dim3A_109 = arith.constant 0xFF800000 : f32
      %broadcast_in_dim3A_110 = vector.broadcast %broadcast_in_dim3A_109 : f32 to vector<16xf32>
      %broadcast_in_dim3A_111 = arith.constant 0xFF800000 : f32
      %broadcast_in_dim3A_112 = vector.broadcast %broadcast_in_dim3A_111 : f32 to vector<16xf32>
      %broadcast_in_dim3A_113 = arith.constant 0xFF800000 : f32
      %broadcast_in_dim3A_114 = vector.broadcast %broadcast_in_dim3A_113 : f32 to vector<16xf32>
      %broadcast_in_dim3A_115 = arith.constant 0xFF800000 : f32
      %broadcast_in_dim3A_116 = vector.broadcast %broadcast_in_dim3A_115 : f32 to vector<16xf32>
      %broadcast_in_dim3A_117 = arith.constant 0xFF800000 : f32
      %broadcast_in_dim3A_118 = vector.broadcast %broadcast_in_dim3A_117 : f32 to vector<16xf32>
      %broadcast_in_dim3A_119 = arith.constant 0xFF800000 : f32
      %broadcast_in_dim3A_120 = vector.broadcast %broadcast_in_dim3A_119 : f32 to vector<16xf32>
      %broadcast_in_dim3A_121 = arith.constant 0xFF800000 : f32
      %broadcast_in_dim3A_122 = vector.broadcast %broadcast_in_dim3A_121 : f32 to vector<16xf32>
      %broadcast_in_dim3A_123 = arith.constant 0xFF800000 : f32
      %broadcast_in_dim3A_124 = vector.broadcast %broadcast_in_dim3A_123 : f32 to vector<16xf32>
      %mul3A_125 = arith.constant 2 : i32
      %mul3A_126 = arith.muli %scan3A_91, %mul3A_125 : i32
      %add3A_127 = arith.constant 0 : i32
      %add3A_128 = arith.addi %mul3A_126, %add3A_127 : i32
      %add3A_129 = arith.constant 1 : i32
      %add3A_130 = arith.addi %add3A_128, %add3A_129 : i32
      %rem3A_131 = arith.constant 12 : i32
      %rem3A_132 = arith.remsi %add3A_130, %rem3A_131 : i32
      %jit3A_133 = arith.constant 2 : i32
      %div3A_134 = arith.divsi %rem3A_132, %jit3A_133 : i32
      %sign3A_135 = arith.constant 0 : i32
      %sign3A_136 = arith.cmpi sgt, %rem3A_132, %sign3A_135 : i32
      %sign3A_137 = arith.extui %sign3A_136 : i1 to i32
      %sign3A_138 = arith.constant 0 : i32
      %sign3A_139 = arith.cmpi slt, %rem3A_132, %sign3A_138 : i32
      %sign3A_140 = arith.extui %sign3A_139 : i1 to i32
      %sign3A_141 = arith.subi %sign3A_137, %sign3A_140 : i32
      %sign3A_142 = arith.constant 0 : i32
      %sign3A_143 = arith.cmpi sgt, %jit3A_133, %sign3A_142 : i32
      %sign3A_144 = arith.extui %sign3A_143 : i1 to i32
      %sign3A_145 = arith.constant 0 : i32
      %sign3A_146 = arith.cmpi slt, %jit3A_133, %sign3A_145 : i32
      %sign3A_147 = arith.extui %sign3A_146 : i1 to i32
      %sign3A_148 = arith.subi %sign3A_144, %sign3A_147 : i32
      %ne3A_149 = arith.cmpi ne, %sign3A_141, %sign3A_148 : i32
      %rem3A_150 = arith.remsi %rem3A_132, %jit3A_133 : i32
      %ne3A_151 = arith.constant 0 : i32
      %ne3A_152 = arith.cmpi ne, %rem3A_150, %ne3A_151 : i32
      %and3A_153 = arith.andi %ne3A_149, %ne3A_152 : i1
      %sub3A_154 = arith.constant 1 : i32
      %sub3A_155 = arith.subi %div3A_134, %sub3A_154 : i32
      %select_n3A_156 = arith.select %and3A_153, %sub3A_155, %div3A_134 : i32
      %mul3A_157 = arith.constant 8 : i32
      %mul3A_158 = arith.muli %select_n3A_156, %mul3A_157 : i32
      %add3A_159 = arith.addi %mul3A_2, %mul3A_158 : i32
      %rem3A_160 = arith.constant 2 : i32
      %rem3A_161 = arith.remsi %rem3A_132, %rem3A_160 : i32
      %mul3A_162 = arith.constant 2048 : i32
      %mul3A_163 = arith.muli %rem3A_161, %mul3A_162 : i32
      %dma_start3A_164 = arith.constant 1 : i32
      %dma_start3A_165 = arith.constant 0 : i32
      %dma_start3A_166 = arith.constant 0 : i32
      %dma_start3A_167 = tpu.memref_slice %arg7[%dma_start3A_164, %dma_start3A_165, %dma_start3A_166] : memref<2x8x2048xf32, #tpu.memory_space<vmem>> -> memref<1x8x2048xf32, #tpu.memory_space<vmem>>
      %dma_start3A_168 = tpu.memref_squeeze %dma_start3A_167 : memref<1x8x2048xf32, #tpu.memory_space<vmem>> -> memref<8x2048xf32, #tpu.memory_space<vmem>>
      %dma_start3A_169 = tpu.memref_slice %arg2[%add3A_159, %mul3A_163] : memref<4096x4096xf32, #tpu.memory_space<hbm>> -> memref<8x2048xf32, #tpu.memory_space<hbm>>
      %dma_start3A_170 = arith.constant 0 : i32
      %dma_start3A_171 = arith.constant 0 : i32
      %dma_start3A_172 = tpu.memref_slice %arg7[%dma_start3A_164, %dma_start3A_170, %dma_start3A_171] : memref<2x8x2048xf32, #tpu.memory_space<vmem>> -> memref<1x8x2048xf32, #tpu.memory_space<vmem>>
      %dma_start3A_173 = tpu.memref_squeeze %dma_start3A_172 : memref<1x8x2048xf32, #tpu.memory_space<vmem>> -> memref<8x2048xf32, #tpu.memory_space<vmem>>
      %dma_start3A_174 = tpu.memref_slice %arg2[%add3A_159, %mul3A_163] : memref<4096x4096xf32, #tpu.memory_space<hbm>> -> memref<8x2048xf32, #tpu.memory_space<hbm>>
      tpu.enqueue_dma source(%dma_start3A_174 : memref<8x2048xf32, #tpu.memory_space<hbm>>) target(%dma_start3A_173 : memref<8x2048xf32, #tpu.memory_space<vmem>>) target_semaphore(%arg15 : memref<!tpu.dma_semaphore, #tpu.memory_space<semaphore_mem>>)
      %dma_start3A_175 = arith.constant 1 : i32
      %dma_start3A_176 = arith.constant 0 : i32
      %dma_start3A_177 = arith.constant 0 : i32
      %dma_start3A_178 = tpu.memref_slice %arg8[%dma_start3A_175, %dma_start3A_176, %dma_start3A_177] : memref<2x8x2048xf32, #tpu.memory_space<vmem>> -> memref<1x8x2048xf32, #tpu.memory_space<vmem>>
      %dma_start3A_179 = tpu.memref_squeeze %dma_start3A_178 : memref<1x8x2048xf32, #tpu.memory_space<vmem>> -> memref<8x2048xf32, #tpu.memory_space<vmem>>
      %dma_start3A_180 = tpu.memref_slice %arg3[%add3A_159, %mul3A_163] : memref<4096x4096xf32, #tpu.memory_space<hbm>> -> memref<8x2048xf32, #tpu.memory_space<hbm>>
      %dma_start3A_181 = arith.constant 0 : i32
      %dma_start3A_182 = arith.constant 0 : i32
      %dma_start3A_183 = tpu.memref_slice %arg8[%dma_start3A_175, %dma_start3A_181, %dma_start3A_182] : memref<2x8x2048xf32, #tpu.memory_space<vmem>> -> memref<1x8x2048xf32, #tpu.memory_space<vmem>>
      %dma_start3A_184 = tpu.memref_squeeze %dma_start3A_183 : memref<1x8x2048xf32, #tpu.memory_space<vmem>> -> memref<8x2048xf32, #tpu.memory_space<vmem>>
      %dma_start3A_185 = tpu.memref_slice %arg3[%add3A_159, %mul3A_163] : memref<4096x4096xf32, #tpu.memory_space<hbm>> -> memref<8x2048xf32, #tpu.memory_space<hbm>>
      tpu.enqueue_dma source(%dma_start3A_185 : memref<8x2048xf32, #tpu.memory_space<hbm>>) target(%dma_start3A_184 : memref<8x2048xf32, #tpu.memory_space<vmem>>) target_semaphore(%arg17 : memref<!tpu.dma_semaphore, #tpu.memory_space<semaphore_mem>>)
      %dma_wait3A_186 = arith.constant 0 : i32
      %dma_wait3A_187 = arith.constant 0 : i32
      %dma_wait3A_188 = arith.constant 0 : i32
      %dma_wait3A_189 = tpu.memref_slice %arg7[%dma_wait3A_186, %dma_wait3A_187, %dma_wait3A_188] : memref<2x8x2048xf32, #tpu.memory_space<vmem>> -> memref<1x8x2048xf32, #tpu.memory_space<vmem>>
      %dma_wait3A_190 = tpu.memref_squeeze %dma_wait3A_189 : memref<1x8x2048xf32, #tpu.memory_space<vmem>> -> memref<8x2048xf32, #tpu.memory_space<vmem>>
      %dma_wait3A_191 = arith.constant 0 : i32
      %dma_wait3A_192 = arith.constant 0 : i32
      %dma_wait3A_193 = tpu.memref_slice %arg2[%dma_wait3A_191, %dma_wait3A_192] : memref<4096x4096xf32, #tpu.memory_space<hbm>> -> memref<8x2048xf32, #tpu.memory_space<hbm>>
      %dma_wait3A_194 = arith.constant 0 : i32
      %dma_wait3A_195 = arith.constant 0 : i32
      %dma_wait3A_196 = tpu.memref_slice %arg7[%dma_wait3A_186, %dma_wait3A_194, %dma_wait3A_195] : memref<2x8x2048xf32, #tpu.memory_space<vmem>> -> memref<1x8x2048xf32, #tpu.memory_space<vmem>>
      %dma_wait3A_197 = tpu.memref_squeeze %dma_wait3A_196 : memref<1x8x2048xf32, #tpu.memory_space<vmem>> -> memref<8x2048xf32, #tpu.memory_space<vmem>>
      %dma_wait3A_198 = arith.constant 0 : i32
      %dma_wait3A_199 = arith.constant 0 : i32
      %dma_wait3A_200 = tpu.memref_slice %arg2[%dma_wait3A_198, %dma_wait3A_199] : memref<4096x4096xf32, #tpu.memory_space<hbm>> -> memref<8x2048xf32, #tpu.memory_space<hbm>>
      tpu.wait_dma2 semaphore(%arg14 : memref<!tpu.dma_semaphore, #tpu.memory_space<semaphore_mem>>) src(%dma_wait3A_200 : memref<8x2048xf32, #tpu.memory_space<hbm>>) dst(%dma_wait3A_197 : memref<8x2048xf32, #tpu.memory_space<vmem>>)
      %dma_wait3A_201 = arith.constant 0 : i32
      %dma_wait3A_202 = arith.constant 0 : i32
      %dma_wait3A_203 = arith.constant 0 : i32
      %dma_wait3A_204 = tpu.memref_slice %arg8[%dma_wait3A_201, %dma_wait3A_202, %dma_wait3A_203] : memref<2x8x2048xf32, #tpu.memory_space<vmem>> -> memref<1x8x2048xf32, #tpu.memory_space<vmem>>
      %dma_wait3A_205 = tpu.memref_squeeze %dma_wait3A_204 : memref<1x8x2048xf32, #tpu.memory_space<vmem>> -> memref<8x2048xf32, #tpu.memory_space<vmem>>
      %dma_wait3A_206 = arith.constant 0 : i32
      %dma_wait3A_207 = arith.constant 0 : i32
      %dma_wait3A_208 = tpu.memref_slice %arg3[%dma_wait3A_206, %dma_wait3A_207] : memref<4096x4096xf32, #tpu.memory_space<hbm>> -> memref<8x2048xf32, #tpu.memory_space<hbm>>
      %dma_wait3A_209 = arith.constant 0 : i32
      %dma_wait3A_210 = arith.constant 0 : i32
      %dma_wait3A_211 = tpu.memref_slice %arg8[%dma_wait3A_201, %dma_wait3A_209, %dma_wait3A_210] : memref<2x8x2048xf32, #tpu.memory_space<vmem>> -> memref<1x8x2048xf32, #tpu.memory_space<vmem>>
      %dma_wait3A_212 = tpu.memref_squeeze %dma_wait3A_211 : memref<1x8x2048xf32, #tpu.memory_space<vmem>> -> memref<8x2048xf32, #tpu.memory_space<vmem>>
      %dma_wait3A_213 = arith.constant 0 : i32
      %dma_wait3A_214 = arith.constant 0 : i32
      %dma_wait3A_215 = tpu.memref_slice %arg3[%dma_wait3A_213, %dma_wait3A_214] : memref<4096x4096xf32, #tpu.memory_space<hbm>> -> memref<8x2048xf32, #tpu.memory_space<hbm>>
      tpu.wait_dma2 semaphore(%arg16 : memref<!tpu.dma_semaphore, #tpu.memory_space<semaphore_mem>>) src(%dma_wait3A_215 : memref<8x2048xf32, #tpu.memory_space<hbm>>) dst(%dma_wait3A_212 : memref<8x2048xf32, #tpu.memory_space<vmem>>)
      %scan3A_216 = arith.constant 0 : i32
      %scan3A_217 = arith.constant 0 : i32
      %scan3A_218 = arith.constant 0 : i32
      %scan3A_219 = arith.constant 32 : i32
      %scan3A_220 = arith.addi %scan3A_218, %scan3A_219 : i32
      %scan3A_221 = arith.constant 1 : i32
      %scan3A_222:16 = scf.for %scan3A_537 = %scan3A_218 to %scan3A_220 step %scan3A_221 iter_args(%scan3A_538 = %broadcast_in_dim3A_94, %scan3A_539 = %broadcast_in_dim3A_96, %scan3A_540 = %broadcast_in_dim3A_98, %scan3A_541 = %broadcast_in_dim3A_100, %scan3A_542 = %broadcast_in_dim3A_102, %scan3A_543 = %broadcast_in_dim3A_104, %scan3A_544 = %broadcast_in_dim3A_106, %scan3A_545 = %broadcast_in_dim3A_108, %scan3A_546 = %broadcast_in_dim3A_110, %scan3A_547 = %broadcast_in_dim3A_112, %scan3A_548 = %broadcast_in_dim3A_114, %scan3A_549 = %broadcast_in_dim3A_116, %scan3A_550 = %broadcast_in_dim3A_118, %scan3A_551 = %broadcast_in_dim3A_120, %scan3A_552 = %broadcast_in_dim3A_122, %scan3A_553 = %broadcast_in_dim3A_124) -> (vector<16xf32>, vector<16xf32>, vector<16xf32>, vector<16xf32>, vector<16xf32>, vector<16xf32>, vector<16xf32>, vector<16xf32>, vector<16xf32>, vector<16xf32>, vector<16xf32>, vector<16xf32>, vector<16xf32>, vector<16xf32>, vector<16xf32>, vector<16xf32>)  : i32 {
        %mul3A_554 = arith.constant 4 : i32
        %mul3A_555 = arith.muli %scan3A_537, %mul3A_554 : i32
        %add3A_556 = arith.constant 0 : i32
        %add3A_557 = arith.addi %mul3A_555, %add3A_556 : i32
        %mul3A_558 = arith.constant 16 : i32
        %mul3A_559 = arith.muli %add3A_557, %mul3A_558 : i32
        %mul3A_560 = arith.constant 16 : i32
        %mul3A_561 = arith.muli %add3A_557, %mul3A_560 : i32
        %add3A_562 = arith.constant 0 : i32
        %add3A_563 = arith.addi %add3A_562, %mul3A_561 : i32
        %get3A = arith.index_cast %add3A_563 : i32 to index
        %get3A_564 = tpu.vector_load %arg9[%get3A] {strides = array<i32>} : memref<4096xf32, #tpu.memory_space<vmem>>, vector<16xf32>,
        %get3A_565 = arith.index_cast %add3A_563 : i32 to index
        %get3A_566 = tpu.vector_load %arg10[%get3A_565] {strides = array<i32>} : memref<4096xf32, #tpu.memory_space<vmem>>, vector<16xf32>,
        %get3A_567 = arith.constant 0 : i32
        %get3A_568 = arith.constant 0 : i32
        %get3A_569 = arith.constant 0 : i32
        %get3A_570 = tpu.memref_slice %arg7[%scan3A_216, %get3A_568, %get3A_569] : memref<2x8x2048xf32, #tpu.memory_space<vmem>> -> memref<1x8x2048xf32, #tpu.memory_space<vmem>>
        %get3A_571 = tpu.memref_squeeze %get3A_570 : memref<1x8x2048xf32, #tpu.memory_space<vmem>> -> memref<8x2048xf32, #tpu.memory_space<vmem>>
        %get3A_572 = arith.index_cast %get3A_567 : i32 to index
        %get3A_573 = arith.index_cast %mul3A_559 : i32 to index
        %get3A_574 = tpu.vector_load %get3A_571[%get3A_572, %get3A_573] {strides = array<i32>} : memref<8x2048xf32, #tpu.memory_space<vmem>>, vector<16xf32>,
        %get3A_575 = arith.constant 0 : i32
        %get3A_576 = arith.constant 0 : i32
        %get3A_577 = arith.constant 0 : i32
        %get3A_578 = tpu.memref_slice %arg8[%scan3A_217, %get3A_576, %get3A_577] : memref<2x8x2048xf32, #tpu.memory_space<vmem>> -> memref<1x8x2048xf32, #tpu.memory_space<vmem>>
        %get3A_579 = tpu.memref_squeeze %get3A_578 : memref<1x8x2048xf32, #tpu.memory_space<vmem>> -> memref<8x2048xf32, #tpu.memory_space<vmem>>
        %get3A_580 = arith.index_cast %get3A_575 : i32 to index
        %get3A_581 = arith.index_cast %mul3A_559 : i32 to index
        %get3A_582 = tpu.vector_load %get3A_579[%get3A_580, %get3A_581] {strides = array<i32>} : memref<8x2048xf32, #tpu.memory_space<vmem>>, vector<16xf32>,
        %ge3A = arith.constant 5.000000e-01 : f32
        %ge3A_583 = vector.broadcast %ge3A : f32 to vector<16xf32>
        %ge3A_584 = arith.cmpf oge, %get3A_582, %ge3A_583 : vector<16xf32>
        %jit3A_585 = arith.constant 0x7F800000 : f32
        %broadcast_in_dim3A_586 = vector.broadcast %jit3A_585 : f32 to vector<16xf32>
        %select_n3A_587 = arith.select %ge3A_584, %get3A_574, %broadcast_in_dim3A_586 : vector<16xi1>, vector<16xf32>
        %jit3A_588 = arith.constant 0xFF800000 : f32
        %broadcast_in_dim3A_589 = vector.broadcast %jit3A_588 : f32 to vector<16xf32>
        %select_n3A_590 = arith.select %ge3A_584, %broadcast_in_dim3A_589, %get3A_574 : vector<16xi1>, vector<16xf32>
        %min3A_591 = arith.minimumf %scan3A_538, %select_n3A_587 : vector<16xf32>
        %max3A_592 = arith.maximumf %scan3A_546, %select_n3A_590 : vector<16xf32>
        %min3A_593 = arith.minimumf %get3A_564, %select_n3A_587 : vector<16xf32>
        %max3A_594 = arith.maximumf %get3A_566, %select_n3A_590 : vector<16xf32>
        %get3A_595 = arith.constant 1 : i32
        %get3A_596 = arith.constant 0 : i32
        %get3A_597 = arith.constant 0 : i32
        %get3A_598 = tpu.memref_slice %arg7[%scan3A_216, %get3A_596, %get3A_597] : memref<2x8x2048xf32, #tpu.memory_space<vmem>> -> memref<1x8x2048xf32, #tpu.memory_space<vmem>>
        %get3A_599 = tpu.memref_squeeze %get3A_598 : memref<1x8x2048xf32, #tpu.memory_space<vmem>> -> memref<8x2048xf32, #tpu.memory_space<vmem>>
        %get3A_600 = arith.index_cast %get3A_595 : i32 to index
        %get3A_601 = arith.index_cast %mul3A_559 : i32 to index
        %get3A_602 = tpu.vector_load %get3A_599[%get3A_600, %get3A_601] {strides = array<i32>} : memref<8x2048xf32, #tpu.memory_space<vmem>>, vector<16xf32>,
        %get3A_603 = arith.constant 1 : i32
        %get3A_604 = arith.constant 0 : i32
        %get3A_605 = arith.constant 0 : i32
        %get3A_606 = tpu.memref_slice %arg8[%scan3A_217, %get3A_604, %get3A_605] : memref<2x8x2048xf32, #tpu.memory_space<vmem>> -> memref<1x8x2048xf32, #tpu.memory_space<vmem>>
        %get3A_607 = tpu.memref_squeeze %get3A_606 : memref<1x8x2048xf32, #tpu.memory_space<vmem>> -> memref<8x2048xf32, #tpu.memory_space<vmem>>
        %get3A_608 = arith.index_cast %get3A_603 : i32 to index
        %get3A_609 = arith.index_cast %mul3A_559 : i32 to index
        %get3A_610 = tpu.vector_load %get3A_607[%get3A_608, %get3A_609] {strides = array<i32>} : memref<8x2048xf32, #tpu.memory_space<vmem>>, vector<16xf32>,
        %ge3A_611 = arith.constant 5.000000e-01 : f32
        %ge3A_612 = vector.broadcast %ge3A_611 : f32 to vector<16xf32>
        %ge3A_613 = arith.cmpf oge, %get3A_610, %ge3A_612 : vector<16xf32>
        %jit3A_614 = arith.constant 0x7F800000 : f32
        %broadcast_in_dim3A_615 = vector.broadcast %jit3A_614 : f32 to vector<16xf32>
        %select_n3A_616 = arith.select %ge3A_613, %get3A_602, %broadcast_in_dim3A_615 : vector<16xi1>, vector<16xf32>
        %jit3A_617 = arith.constant 0xFF800000 : f32
        %broadcast_in_dim3A_618 = vector.broadcast %jit3A_617 : f32 to vector<16xf32>
        %select_n3A_619 = arith.select %ge3A_613, %broadcast_in_dim3A_618, %get3A_602 : vector<16xi1>, vector<16xf32>
        %min3A_620 = arith.minimumf %scan3A_539, %select_n3A_616 : vector<16xf32>
        %max3A_621 = arith.maximumf %scan3A_547, %select_n3A_619 : vector<16xf32>
        %min3A_622 = arith.minimumf %min3A_593, %select_n3A_616 : vector<16xf32>
        %max3A_623 = arith.maximumf %max3A_594, %select_n3A_619 : vector<16xf32>
        %get3A_624 = arith.constant 2 : i32
        %get3A_625 = arith.constant 0 : i32
        %get3A_626 = arith.constant 0 : i32
        %get3A_627 = tpu.memref_slice %arg7[%scan3A_216, %get3A_625, %get3A_626] : memref<2x8x2048xf32, #tpu.memory_space<vmem>> -> memref<1x8x2048xf32, #tpu.memory_space<vmem>>
        %get3A_628 = tpu.memref_squeeze %get3A_627 : memref<1x8x2048xf32, #tpu.memory_space<vmem>> -> memref<8x2048xf32, #tpu.memory_space<vmem>>
        %get3A_629 = arith.index_cast %get3A_624 : i32 to index
        %get3A_630 = arith.index_cast %mul3A_559 : i32 to index
        %get3A_631 = tpu.vector_load %get3A_628[%get3A_629, %get3A_630] {strides = array<i32>} : memref<8x2048xf32, #tpu.memory_space<vmem>>, vector<16xf32>,
        %get3A_632 = arith.constant 2 : i32
        %get3A_633 = arith.constant 0 : i32
        %get3A_634 = arith.constant 0 : i32
        %get3A_635 = tpu.memref_slice %arg8[%scan3A_217, %get3A_633, %get3A_634] : memref<2x8x2048xf32, #tpu.memory_space<vmem>> -> memref<1x8x2048xf32, #tpu.memory_space<vmem>>
        %get3A_636 = tpu.memref_squeeze %get3A_635 : memref<1x8x2048xf32, #tpu.memory_space<vmem>> -> memref<8x2048xf32, #tpu.memory_space<vmem>>
        %get3A_637 = arith.index_cast %get3A_632 : i32 to index
        %get3A_638 = arith.index_cast %mul3A_559 : i32 to index
        %get3A_639 = tpu.vector_load %get3A_636[%get3A_637, %get3A_638] {strides = array<i32>} : memref<8x2048xf32, #tpu.memory_space<vmem>>, vector<16xf32>,
        %ge3A_640 = arith.constant 5.000000e-01 : f32
        %ge3A_641 = vector.broadcast %ge3A_640 : f32 to vector<16xf32>
        %ge3A_642 = arith.cmpf oge, %get3A_639, %ge3A_641 : vector<16xf32>
        %jit3A_643 = arith.constant 0x7F800000 : f32
        %broadcast_in_dim3A_644 = vector.broadcast %jit3A_643 : f32 to vector<16xf32>
        %select_n3A_645 = arith.select %ge3A_642, %get3A_631, %broadcast_in_dim3A_644 : vector<16xi1>, vector<16xf32>
        %jit3A_646 = arith.constant 0xFF800000 : f32
        %broadcast_in_dim3A_647 = vector.broadcast %jit3A_646 : f32 to vector<16xf32>
        %select_n3A_648 = arith.select %ge3A_642, %broadcast_in_dim3A_647, %get3A_631 : vector<16xi1>, vector<16xf32>
        %min3A_649 = arith.minimumf %scan3A_540, %select_n3A_645 : vector<16xf32>
        %max3A_650 = arith.maximumf %scan3A_548, %select_n3A_648 : vector<16xf32>
        %min3A_651 = arith.minimumf %min3A_622, %select_n3A_645 : vector<16xf32>
        %max3A_652 = arith.maximumf %max3A_623, %select_n3A_648 : vector<16xf32>
        %get3A_653 = arith.constant 3 : i32
        %get3A_654 = arith.constant 0 : i32
        %get3A_655 = arith.constant 0 : i32
        %get3A_656 = tpu.memref_slice %arg7[%scan3A_216, %get3A_654, %get3A_655] : memref<2x8x2048xf32, #tpu.memory_space<vmem>> -> memref<1x8x2048xf32, #tpu.memory_space<vmem>>
        %get3A_657 = tpu.memref_squeeze %get3A_656 : memref<1x8x2048xf32, #tpu.memory_space<vmem>> -> memref<8x2048xf32, #tpu.memory_space<vmem>>
        %get3A_658 = arith.index_cast %get3A_653 : i32 to index
        %get3A_659 = arith.index_cast %mul3A_559 : i32 to index
        %get3A_660 = tpu.vector_load %get3A_657[%get3A_658, %get3A_659] {strides = array<i32>} : memref<8x2048xf32, #tpu.memory_space<vmem>>, vector<16xf32>,
        %get3A_661 = arith.constant 3 : i32
        %get3A_662 = arith.constant 0 : i32
        %get3A_663 = arith.constant 0 : i32
        %get3A_664 = tpu.memref_slice %arg8[%scan3A_217, %get3A_662, %get3A_663] : memref<2x8x2048xf32, #tpu.memory_space<vmem>> -> memref<1x8x2048xf32, #tpu.memory_space<vmem>>
        %get3A_665 = tpu.memref_squeeze %get3A_664 : memref<1x8x2048xf32, #tpu.memory_space<vmem>> -> memref<8x2048xf32, #tpu.memory_space<vmem>>
        %get3A_666 = arith.index_cast %get3A_661 : i32 to index
        %get3A_667 = arith.index_cast %mul3A_559 : i32 to index
        %get3A_668 = tpu.vector_load %get3A_665[%get3A_666, %get3A_667] {strides = array<i32>} : memref<8x2048xf32, #tpu.memory_space<vmem>>, vector<16xf32>,
        %ge3A_669 = arith.constant 5.000000e-01 : f32
        %ge3A_670 = vector.broadcast %ge3A_669 : f32 to vector<16xf32>
        %ge3A_671 = arith.cmpf oge, %get3A_668, %ge3A_670 : vector<16xf32>
        %jit3A_672 = arith.constant 0x7F800000 : f32
        %broadcast_in_dim3A_673 = vector.broadcast %jit3A_672 : f32 to vector<16xf32>
        %select_n3A_674 = arith.select %ge3A_671, %get3A_660, %broadcast_in_dim3A_673 : vector<16xi1>, vector<16xf32>
        %jit3A_675 = arith.constant 0xFF800000 : f32
        %broadcast_in_dim3A_676 = vector.broadcast %jit3A_675 : f32 to vector<16xf32>
        %select_n3A_677 = arith.select %ge3A_671, %broadcast_in_dim3A_676, %get3A_660 : vector<16xi1>, vector<16xf32>
        %min3A_678 = arith.minimumf %scan3A_541, %select_n3A_674 : vector<16xf32>
        %max3A_679 = arith.maximumf %scan3A_549, %select_n3A_677 : vector<16xf32>
        %min3A_680 = arith.minimumf %min3A_651, %select_n3A_674 : vector<16xf32>
        %max3A_681 = arith.maximumf %max3A_652, %select_n3A_677 : vector<16xf32>
        %get3A_682 = arith.constant 4 : i32
        %get3A_683 = arith.constant 0 : i32
        %get3A_684 = arith.constant 0 : i32
        %get3A_685 = tpu.memref_slice %arg7[%scan3A_216, %get3A_683, %get3A_684] : memref<2x8x2048xf32, #tpu.memory_space<vmem>> -> memref<1x8x2048xf32, #tpu.memory_space<vmem>>
        %get3A_686 = tpu.memref_squeeze %get3A_685 : memref<1x8x2048xf32, #tpu.memory_space<vmem>> -> memref<8x2048xf32, #tpu.memory_space<vmem>>
        %get3A_687 = arith.index_cast %get3A_682 : i32 to index
        %get3A_688 = arith.index_cast %mul3A_559 : i32 to index
        %get3A_689 = tpu.vector_load %get3A_686[%get3A_687, %get3A_688] {strides = array<i32>} : memref<8x2048xf32, #tpu.memory_space<vmem>>, vector<16xf32>,
        %get3A_690 = arith.constant 4 : i32
        %get3A_691 = arith.constant 0 : i32
        %get3A_692 = arith.constant 0 : i32
        %get3A_693 = tpu.memref_slice %arg8[%scan3A_217, %get3A_691, %get3A_692] : memref<2x8x2048xf32, #tpu.memory_space<vmem>> -> memref<1x8x2048xf32, #tpu.memory_space<vmem>>
        %get3A_694 = tpu.memref_squeeze %get3A_693 : memref<1x8x2048xf32, #tpu.memory_space<vmem>> -> memref<8x2048xf32, #tpu.memory_space<vmem>>
        %get3A_695 = arith.index_cast %get3A_690 : i32 to index
        %get3A_696 = arith.index_cast %mul3A_559 : i32 to index
        %get3A_697 = tpu.vector_load %get3A_694[%get3A_695, %get3A_696] {strides = array<i32>} : memref<8x2048xf32, #tpu.memory_space<vmem>>, vector<16xf32>,
        %ge3A_698 = arith.constant 5.000000e-01 : f32
        %ge3A_699 = vector.broadcast %ge3A_698 : f32 to vector<16xf32>
        %ge3A_700 = arith.cmpf oge, %get3A_697, %ge3A_699 : vector<16xf32>
        %jit3A_701 = arith.constant 0x7F800000 : f32
        %broadcast_in_dim3A_702 = vector.broadcast %jit3A_701 : f32 to vector<16xf32>
        %select_n3A_703 = arith.select %ge3A_700, %get3A_689, %broadcast_in_dim3A_702 : vector<16xi1>, vector<16xf32>
        %jit3A_704 = arith.constant 0xFF800000 : f32
        %broadcast_in_dim3A_705 = vector.broadcast %jit3A_704 : f32 to vector<16xf32>
        %select_n3A_706 = arith.select %ge3A_700, %broadcast_in_dim3A_705, %get3A_689 : vector<16xi1>, vector<16xf32>
        %min3A_707 = arith.minimumf %scan3A_542, %select_n3A_703 : vector<16xf32>
        %max3A_708 = arith.maximumf %scan3A_550, %select_n3A_706 : vector<16xf32>
        %min3A_709 = arith.minimumf %min3A_680, %select_n3A_703 : vector<16xf32>
        %max3A_710 = arith.maximumf %max3A_681, %select_n3A_706 : vector<16xf32>
        %get3A_711 = arith.constant 5 : i32
        %get3A_712 = arith.constant 0 : i32
        %get3A_713 = arith.constant 0 : i32
        %get3A_714 = tpu.memref_slice %arg7[%scan3A_216, %get3A_712, %get3A_713] : memref<2x8x2048xf32, #tpu.memory_space<vmem>> -> memref<1x8x2048xf32, #tpu.memory_space<vmem>>
        %get3A_715 = tpu.memref_squeeze %get3A_714 : memref<1x8x2048xf32, #tpu.memory_space<vmem>> -> memref<8x2048xf32, #tpu.memory_space<vmem>>
        %get3A_716 = arith.index_cast %get3A_711 : i32 to index
        %get3A_717 = arith.index_cast %mul3A_559 : i32 to index
        %get3A_718 = tpu.vector_load %get3A_715[%get3A_716, %get3A_717] {strides = array<i32>} : memref<8x2048xf32, #tpu.memory_space<vmem>>, vector<16xf32>,
        %get3A_719 = arith.constant 5 : i32
        %get3A_720 = arith.constant 0 : i32
        %get3A_721 = arith.constant 0 : i32
        %get3A_722 = tpu.memref_slice %arg8[%scan3A_217, %get3A_720, %get3A_721] : memref<2x8x2048xf32, #tpu.memory_space<vmem>> -> memref<1x8x2048xf32, #tpu.memory_space<vmem>>
        %get3A_723 = tpu.memref_squeeze %get3A_722 : memref<1x8x2048xf32, #tpu.memory_space<vmem>> -> memref<8x2048xf32, #tpu.memory_space<vmem>>
        %get3A_724 = arith.index_cast %get3A_719 : i32 to index
        %get3A_725 = arith.index_cast %mul3A_559 : i32 to index
        %get3A_726 = tpu.vector_load %get3A_723[%get3A_724, %get3A_725] {strides = array<i32>} : memref<8x2048xf32, #tpu.memory_space<vmem>>, vector<16xf32>,
        %ge3A_727 = arith.constant 5.000000e-01 : f32
        %ge3A_728 = vector.broadcast %ge3A_727 : f32 to vector<16xf32>
        %ge3A_729 = arith.cmpf oge, %get3A_726, %ge3A_728 : vector<16xf32>
        %jit3A_730 = arith.constant 0x7F800000 : f32
        %broadcast_in_dim3A_731 = vector.broadcast %jit3A_730 : f32 to vector<16xf32>
        %select_n3A_732 = arith.select %ge3A_729, %get3A_718, %broadcast_in_dim3A_731 : vector<16xi1>, vector<16xf32>
        %jit3A_733 = arith.constant 0xFF800000 : f32
        %broadcast_in_dim3A_734 = vector.broadcast %jit3A_733 : f32 to vector<16xf32>
        %select_n3A_735 = arith.select %ge3A_729, %broadcast_in_dim3A_734, %get3A_718 : vector<16xi1>, vector<16xf32>
        %min3A_736 = arith.minimumf %scan3A_543, %select_n3A_732 : vector<16xf32>
        %max3A_737 = arith.maximumf %scan3A_551, %select_n3A_735 : vector<16xf32>
        %min3A_738 = arith.minimumf %min3A_709, %select_n3A_732 : vector<16xf32>
        %max3A_739 = arith.maximumf %max3A_710, %select_n3A_735 : vector<16xf32>
        %get3A_740 = arith.constant 6 : i32
        %get3A_741 = arith.constant 0 : i32
        %get3A_742 = arith.constant 0 : i32
        %get3A_743 = tpu.memref_slice %arg7[%scan3A_216, %get3A_741, %get3A_742] : memref<2x8x2048xf32, #tpu.memory_space<vmem>> -> memref<1x8x2048xf32, #tpu.memory_space<vmem>>
        %get3A_744 = tpu.memref_squeeze %get3A_743 : memref<1x8x2048xf32, #tpu.memory_space<vmem>> -> memref<8x2048xf32, #tpu.memory_space<vmem>>
        %get3A_745 = arith.index_cast %get3A_740 : i32 to index
        %get3A_746 = arith.index_cast %mul3A_559 : i32 to index
        %get3A_747 = tpu.vector_load %get3A_744[%get3A_745, %get3A_746] {strides = array<i32>} : memref<8x2048xf32, #tpu.memory_space<vmem>>, vector<16xf32>,
        %get3A_748 = arith.constant 6 : i32
        %get3A_749 = arith.constant 0 : i32
        %get3A_750 = arith.constant 0 : i32
        %get3A_751 = tpu.memref_slice %arg8[%scan3A_217, %get3A_749, %get3A_750] : memref<2x8x2048xf32, #tpu.memory_space<vmem>> -> memref<1x8x2048xf32, #tpu.memory_space<vmem>>
        %get3A_752 = tpu.memref_squeeze %get3A_751 : memref<1x8x2048xf32, #tpu.memory_space<vmem>> -> memref<8x2048xf32, #tpu.memory_space<vmem>>
        %get3A_753 = arith.index_cast %get3A_748 : i32 to index
        %get3A_754 = arith.index_cast %mul3A_559 : i32 to index
        %get3A_755 = tpu.vector_load %get3A_752[%get3A_753, %get3A_754] {strides = array<i32>} : memref<8x2048xf32, #tpu.memory_space<vmem>>, vector<16xf32>,
        %ge3A_756 = arith.constant 5.000000e-01 : f32
        %ge3A_757 = vector.broadcast %ge3A_756 : f32 to vector<16xf32>
        %ge3A_758 = arith.cmpf oge, %get3A_755, %ge3A_757 : vector<16xf32>
        %jit3A_759 = arith.constant 0x7F800000 : f32
        %broadcast_in_dim3A_760 = vector.broadcast %jit3A_759 : f32 to vector<16xf32>
        %select_n3A_761 = arith.select %ge3A_758, %get3A_747, %broadcast_in_dim3A_760 : vector<16xi1>, vector<16xf32>
        %jit3A_762 = arith.constant 0xFF800000 : f32
        %broadcast_in_dim3A_763 = vector.broadcast %jit3A_762 : f32 to vector<16xf32>
        %select_n3A_764 = arith.select %ge3A_758, %broadcast_in_dim3A_763, %get3A_747 : vector<16xi1>, vector<16xf32>
        %min3A_765 = arith.minimumf %scan3A_544, %select_n3A_761 : vector<16xf32>
        %max3A_766 = arith.maximumf %scan3A_552, %select_n3A_764 : vector<16xf32>
        %min3A_767 = arith.minimumf %min3A_738, %select_n3A_761 : vector<16xf32>
        %max3A_768 = arith.maximumf %max3A_739, %select_n3A_764 : vector<16xf32>
        %get3A_769 = arith.constant 7 : i32
        %get3A_770 = arith.constant 0 : i32
        %get3A_771 = arith.constant 0 : i32
        %get3A_772 = tpu.memref_slice %arg7[%scan3A_216, %get3A_770, %get3A_771] : memref<2x8x2048xf32, #tpu.memory_space<vmem>> -> memref<1x8x2048xf32, #tpu.memory_space<vmem>>
        %get3A_773 = tpu.memref_squeeze %get3A_772 : memref<1x8x2048xf32, #tpu.memory_space<vmem>> -> memref<8x2048xf32, #tpu.memory_space<vmem>>
        %get3A_774 = arith.index_cast %get3A_769 : i32 to index
        %get3A_775 = arith.index_cast %mul3A_559 : i32 to index
        %get3A_776 = tpu.vector_load %get3A_773[%get3A_774, %get3A_775] {strides = array<i32>} : memref<8x2048xf32, #tpu.memory_space<vmem>>, vector<16xf32>,
        %get3A_777 = arith.constant 7 : i32
        %get3A_778 = arith.constant 0 : i32
        %get3A_779 = arith.constant 0 : i32
        %get3A_780 = tpu.memref_slice %arg8[%scan3A_217, %get3A_778, %get3A_779] : memref<2x8x2048xf32, #tpu.memory_space<vmem>> -> memref<1x8x2048xf32, #tpu.memory_space<vmem>>
        %get3A_781 = tpu.memref_squeeze %get3A_780 : memref<1x8x2048xf32, #tpu.memory_space<vmem>> -> memref<8x2048xf32, #tpu.memory_space<vmem>>
        %get3A_782 = arith.index_cast %get3A_777 : i32 to index
        %get3A_783 = arith.index_cast %mul3A_559 : i32 to index
        %get3A_784 = tpu.vector_load %get3A_781[%get3A_782, %get3A_783] {strides = array<i32>} : memref<8x2048xf32, #tpu.memory_space<vmem>>, vector<16xf32>,
        %ge3A_785 = arith.constant 5.000000e-01 : f32
        %ge3A_786 = vector.broadcast %ge3A_785 : f32 to vector<16xf32>
        %ge3A_787 = arith.cmpf oge, %get3A_784, %ge3A_786 : vector<16xf32>
        %jit3A_788 = arith.constant 0x7F800000 : f32
        %broadcast_in_dim3A_789 = vector.broadcast %jit3A_788 : f32 to vector<16xf32>
        %select_n3A_790 = arith.select %ge3A_787, %get3A_776, %broadcast_in_dim3A_789 : vector<16xi1>, vector<16xf32>
        %jit3A_791 = arith.constant 0xFF800000 : f32
        %broadcast_in_dim3A_792 = vector.broadcast %jit3A_791 : f32 to vector<16xf32>
        %select_n3A_793 = arith.select %ge3A_787, %broadcast_in_dim3A_792, %get3A_776 : vector<16xi1>, vector<16xf32>
        %min3A_794 = arith.minimumf %scan3A_545, %select_n3A_790 : vector<16xf32>
        %max3A_795 = arith.maximumf %scan3A_553, %select_n3A_793 : vector<16xf32>
        %min3A_796 = arith.minimumf %min3A_767, %select_n3A_790 : vector<16xf32>
        %max3A_797 = arith.maximumf %max3A_768, %select_n3A_793 : vector<16xf32>
        %swap3A_798 = arith.index_cast %add3A_563 : i32 to index
        %swap3A_799 = tpu.vector_load %arg9[%swap3A_798] {strides = array<i32>} : memref<4096xf32, #tpu.memory_space<vmem>>, vector<16xf32>,
        tpu.vector_store %arg9[%swap3A_798], %min3A_796 {strides = array<i32>} : memref<4096xf32, #tpu.memory_space<vmem>>, vector<16xf32>,
        %swap3A_800 = arith.index_cast %add3A_563 : i32 to index
        %swap3A_801 = tpu.vector_load %arg10[%swap3A_800] {strides = array<i32>} : memref<4096xf32, #tpu.memory_space<vmem>>, vector<16xf32>,
        tpu.vector_store %arg10[%swap3A_800], %max3A_797 {strides = array<i32>} : memref<4096xf32, #tpu.memory_space<vmem>>, vector<16xf32>,
        %mul3A_802 = arith.constant 4 : i32
        %mul3A_803 = arith.muli %scan3A_537, %mul3A_802 : i32
        %add3A_804 = arith.constant 1 : i32
        %add3A_805 = arith.addi %mul3A_803, %add3A_804 : i32
        %mul3A_806 = arith.constant 16 : i32
        %mul3A_807 = arith.muli %add3A_805, %mul3A_806 : i32
        %mul3A_808 = arith.constant 16 : i32
        %mul3A_809 = arith.muli %add3A_805, %mul3A_808 : i32
        %add3A_810 = arith.constant 0 : i32
        %add3A_811 = arith.addi %add3A_810, %mul3A_809 : i32
        %get3A_812 = arith.index_cast %add3A_811 : i32 to index
        %get3A_813 = tpu.vector_load %arg9[%get3A_812] {strides = array<i32>} : memref<4096xf32, #tpu.memory_space<vmem>>, vector<16xf32>,
        %get3A_814 = arith.index_cast %add3A_811 : i32 to index
        %get3A_815 = tpu.vector_load %arg10[%get3A_814] {strides = array<i32>} : memref<4096xf32, #tpu.memory_space<vmem>>, vector<16xf32>,
        %get3A_816 = arith.constant 0 : i32
        %get3A_817 = arith.constant 0 : i32
        %get3A_818 = arith.constant 0 : i32
        %get3A_819 = tpu.memref_slice %arg7[%scan3A_216, %get3A_817, %get3A_818] : memref<2x8x2048xf32, #tpu.memory_space<vmem>> -> memref<1x8x2048xf32, #tpu.memory_space<vmem>>
        %get3A_820 = tpu.memref_squeeze %get3A_819 : memref<1x8x2048xf32, #tpu.memory_space<vmem>> -> memref<8x2048xf32, #tpu.memory_space<vmem>>
        %get3A_821 = arith.index_cast %get3A_816 : i32 to index
        %get3A_822 = arith.index_cast %mul3A_807 : i32 to index
        %get3A_823 = tpu.vector_load %get3A_820[%get3A_821, %get3A_822] {strides = array<i32>} : memref<8x2048xf32, #tpu.memory_space<vmem>>, vector<16xf32>,
        %get3A_824 = arith.constant 0 : i32
        %get3A_825 = arith.constant 0 : i32
        %get3A_826 = arith.constant 0 : i32
        %get3A_827 = tpu.memref_slice %arg8[%scan3A_217, %get3A_825, %get3A_826] : memref<2x8x2048xf32, #tpu.memory_space<vmem>> -> memref<1x8x2048xf32, #tpu.memory_space<vmem>>
        %get3A_828 = tpu.memref_squeeze %get3A_827 : memref<1x8x2048xf32, #tpu.memory_space<vmem>> -> memref<8x2048xf32, #tpu.memory_space<vmem>>
        %get3A_829 = arith.index_cast %get3A_824 : i32 to index
        %get3A_830 = arith.index_cast %mul3A_807 : i32 to index
        %get3A_831 = tpu.vector_load %get3A_828[%get3A_829, %get3A_830] {strides = array<i32>} : memref<8x2048xf32, #tpu.memory_space<vmem>>, vector<16xf32>,
        %ge3A_832 = arith.constant 5.000000e-01 : f32
        %ge3A_833 = vector.broadcast %ge3A_832 : f32 to vector<16xf32>
        %ge3A_834 = arith.cmpf oge, %get3A_831, %ge3A_833 : vector<16xf32>
        %jit3A_835 = arith.constant 0x7F800000 : f32
        %broadcast_in_dim3A_836 = vector.broadcast %jit3A_835 : f32 to vector<16xf32>
        %select_n3A_837 = arith.select %ge3A_834, %get3A_823, %broadcast_in_dim3A_836 : vector<16xi1>, vector<16xf32>
        %jit3A_838 = arith.constant 0xFF800000 : f32
        %broadcast_in_dim3A_839 = vector.broadcast %jit3A_838 : f32 to vector<16xf32>
        %select_n3A_840 = arith.select %ge3A_834, %broadcast_in_dim3A_839, %get3A_823 : vector<16xi1>, vector<16xf32>
        %min3A_841 = arith.minimumf %min3A_591, %select_n3A_837 : vector<16xf32>
        %max3A_842 = arith.maximumf %max3A_592, %select_n3A_840 : vector<16xf32>
        %min3A_843 = arith.minimumf %get3A_813, %select_n3A_837 : vector<16xf32>
        %max3A_844 = arith.maximumf %get3A_815, %select_n3A_840 : vector<16xf32>
        %get3A_845 = arith.constant 1 : i32
        %get3A_846 = arith.constant 0 : i32
        %get3A_847 = arith.constant 0 : i32
        %get3A_848 = tpu.memref_slice %arg7[%scan3A_216, %get3A_846, %get3A_847] : memref<2x8x2048xf32, #tpu.memory_space<vmem>> -> memref<1x8x2048xf32, #tpu.memory_space<vmem>>
        %get3A_849 = tpu.memref_squeeze %get3A_848 : memref<1x8x2048xf32, #tpu.memory_space<vmem>> -> memref<8x2048xf32, #tpu.memory_space<vmem>>
        %get3A_850 = arith.index_cast %get3A_845 : i32 to index
        %get3A_851 = arith.index_cast %mul3A_807 : i32 to index
        %get3A_852 = tpu.vector_load %get3A_849[%get3A_850, %get3A_851] {strides = array<i32>} : memref<8x2048xf32, #tpu.memory_space<vmem>>, vector<16xf32>,
        %get3A_853 = arith.constant 1 : i32
        %get3A_854 = arith.constant 0 : i32
        %get3A_855 = arith.constant 0 : i32
        %get3A_856 = tpu.memref_slice %arg8[%scan3A_217, %get3A_854, %get3A_855] : memref<2x8x2048xf32, #tpu.memory_space<vmem>> -> memref<1x8x2048xf32, #tpu.memory_space<vmem>>
        %get3A_857 = tpu.memref_squeeze %get3A_856 : memref<1x8x2048xf32, #tpu.memory_space<vmem>> -> memref<8x2048xf32, #tpu.memory_space<vmem>>
        %get3A_858 = arith.index_cast %get3A_853 : i32 to index
        %get3A_859 = arith.index_cast %mul3A_807 : i32 to index
        %get3A_860 = tpu.vector_load %get3A_857[%get3A_858, %get3A_859] {strides = array<i32>} : memref<8x2048xf32, #tpu.memory_space<vmem>>, vector<16xf32>,
        %ge3A_861 = arith.constant 5.000000e-01 : f32
        %ge3A_862 = vector.broadcast %ge3A_861 : f32 to vector<16xf32>
        %ge3A_863 = arith.cmpf oge, %get3A_860, %ge3A_862 : vector<16xf32>
        %jit3A_864 = arith.constant 0x7F800000 : f32
        %broadcast_in_dim3A_865 = vector.broadcast %jit3A_864 : f32 to vector<16xf32>
        %select_n3A_866 = arith.select %ge3A_863, %get3A_852, %broadcast_in_dim3A_865 : vector<16xi1>, vector<16xf32>
        %jit3A_867 = arith.constant 0xFF800000 : f32
        %broadcast_in_dim3A_868 = vector.broadcast %jit3A_867 : f32 to vector<16xf32>
        %select_n3A_869 = arith.select %ge3A_863, %broadcast_in_dim3A_868, %get3A_852 : vector<16xi1>, vector<16xf32>
        %min3A_870 = arith.minimumf %min3A_620, %select_n3A_866 : vector<16xf32>
        %max3A_871 = arith.maximumf %max3A_621, %select_n3A_869 : vector<16xf32>
        %min3A_872 = arith.minimumf %min3A_843, %select_n3A_866 : vector<16xf32>
        %max3A_873 = arith.maximumf %max3A_844, %select_n3A_869 : vector<16xf32>
        %get3A_874 = arith.constant 2 : i32
        %get3A_875 = arith.constant 0 : i32
        %get3A_876 = arith.constant 0 : i32
        %get3A_877 = tpu.memref_slice %arg7[%scan3A_216, %get3A_875, %get3A_876] : memref<2x8x2048xf32, #tpu.memory_space<vmem>> -> memref<1x8x2048xf32, #tpu.memory_space<vmem>>
        %get3A_878 = tpu.memref_squeeze %get3A_877 : memref<1x8x2048xf32, #tpu.memory_space<vmem>> -> memref<8x2048xf32, #tpu.memory_space<vmem>>
        %get3A_879 = arith.index_cast %get3A_874 : i32 to index
        %get3A_880 = arith.index_cast %mul3A_807 : i32 to index
        %get3A_881 = tpu.vector_load %get3A_878[%get3A_879, %get3A_880] {strides = array<i32>} : memref<8x2048xf32, #tpu.memory_space<vmem>>, vector<16xf32>,
        %get3A_882 = arith.constant 2 : i32
        %get3A_883 = arith.constant 0 : i32
        %get3A_884 = arith.constant 0 : i32
        %get3A_885 = tpu.memref_slice %arg8[%scan3A_217, %get3A_883, %get3A_884] : memref<2x8x2048xf32, #tpu.memory_space<vmem>> -> memref<1x8x2048xf32, #tpu.memory_space<vmem>>
        %get3A_886 = tpu.memref_squeeze %get3A_885 : memref<1x8x2048xf32, #tpu.memory_space<vmem>> -> memref<8x2048xf32, #tpu.memory_space<vmem>>
        %get3A_887 = arith.index_cast %get3A_882 : i32 to index
        %get3A_888 = arith.index_cast %mul3A_807 : i32 to index
        %get3A_889 = tpu.vector_load %get3A_886[%get3A_887, %get3A_888] {strides = array<i32>} : memref<8x2048xf32, #tpu.memory_space<vmem>>, vector<16xf32>,
        %ge3A_890 = arith.constant 5.000000e-01 : f32
        %ge3A_891 = vector.broadcast %ge3A_890 : f32 to vector<16xf32>
        %ge3A_892 = arith.cmpf oge, %get3A_889, %ge3A_891 : vector<16xf32>
        %jit3A_893 = arith.constant 0x7F800000 : f32
        %broadcast_in_dim3A_894 = vector.broadcast %jit3A_893 : f32 to vector<16xf32>
        %select_n3A_895 = arith.select %ge3A_892, %get3A_881, %broadcast_in_dim3A_894 : vector<16xi1>, vector<16xf32>
        %jit3A_896 = arith.constant 0xFF800000 : f32
        %broadcast_in_dim3A_897 = vector.broadcast %jit3A_896 : f32 to vector<16xf32>
        %select_n3A_898 = arith.select %ge3A_892, %broadcast_in_dim3A_897, %get3A_881 : vector<16xi1>, vector<16xf32>
        %min3A_899 = arith.minimumf %min3A_649, %select_n3A_895 : vector<16xf32>
        %max3A_900 = arith.maximumf %max3A_650, %select_n3A_898 : vector<16xf32>
        %min3A_901 = arith.minimumf %min3A_872, %select_n3A_895 : vector<16xf32>
        %max3A_902 = arith.maximumf %max3A_873, %select_n3A_898 : vector<16xf32>
        %get3A_903 = arith.constant 3 : i32
        %get3A_904 = arith.constant 0 : i32
        %get3A_905 = arith.constant 0 : i32
        %get3A_906 = tpu.memref_slice %arg7[%scan3A_216, %get3A_904, %get3A_905] : memref<2x8x2048xf32, #tpu.memory_space<vmem>> -> memref<1x8x2048xf32, #tpu.memory_space<vmem>>
        %get3A_907 = tpu.memref_squeeze %get3A_906 : memref<1x8x2048xf32, #tpu.memory_space<vmem>> -> memref<8x2048xf32, #tpu.memory_space<vmem>>
        %get3A_908 = arith.index_cast %get3A_903 : i32 to index
        %get3A_909 = arith.index_cast %mul3A_807 : i32 to index
        %get3A_910 = tpu.vector_load %get3A_907[%get3A_908, %get3A_909] {strides = array<i32>} : memref<8x2048xf32, #tpu.memory_space<vmem>>, vector<16xf32>,
        %get3A_911 = arith.constant 3 : i32
        %get3A_912 = arith.constant 0 : i32
        %get3A_913 = arith.constant 0 : i32
        %get3A_914 = tpu.memref_slice %arg8[%scan3A_217, %get3A_912, %get3A_913] : memref<2x8x2048xf32, #tpu.memory_space<vmem>> -> memref<1x8x2048xf32, #tpu.memory_space<vmem>>
        %get3A_915 = tpu.memref_squeeze %get3A_914 : memref<1x8x2048xf32, #tpu.memory_space<vmem>> -> memref<8x2048xf32, #tpu.memory_space<vmem>>
        %get3A_916 = arith.index_cast %get3A_911 : i32 to index
        %get3A_917 = arith.index_cast %mul3A_807 : i32 to index
        %get3A_918 = tpu.vector_load %get3A_915[%get3A_916, %get3A_917] {strides = array<i32>} : memref<8x2048xf32, #tpu.memory_space<vmem>>, vector<16xf32>,
        %ge3A_919 = arith.constant 5.000000e-01 : f32
        %ge3A_920 = vector.broadcast %ge3A_919 : f32 to vector<16xf32>
        %ge3A_921 = arith.cmpf oge, %get3A_918, %ge3A_920 : vector<16xf32>
        %jit3A_922 = arith.constant 0x7F800000 : f32
        %broadcast_in_dim3A_923 = vector.broadcast %jit3A_922 : f32 to vector<16xf32>
        %select_n3A_924 = arith.select %ge3A_921, %get3A_910, %broadcast_in_dim3A_923 : vector<16xi1>, vector<16xf32>
        %jit3A_925 = arith.constant 0xFF800000 : f32
        %broadcast_in_dim3A_926 = vector.broadcast %jit3A_925 : f32 to vector<16xf32>
        %select_n3A_927 = arith.select %ge3A_921, %broadcast_in_dim3A_926, %get3A_910 : vector<16xi1>, vector<16xf32>
        %min3A_928 = arith.minimumf %min3A_678, %select_n3A_924 : vector<16xf32>
        %max3A_929 = arith.maximumf %max3A_679, %select_n3A_927 : vector<16xf32>
        %min3A_930 = arith.minimumf %min3A_901, %select_n3A_924 : vector<16xf32>
        %max3A_931 = arith.maximumf %max3A_902, %select_n3A_927 : vector<16xf32>
        %get3A_932 = arith.constant 4 : i32
        %get3A_933 = arith.constant 0 : i32
        %get3A_934 = arith.constant 0 : i32
        %get3A_935 = tpu.memref_slice %arg7[%scan3A_216, %get3A_933, %get3A_934] : memref<2x8x2048xf32, #tpu.memory_space<vmem>> -> memref<1x8x2048xf32, #tpu.memory_space<vmem>>
        %get3A_936 = tpu.memref_squeeze %get3A_935 : memref<1x8x2048xf32, #tpu.memory_space<vmem>> -> memref<8x2048xf32, #tpu.memory_space<vmem>>
        %get3A_937 = arith.index_cast %get3A_932 : i32 to index
        %get3A_938 = arith.index_cast %mul3A_807 : i32 to index
        %get3A_939 = tpu.vector_load %get3A_936[%get3A_937, %get3A_938] {strides = array<i32>} : memref<8x2048xf32, #tpu.memory_space<vmem>>, vector<16xf32>,
        %get3A_940 = arith.constant 4 : i32
        %get3A_941 = arith.constant 0 : i32
        %get3A_942 = arith.constant 0 : i32
        %get3A_943 = tpu.memref_slice %arg8[%scan3A_217, %get3A_941, %get3A_942] : memref<2x8x2048xf32, #tpu.memory_space<vmem>> -> memref<1x8x2048xf32, #tpu.memory_space<vmem>>
        %get3A_944 = tpu.memref_squeeze %get3A_943 : memref<1x8x2048xf32, #tpu.memory_space<vmem>> -> memref<8x2048xf32, #tpu.memory_space<vmem>>
        %get3A_945 = arith.index_cast %get3A_940 : i32 to index
        %get3A_946 = arith.index_cast %mul3A_807 : i32 to index
        %get3A_947 = tpu.vector_load %get3A_944[%get3A_945, %get3A_946] {strides = array<i32>} : memref<8x2048xf32, #tpu.memory_space<vmem>>, vector<16xf32>,
        %ge3A_948 = arith.constant 5.000000e-01 : f32
        %ge3A_949 = vector.broadcast %ge3A_948 : f32 to vector<16xf32>
        %ge3A_950 = arith.cmpf oge, %get3A_947, %ge3A_949 : vector<16xf32>
        %jit3A_951 = arith.constant 0x7F800000 : f32
        %broadcast_in_dim3A_952 = vector.broadcast %jit3A_951 : f32 to vector<16xf32>
        %select_n3A_953 = arith.select %ge3A_950, %get3A_939, %broadcast_in_dim3A_952 : vector<16xi1>, vector<16xf32>
        %jit3A_954 = arith.constant 0xFF800000 : f32
        %broadcast_in_dim3A_955 = vector.broadcast %jit3A_954 : f32 to vector<16xf32>
        %select_n3A_956 = arith.select %ge3A_950, %broadcast_in_dim3A_955, %get3A_939 : vector<16xi1>, vector<16xf32>
        %min3A_957 = arith.minimumf %min3A_707, %select_n3A_953 : vector<16xf32>
        %max3A_958 = arith.maximumf %max3A_708, %select_n3A_956 : vector<16xf32>
        %min3A_959 = arith.minimumf %min3A_930, %select_n3A_953 : vector<16xf32>
        %max3A_960 = arith.maximumf %max3A_931, %select_n3A_956 : vector<16xf32>
        %get3A_961 = arith.constant 5 : i32
        %get3A_962 = arith.constant 0 : i32
        %get3A_963 = arith.constant 0 : i32
        %get3A_964 = tpu.memref_slice %arg7[%scan3A_216, %get3A_962, %get3A_963] : memref<2x8x2048xf32, #tpu.memory_space<vmem>> -> memref<1x8x2048xf32, #tpu.memory_space<vmem>>
        %get3A_965 = tpu.memref_squeeze %get3A_964 : memref<1x8x2048xf32, #tpu.memory_space<vmem>> -> memref<8x2048xf32, #tpu.memory_space<vmem>>
        %get3A_966 = arith.index_cast %get3A_961 : i32 to index
        %get3A_967 = arith.index_cast %mul3A_807 : i32 to index
        %get3A_968 = tpu.vector_load %get3A_965[%get3A_966, %get3A_967] {strides = array<i32>} : memref<8x2048xf32, #tpu.memory_space<vmem>>, vector<16xf32>,
        %get3A_969 = arith.constant 5 : i32
        %get3A_970 = arith.constant 0 : i32
        %get3A_971 = arith.constant 0 : i32
        %get3A_972 = tpu.memref_slice %arg8[%scan3A_217, %get3A_970, %get3A_971] : memref<2x8x2048xf32, #tpu.memory_space<vmem>> -> memref<1x8x2048xf32, #tpu.memory_space<vmem>>
        %get3A_973 = tpu.memref_squeeze %get3A_972 : memref<1x8x2048xf32, #tpu.memory_space<vmem>> -> memref<8x2048xf32, #tpu.memory_space<vmem>>
        %get3A_974 = arith.index_cast %get3A_969 : i32 to index
        %get3A_975 = arith.index_cast %mul3A_807 : i32 to index
        %get3A_976 = tpu.vector_load %get3A_973[%get3A_974, %get3A_975] {strides = array<i32>} : memref<8x2048xf32, #tpu.memory_space<vmem>>, vector<16xf32>,
        %ge3A_977 = arith.constant 5.000000e-01 : f32
        %ge3A_978 = vector.broadcast %ge3A_977 : f32 to vector<16xf32>
        %ge3A_979 = arith.cmpf oge, %get3A_976, %ge3A_978 : vector<16xf32>
        %jit3A_980 = arith.constant 0x7F800000 : f32
        %broadcast_in_dim3A_981 = vector.broadcast %jit3A_980 : f32 to vector<16xf32>
        %select_n3A_982 = arith.select %ge3A_979, %get3A_968, %broadcast_in_dim3A_981 : vector<16xi1>, vector<16xf32>
        %jit3A_983 = arith.constant 0xFF800000 : f32
        %broadcast_in_dim3A_984 = vector.broadcast %jit3A_983 : f32 to vector<16xf32>
        %select_n3A_985 = arith.select %ge3A_979, %broadcast_in_dim3A_984, %get3A_968 : vector<16xi1>, vector<16xf32>
        %min3A_986 = arith.minimumf %min3A_736, %select_n3A_982 : vector<16xf32>
        %max3A_987 = arith.maximumf %max3A_737, %select_n3A_985 : vector<16xf32>
        %min3A_988 = arith.minimumf %min3A_959, %select_n3A_982 : vector<16xf32>
        %max3A_989 = arith.maximumf %max3A_960, %select_n3A_985 : vector<16xf32>
        %get3A_990 = arith.constant 6 : i32
        %get3A_991 = arith.constant 0 : i32
        %get3A_992 = arith.constant 0 : i32
        %get3A_993 = tpu.memref_slice %arg7[%scan3A_216, %get3A_991, %get3A_992] : memref<2x8x2048xf32, #tpu.memory_space<vmem>> -> memref<1x8x2048xf32, #tpu.memory_space<vmem>>
        %get3A_994 = tpu.memref_squeeze %get3A_993 : memref<1x8x2048xf32, #tpu.memory_space<vmem>> -> memref<8x2048xf32, #tpu.memory_space<vmem>>
        %get3A_995 = arith.index_cast %get3A_990 : i32 to index
        %get3A_996 = arith.index_cast %mul3A_807 : i32 to index
        %get3A_997 = tpu.vector_load %get3A_994[%get3A_995, %get3A_996] {strides = array<i32>} : memref<8x2048xf32, #tpu.memory_space<vmem>>, vector<16xf32>,
        %get3A_998 = arith.constant 6 : i32
        %get3A_999 = arith.constant 0 : i32
        %get3A_1000 = arith.constant 0 : i32
        %get3A_1001 = tpu.memref_slice %arg8[%scan3A_217, %get3A_999, %get3A_1000] : memref<2x8x2048xf32, #tpu.memory_space<vmem>> -> memref<1x8x2048xf32, #tpu.memory_space<vmem>>
        %get3A_1002 = tpu.memref_squeeze %get3A_1001 : memref<1x8x2048xf32, #tpu.memory_space<vmem>> -> memref<8x2048xf32, #tpu.memory_space<vmem>>
        %get3A_1003 = arith.index_cast %get3A_998 : i32 to index
        %get3A_1004 = arith.index_cast %mul3A_807 : i32 to index
        %get3A_1005 = tpu.vector_load %get3A_1002[%get3A_1003, %get3A_1004] {strides = array<i32>} : memref<8x2048xf32, #tpu.memory_space<vmem>>, vector<16xf32>,
        %ge3A_1006 = arith.constant 5.000000e-01 : f32
        %ge3A_1007 = vector.broadcast %ge3A_1006 : f32 to vector<16xf32>
        %ge3A_1008 = arith.cmpf oge, %get3A_1005, %ge3A_1007 : vector<16xf32>
        %jit3A_1009 = arith.constant 0x7F800000 : f32
        %broadcast_in_dim3A_1010 = vector.broadcast %jit3A_1009 : f32 to vector<16xf32>
        %select_n3A_1011 = arith.select %ge3A_1008, %get3A_997, %broadcast_in_dim3A_1010 : vector<16xi1>, vector<16xf32>
        %jit3A_1012 = arith.constant 0xFF800000 : f32
        %broadcast_in_dim3A_1013 = vector.broadcast %jit3A_1012 : f32 to vector<16xf32>
        %select_n3A_1014 = arith.select %ge3A_1008, %broadcast_in_dim3A_1013, %get3A_997 : vector<16xi1>, vector<16xf32>
        %min3A_1015 = arith.minimumf %min3A_765, %select_n3A_1011 : vector<16xf32>
        %max3A_1016 = arith.maximumf %max3A_766, %select_n3A_1014 : vector<16xf32>
        %min3A_1017 = arith.minimumf %min3A_988, %select_n3A_1011 : vector<16xf32>
        %max3A_1018 = arith.maximumf %max3A_989, %select_n3A_1014 : vector<16xf32>
        %get3A_1019 = arith.constant 7 : i32
        %get3A_1020 = arith.constant 0 : i32
        %get3A_1021 = arith.constant 0 : i32
        %get3A_1022 = tpu.memref_slice %arg7[%scan3A_216, %get3A_1020, %get3A_1021] : memref<2x8x2048xf32, #tpu.memory_space<vmem>> -> memref<1x8x2048xf32, #tpu.memory_space<vmem>>
        %get3A_1023 = tpu.memref_squeeze %get3A_1022 : memref<1x8x2048xf32, #tpu.memory_space<vmem>> -> memref<8x2048xf32, #tpu.memory_space<vmem>>
        %get3A_1024 = arith.index_cast %get3A_1019 : i32 to index
        %get3A_1025 = arith.index_cast %mul3A_807 : i32 to index
        %get3A_1026 = tpu.vector_load %get3A_1023[%get3A_1024, %get3A_1025] {strides = array<i32>} : memref<8x2048xf32, #tpu.memory_space<vmem>>, vector<16xf32>,
        %get3A_1027 = arith.constant 7 : i32
        %get3A_1028 = arith.constant 0 : i32
        %get3A_1029 = arith.constant 0 : i32
        %get3A_1030 = tpu.memref_slice %arg8[%scan3A_217, %get3A_1028, %get3A_1029] : memref<2x8x2048xf32, #tpu.memory_space<vmem>> -> memref<1x8x2048xf32, #tpu.memory_space<vmem>>
        %get3A_1031 = tpu.memref_squeeze %get3A_1030 : memref<1x8x2048xf32, #tpu.memory_space<vmem>> -> memref<8x2048xf32, #tpu.memory_space<vmem>>
        %get3A_1032 = arith.index_cast %get3A_1027 : i32 to index
        %get3A_1033 = arith.index_cast %mul3A_807 : i32 to index
        %get3A_1034 = tpu.vector_load %get3A_1031[%get3A_1032, %get3A_1033] {strides = array<i32>} : memref<8x2048xf32, #tpu.memory_space<vmem>>, vector<16xf32>,
        %ge3A_1035 = arith.constant 5.000000e-01 : f32
        %ge3A_1036 = vector.broadcast %ge3A_1035 : f32 to vector<16xf32>
        %ge3A_1037 = arith.cmpf oge, %get3A_1034, %ge3A_1036 : vector<16xf32>
        %jit3A_1038 = arith.constant 0x7F800000 : f32
        %broadcast_in_dim3A_1039 = vector.broadcast %jit3A_1038 : f32 to vector<16xf32>
        %select_n3A_1040 = arith.select %ge3A_1037, %get3A_1026, %broadcast_in_dim3A_1039 : vector<16xi1>, vector<16xf32>
        %jit3A_1041 = arith.constant 0xFF800000 : f32
        %broadcast_in_dim3A_1042 = vector.broadcast %jit3A_1041 : f32 to vector<16xf32>
        %select_n3A_1043 = arith.select %ge3A_1037, %broadcast_in_dim3A_1042, %get3A_1026 : vector<16xi1>, vector<16xf32>
        %min3A_1044 = arith.minimumf %min3A_794, %select_n3A_1040 : vector<16xf32>
        %max3A_1045 = arith.maximumf %max3A_795, %select_n3A_1043 : vector<16xf32>
        %min3A_1046 = arith.minimumf %min3A_1017, %select_n3A_1040 : vector<16xf32>
        %max3A_1047 = arith.maximumf %max3A_1018, %select_n3A_1043 : vector<16xf32>
        %swap3A_1048 = arith.index_cast %add3A_811 : i32 to index
        %swap3A_1049 = tpu.vector_load %arg9[%swap3A_1048] {strides = array<i32>} : memref<4096xf32, #tpu.memory_space<vmem>>, vector<16xf32>,
        tpu.vector_store %arg9[%swap3A_1048], %min3A_1046 {strides = array<i32>} : memref<4096xf32, #tpu.memory_space<vmem>>, vector<16xf32>,
        %swap3A_1050 = arith.index_cast %add3A_811 : i32 to index
        %swap3A_1051 = tpu.vector_load %arg10[%swap3A_1050] {strides = array<i32>} : memref<4096xf32, #tpu.memory_space<vmem>>, vector<16xf32>,
        tpu.vector_store %arg10[%swap3A_1050], %max3A_1047 {strides = array<i32>} : memref<4096xf32, #tpu.memory_space<vmem>>, vector<16xf32>,
        %mul3A_1052 = arith.constant 4 : i32
        %mul3A_1053 = arith.muli %scan3A_537, %mul3A_1052 : i32
        %add3A_1054 = arith.constant 2 : i32
        %add3A_1055 = arith.addi %mul3A_1053, %add3A_1054 : i32
        %mul3A_1056 = arith.constant 16 : i32
        %mul3A_1057 = arith.muli %add3A_1055, %mul3A_1056 : i32
        %mul3A_1058 = arith.constant 16 : i32
        %mul3A_1059 = arith.muli %add3A_1055, %mul3A_1058 : i32
        %add3A_1060 = arith.constant 0 : i32
        %add3A_1061 = arith.addi %add3A_1060, %mul3A_1059 : i32
        %get3A_1062 = arith.index_cast %add3A_1061 : i32 to index
        %get3A_1063 = tpu.vector_load %arg9[%get3A_1062] {strides = array<i32>} : memref<4096xf32, #tpu.memory_space<vmem>>, vector<16xf32>,
        %get3A_1064 = arith.index_cast %add3A_1061 : i32 to index
        %get3A_1065 = tpu.vector_load %arg10[%get3A_1064] {strides = array<i32>} : memref<4096xf32, #tpu.memory_space<vmem>>, vector<16xf32>,
        %get3A_1066 = arith.constant 0 : i32
        %get3A_1067 = arith.constant 0 : i32
        %get3A_1068 = arith.constant 0 : i32
        %get3A_1069 = tpu.memref_slice %arg7[%scan3A_216, %get3A_1067, %get3A_1068] : memref<2x8x2048xf32, #tpu.memory_space<vmem>> -> memref<1x8x2048xf32, #tpu.memory_space<vmem>>
        %get3A_1070 = tpu.memref_squeeze %get3A_1069 : memref<1x8x2048xf32, #tpu.memory_space<vmem>> -> memref<8x2048xf32, #tpu.memory_space<vmem>>
        %get3A_1071 = arith.index_cast %get3A_1066 : i32 to index
        %get3A_1072 = arith.index_cast %mul3A_1057 : i32 to index
        %get3A_1073 = tpu.vector_load %get3A_1070[%get3A_1071, %get3A_1072] {strides = array<i32>} : memref<8x2048xf32, #tpu.memory_space<vmem>>, vector<16xf32>,
        %get3A_1074 = arith.constant 0 : i32
        %get3A_1075 = arith.constant 0 : i32
        %get3A_1076 = arith.constant 0 : i32
        %get3A_1077 = tpu.memref_slice %arg8[%scan3A_217, %get3A_1075, %get3A_1076] : memref<2x8x2048xf32, #tpu.memory_space<vmem>> -> memref<1x8x2048xf32, #tpu.memory_space<vmem>>
        %get3A_1078 = tpu.memref_squeeze %get3A_1077 : memref<1x8x2048xf32, #tpu.memory_space<vmem>> -> memref<8x2048xf32, #tpu.memory_space<vmem>>
        %get3A_1079 = arith.index_cast %get3A_1074 : i32 to index
        %get3A_1080 = arith.index_cast %mul3A_1057 : i32 to index
        %get3A_1081 = tpu.vector_load %get3A_1078[%get3A_1079, %get3A_1080] {strides = array<i32>} : memref<8x2048xf32, #tpu.memory_space<vmem>>, vector<16xf32>,
        %ge3A_1082 = arith.constant 5.000000e-01 : f32
        %ge3A_1083 = vector.broadcast %ge3A_1082 : f32 to vector<16xf32>
        %ge3A_1084 = arith.cmpf oge, %get3A_1081, %ge3A_1083 : vector<16xf32>
        %jit3A_1085 = arith.constant 0x7F800000 : f32
        %broadcast_in_dim3A_1086 = vector.broadcast %jit3A_1085 : f32 to vector<16xf32>
        %select_n3A_1087 = arith.select %ge3A_1084, %get3A_1073, %broadcast_in_dim3A_1086 : vector<16xi1>, vector<16xf32>
        %jit3A_1088 = arith.constant 0xFF800000 : f32
        %broadcast_in_dim3A_1089 = vector.broadcast %jit3A_1088 : f32 to vector<16xf32>
        %select_n3A_1090 = arith.select %ge3A_1084, %broadcast_in_dim3A_1089, %get3A_1073 : vector<16xi1>, vector<16xf32>
        %min3A_1091 = arith.minimumf %min3A_841, %select_n3A_1087 : vector<16xf32>
        %max3A_1092 = arith.maximumf %max3A_842, %select_n3A_1090 : vector<16xf32>
        %min3A_1093 = arith.minimumf %get3A_1063, %select_n3A_1087 : vector<16xf32>
        %max3A_1094 = arith.maximumf %get3A_1065, %select_n3A_1090 : vector<16xf32>
        %get3A_1095 = arith.constant 1 : i32
        %get3A_1096 = arith.constant 0 : i32
        %get3A_1097 = arith.constant 0 : i32
        %get3A_1098 = tpu.memref_slice %arg7[%scan3A_216, %get3A_1096, %get3A_1097] : memref<2x8x2048xf32, #tpu.memory_space<vmem>> -> memref<1x8x2048xf32, #tpu.memory_space<vmem>>
        %get3A_1099 = tpu.memref_squeeze %get3A_1098 : memref<1x8x2048xf32, #tpu.memory_space<vmem>> -> memref<8x2048xf32, #tpu.memory_space<vmem>>
        %get3A_1100 = arith.index_cast %get3A_1095 : i32 to index
        %get3A_1101 = arith.index_cast %mul3A_1057 : i32 to index
        %get3A_1102 = tpu.vector_load %get3A_1099[%get3A_1100, %get3A_1101] {strides = array<i32>} : memref<8x2048xf32, #tpu.memory_space<vmem>>, vector<16xf32>,
        %get3A_1103 = arith.constant 1 : i32
        %get3A_1104 = arith.constant 0 : i32
        %get3A_1105 = arith.constant 0 : i32
        %get3A_1106 = tpu.memref_slice %arg8[%scan3A_217, %get3A_1104, %get3A_1105] : memref<2x8x2048xf32, #tpu.memory_space<vmem>> -> memref<1x8x2048xf32, #tpu.memory_space<vmem>>
        %get3A_1107 = tpu.memref_squeeze %get3A_1106 : memref<1x8x2048xf32, #tpu.memory_space<vmem>> -> memref<8x2048xf32, #tpu.memory_space<vmem>>
        %get3A_1108 = arith.index_cast %get3A_1103 : i32 to index
        %get3A_1109 = arith.index_cast %mul3A_1057 : i32 to index
        %get3A_1110 = tpu.vector_load %get3A_1107[%get3A_1108, %get3A_1109] {strides = array<i32>} : memref<8x2048xf32, #tpu.memory_space<vmem>>, vector<16xf32>,
        %ge3A_1111 = arith.constant 5.000000e-01 : f32
        %ge3A_1112 = vector.broadcast %ge3A_1111 : f32 to vector<16xf32>
        %ge3A_1113 = arith.cmpf oge, %get3A_1110, %ge3A_1112 : vector<16xf32>
        %jit3A_1114 = arith.constant 0x7F800000 : f32
        %broadcast_in_dim3A_1115 = vector.broadcast %jit3A_1114 : f32 to vector<16xf32>
        %select_n3A_1116 = arith.select %ge3A_1113, %get3A_1102, %broadcast_in_dim3A_1115 : vector<16xi1>, vector<16xf32>
        %jit3A_1117 = arith.constant 0xFF800000 : f32
        %broadcast_in_dim3A_1118 = vector.broadcast %jit3A_1117 : f32 to vector<16xf32>
        %select_n3A_1119 = arith.select %ge3A_1113, %broadcast_in_dim3A_1118, %get3A_1102 : vector<16xi1>, vector<16xf32>
        %min3A_1120 = arith.minimumf %min3A_870, %select_n3A_1116 : vector<16xf32>
        %max3A_1121 = arith.maximumf %max3A_871, %select_n3A_1119 : vector<16xf32>
        %min3A_1122 = arith.minimumf %min3A_1093, %select_n3A_1116 : vector<16xf32>
        %max3A_1123 = arith.maximumf %max3A_1094, %select_n3A_1119 : vector<16xf32>
        %get3A_1124 = arith.constant 2 : i32
        %get3A_1125 = arith.constant 0 : i32
        %get3A_1126 = arith.constant 0 : i32
        %get3A_1127 = tpu.memref_slice %arg7[%scan3A_216, %get3A_1125, %get3A_1126] : memref<2x8x2048xf32, #tpu.memory_space<vmem>> -> memref<1x8x2048xf32, #tpu.memory_space<vmem>>
        %get3A_1128 = tpu.memref_squeeze %get3A_1127 : memref<1x8x2048xf32, #tpu.memory_space<vmem>> -> memref<8x2048xf32, #tpu.memory_space<vmem>>
        %get3A_1129 = arith.index_cast %get3A_1124 : i32 to index
        %get3A_1130 = arith.index_cast %mul3A_1057 : i32 to index
        %get3A_1131 = tpu.vector_load %get3A_1128[%get3A_1129, %get3A_1130] {strides = array<i32>} : memref<8x2048xf32, #tpu.memory_space<vmem>>, vector<16xf32>,
        %get3A_1132 = arith.constant 2 : i32
        %get3A_1133 = arith.constant 0 : i32
        %get3A_1134 = arith.constant 0 : i32
        %get3A_1135 = tpu.memref_slice %arg8[%scan3A_217, %get3A_1133, %get3A_1134] : memref<2x8x2048xf32, #tpu.memory_space<vmem>> -> memref<1x8x2048xf32, #tpu.memory_space<vmem>>
        %get3A_1136 = tpu.memref_squeeze %get3A_1135 : memref<1x8x2048xf32, #tpu.memory_space<vmem>> -> memref<8x2048xf32, #tpu.memory_space<vmem>>
        %get3A_1137 = arith.index_cast %get3A_1132 : i32 to index
        %get3A_1138 = arith.index_cast %mul3A_1057 : i32 to index
        %get3A_1139 = tpu.vector_load %get3A_1136[%get3A_1137, %get3A_1138] {strides = array<i32>} : memref<8x2048xf32, #tpu.memory_space<vmem>>, vector<16xf32>,
        %ge3A_1140 = arith.constant 5.000000e-01 : f32
        %ge3A_1141 = vector.broadcast %ge3A_1140 : f32 to vector<16xf32>
        %ge3A_1142 = arith.cmpf oge, %get3A_1139, %ge3A_1141 : vector<16xf32>
        %jit3A_1143 = arith.constant 0x7F800000 : f32
        %broadcast_in_dim3A_1144 = vector.broadcast %jit3A_1143 : f32 to vector<16xf32>
        %select_n3A_1145 = arith.select %ge3A_1142, %get3A_1131, %broadcast_in_dim3A_1144 : vector<16xi1>, vector<16xf32>
        %jit3A_1146 = arith.constant 0xFF800000 : f32
        %broadcast_in_dim3A_1147 = vector.broadcast %jit3A_1146 : f32 to vector<16xf32>
        %select_n3A_1148 = arith.select %ge3A_1142, %broadcast_in_dim3A_1147, %get3A_1131 : vector<16xi1>, vector<16xf32>
        %min3A_1149 = arith.minimumf %min3A_899, %select_n3A_1145 : vector<16xf32>
        %max3A_1150 = arith.maximumf %max3A_900, %select_n3A_1148 : vector<16xf32>
        %min3A_1151 = arith.minimumf %min3A_1122, %select_n3A_1145 : vector<16xf32>
        %max3A_1152 = arith.maximumf %max3A_1123, %select_n3A_1148 : vector<16xf32>
        %get3A_1153 = arith.constant 3 : i32
        %get3A_1154 = arith.constant 0 : i32
        %get3A_1155 = arith.constant 0 : i32
        %get3A_1156 = tpu.memref_slice %arg7[%scan3A_216, %get3A_1154, %get3A_1155] : memref<2x8x2048xf32, #tpu.memory_space<vmem>> -> memref<1x8x2048xf32, #tpu.memory_space<vmem>>
        %get3A_1157 = tpu.memref_squeeze %get3A_1156 : memref<1x8x2048xf32, #tpu.memory_space<vmem>> -> memref<8x2048xf32, #tpu.memory_space<vmem>>
        %get3A_1158 = arith.index_cast %get3A_1153 : i32 to index
        %get3A_1159 = arith.index_cast %mul3A_1057 : i32 to index
        %get3A_1160 = tpu.vector_load %get3A_1157[%get3A_1158, %get3A_1159] {strides = array<i32>} : memref<8x2048xf32, #tpu.memory_space<vmem>>, vector<16xf32>,
        %get3A_1161 = arith.constant 3 : i32
        %get3A_1162 = arith.constant 0 : i32
        %get3A_1163 = arith.constant 0 : i32
        %get3A_1164 = tpu.memref_slice %arg8[%scan3A_217, %get3A_1162, %get3A_1163] : memref<2x8x2048xf32, #tpu.memory_space<vmem>> -> memref<1x8x2048xf32, #tpu.memory_space<vmem>>
        %get3A_1165 = tpu.memref_squeeze %get3A_1164 : memref<1x8x2048xf32, #tpu.memory_space<vmem>> -> memref<8x2048xf32, #tpu.memory_space<vmem>>
        %get3A_1166 = arith.index_cast %get3A_1161 : i32 to index
        %get3A_1167 = arith.index_cast %mul3A_1057 : i32 to index
        %get3A_1168 = tpu.vector_load %get3A_1165[%get3A_1166, %get3A_1167] {strides = array<i32>} : memref<8x2048xf32, #tpu.memory_space<vmem>>, vector<16xf32>,
        %ge3A_1169 = arith.constant 5.000000e-01 : f32
        %ge3A_1170 = vector.broadcast %ge3A_1169 : f32 to vector<16xf32>
        %ge3A_1171 = arith.cmpf oge, %get3A_1168, %ge3A_1170 : vector<16xf32>
        %jit3A_1172 = arith.constant 0x7F800000 : f32
        %broadcast_in_dim3A_1173 = vector.broadcast %jit3A_1172 : f32 to vector<16xf32>
        %select_n3A_1174 = arith.select %ge3A_1171, %get3A_1160, %broadcast_in_dim3A_1173 : vector<16xi1>, vector<16xf32>
        %jit3A_1175 = arith.constant 0xFF800000 : f32
        %broadcast_in_dim3A_1176 = vector.broadcast %jit3A_1175 : f32 to vector<16xf32>
        %select_n3A_1177 = arith.select %ge3A_1171, %broadcast_in_dim3A_1176, %get3A_1160 : vector<16xi1>, vector<16xf32>
        %min3A_1178 = arith.minimumf %min3A_928, %select_n3A_1174 : vector<16xf32>
        %max3A_1179 = arith.maximumf %max3A_929, %select_n3A_1177 : vector<16xf32>
        %min3A_1180 = arith.minimumf %min3A_1151, %select_n3A_1174 : vector<16xf32>
        %max3A_1181 = arith.maximumf %max3A_1152, %select_n3A_1177 : vector<16xf32>
        %get3A_1182 = arith.constant 4 : i32
        %get3A_1183 = arith.constant 0 : i32
        %get3A_1184 = arith.constant 0 : i32
        %get3A_1185 = tpu.memref_slice %arg7[%scan3A_216, %get3A_1183, %get3A_1184] : memref<2x8x2048xf32, #tpu.memory_space<vmem>> -> memref<1x8x2048xf32, #tpu.memory_space<vmem>>
        %get3A_1186 = tpu.memref_squeeze %get3A_1185 : memref<1x8x2048xf32, #tpu.memory_space<vmem>> -> memref<8x2048xf32, #tpu.memory_space<vmem>>
        %get3A_1187 = arith.index_cast %get3A_1182 : i32 to index
        %get3A_1188 = arith.index_cast %mul3A_1057 : i32 to index
        %get3A_1189 = tpu.vector_load %get3A_1186[%get3A_1187, %get3A_1188] {strides = array<i32>} : memref<8x2048xf32, #tpu.memory_space<vmem>>, vector<16xf32>,
        %get3A_1190 = arith.constant 4 : i32
        %get3A_1191 = arith.constant 0 : i32
        %get3A_1192 = arith.constant 0 : i32
        %get3A_1193 = tpu.memref_slice %arg8[%scan3A_217, %get3A_1191, %get3A_1192] : memref<2x8x2048xf32, #tpu.memory_space<vmem>> -> memref<1x8x2048xf32, #tpu.memory_space<vmem>>
        %get3A_1194 = tpu.memref_squeeze %get3A_1193 : memref<1x8x2048xf32, #tpu.memory_space<vmem>> -> memref<8x2048xf32, #tpu.memory_space<vmem>>
        %get3A_1195 = arith.index_cast %get3A_1190 : i32 to index
        %get3A_1196 = arith.index_cast %mul3A_1057 : i32 to index
        %get3A_1197 = tpu.vector_load %get3A_1194[%get3A_1195, %get3A_1196] {strides = array<i32>} : memref<8x2048xf32, #tpu.memory_space<vmem>>, vector<16xf32>,
        %ge3A_1198 = arith.constant 5.000000e-01 : f32
        %ge3A_1199 = vector.broadcast %ge3A_1198 : f32 to vector<16xf32>
        %ge3A_1200 = arith.cmpf oge, %get3A_1197, %ge3A_1199 : vector<16xf32>
        %jit3A_1201 = arith.constant 0x7F800000 : f32
        %broadcast_in_dim3A_1202 = vector.broadcast %jit3A_1201 : f32 to vector<16xf32>
        %select_n3A_1203 = arith.select %ge3A_1200, %get3A_1189, %broadcast_in_dim3A_1202 : vector<16xi1>, vector<16xf32>
        %jit3A_1204 = arith.constant 0xFF800000 : f32
        %broadcast_in_dim3A_1205 = vector.broadcast %jit3A_1204 : f32 to vector<16xf32>
        %select_n3A_1206 = arith.select %ge3A_1200, %broadcast_in_dim3A_1205, %get3A_1189 : vector<16xi1>, vector<16xf32>
        %min3A_1207 = arith.minimumf %min3A_957, %select_n3A_1203 : vector<16xf32>
        %max3A_1208 = arith.maximumf %max3A_958, %select_n3A_1206 : vector<16xf32>
        %min3A_1209 = arith.minimumf %min3A_1180, %select_n3A_1203 : vector<16xf32>
        %max3A_1210 = arith.maximumf %max3A_1181, %select_n3A_1206 : vector<16xf32>
        %get3A_1211 = arith.constant 5 : i32
        %get3A_1212 = arith.constant 0 : i32
        %get3A_1213 = arith.constant 0 : i32
        %get3A_1214 = tpu.memref_slice %arg7[%scan3A_216, %get3A_1212, %get3A_1213] : memref<2x8x2048xf32, #tpu.memory_space<vmem>> -> memref<1x8x2048xf32, #tpu.memory_space<vmem>>
        %get3A_1215 = tpu.memref_squeeze %get3A_1214 : memref<1x8x2048xf32, #tpu.memory_space<vmem>> -> memref<8x2048xf32, #tpu.memory_space<vmem>>
        %get3A_1216 = arith.index_cast %get3A_1211 : i32 to index
        %get3A_1217 = arith.index_cast %mul3A_1057 : i32 to index
        %get3A_1218 = tpu.vector_load %get3A_1215[%get3A_1216, %get3A_1217] {strides = array<i32>} : memref<8x2048xf32, #tpu.memory_space<vmem>>, vector<16xf32>,
        %get3A_1219 = arith.constant 5 : i32
        %get3A_1220 = arith.constant 0 : i32
        %get3A_1221 = arith.constant 0 : i32
        %get3A_1222 = tpu.memref_slice %arg8[%scan3A_217, %get3A_1220, %get3A_1221] : memref<2x8x2048xf32, #tpu.memory_space<vmem>> -> memref<1x8x2048xf32, #tpu.memory_space<vmem>>
        %get3A_1223 = tpu.memref_squeeze %get3A_1222 : memref<1x8x2048xf32, #tpu.memory_space<vmem>> -> memref<8x2048xf32, #tpu.memory_space<vmem>>
        %get3A_1224 = arith.index_cast %get3A_1219 : i32 to index
        %get3A_1225 = arith.index_cast %mul3A_1057 : i32 to index
        %get3A_1226 = tpu.vector_load %get3A_1223[%get3A_1224, %get3A_1225] {strides = array<i32>} : memref<8x2048xf32, #tpu.memory_space<vmem>>, vector<16xf32>,
        %ge3A_1227 = arith.constant 5.000000e-01 : f32
        %ge3A_1228 = vector.broadcast %ge3A_1227 : f32 to vector<16xf32>
        %ge3A_1229 = arith.cmpf oge, %get3A_1226, %ge3A_1228 : vector<16xf32>
        %jit3A_1230 = arith.constant 0x7F800000 : f32
        %broadcast_in_dim3A_1231 = vector.broadcast %jit3A_1230 : f32 to vector<16xf32>
        %select_n3A_1232 = arith.select %ge3A_1229, %get3A_1218, %broadcast_in_dim3A_1231 : vector<16xi1>, vector<16xf32>
        %jit3A_1233 = arith.constant 0xFF800000 : f32
        %broadcast_in_dim3A_1234 = vector.broadcast %jit3A_1233 : f32 to vector<16xf32>
        %select_n3A_1235 = arith.select %ge3A_1229, %broadcast_in_dim3A_1234, %get3A_1218 : vector<16xi1>, vector<16xf32>
        %min3A_1236 = arith.minimumf %min3A_986, %select_n3A_1232 : vector<16xf32>
        %max3A_1237 = arith.maximumf %max3A_987, %select_n3A_1235 : vector<16xf32>
        %min3A_1238 = arith.minimumf %min3A_1209, %select_n3A_1232 : vector<16xf32>
        %max3A_1239 = arith.maximumf %max3A_1210, %select_n3A_1235 : vector<16xf32>
        %get3A_1240 = arith.constant 6 : i32
        %get3A_1241 = arith.constant 0 : i32
        %get3A_1242 = arith.constant 0 : i32
        %get3A_1243 = tpu.memref_slice %arg7[%scan3A_216, %get3A_1241, %get3A_1242] : memref<2x8x2048xf32, #tpu.memory_space<vmem>> -> memref<1x8x2048xf32, #tpu.memory_space<vmem>>
        %get3A_1244 = tpu.memref_squeeze %get3A_1243 : memref<1x8x2048xf32, #tpu.memory_space<vmem>> -> memref<8x2048xf32, #tpu.memory_space<vmem>>
        %get3A_1245 = arith.index_cast %get3A_1240 : i32 to index
        %get3A_1246 = arith.index_cast %mul3A_1057 : i32 to index
        %get3A_1247 = tpu.vector_load %get3A_1244[%get3A_1245, %get3A_1246] {strides = array<i32>} : memref<8x2048xf32, #tpu.memory_space<vmem>>, vector<16xf32>,
        %get3A_1248 = arith.constant 6 : i32
        %get3A_1249 = arith.constant 0 : i32
        %get3A_1250 = arith.constant 0 : i32
        %get3A_1251 = tpu.memref_slice %arg8[%scan3A_217, %get3A_1249, %get3A_1250] : memref<2x8x2048xf32, #tpu.memory_space<vmem>> -> memref<1x8x2048xf32, #tpu.memory_space<vmem>>
        %get3A_1252 = tpu.memref_squeeze %get3A_1251 : memref<1x8x2048xf32, #tpu.memory_space<vmem>> -> memref<8x2048xf32, #tpu.memory_space<vmem>>
        %get3A_1253 = arith.index_cast %get3A_1248 : i32 to index
        %get3A_1254 = arith.index_cast %mul3A_1057 : i32 to index
        %get3A_1255 = tpu.vector_load %get3A_1252[%get3A_1253, %get3A_1254] {strides = array<i32>} : memref<8x2048xf32, #tpu.memory_space<vmem>>, vector<16xf32>,
        %ge3A_1256 = arith.constant 5.000000e-01 : f32
        %ge3A_1257 = vector.broadcast %ge3A_1256 : f32 to vector<16xf32>
        %ge3A_1258 = arith.cmpf oge, %get3A_1255, %ge3A_1257 : vector<16xf32>
        %jit3A_1259 = arith.constant 0x7F800000 : f32
        %broadcast_in_dim3A_1260 = vector.broadcast %jit3A_1259 : f32 to vector<16xf32>
        %select_n3A_1261 = arith.select %ge3A_1258, %get3A_1247, %broadcast_in_dim3A_1260 : vector<16xi1>, vector<16xf32>
        %jit3A_1262 = arith.constant 0xFF800000 : f32
        %broadcast_in_dim3A_1263 = vector.broadcast %jit3A_1262 : f32 to vector<16xf32>
        %select_n3A_1264 = arith.select %ge3A_1258, %broadcast_in_dim3A_1263, %get3A_1247 : vector<16xi1>, vector<16xf32>
        %min3A_1265 = arith.minimumf %min3A_1015, %select_n3A_1261 : vector<16xf32>
        %max3A_1266 = arith.maximumf %max3A_1016, %select_n3A_1264 : vector<16xf32>
        %min3A_1267 = arith.minimumf %min3A_1238, %select_n3A_1261 : vector<16xf32>
        %max3A_1268 = arith.maximumf %max3A_1239, %select_n3A_1264 : vector<16xf32>
        %get3A_1269 = arith.constant 7 : i32
        %get3A_1270 = arith.constant 0 : i32
        %get3A_1271 = arith.constant 0 : i32
        %get3A_1272 = tpu.memref_slice %arg7[%scan3A_216, %get3A_1270, %get3A_1271] : memref<2x8x2048xf32, #tpu.memory_space<vmem>> -> memref<1x8x2048xf32, #tpu.memory_space<vmem>>
        %get3A_1273 = tpu.memref_squeeze %get3A_1272 : memref<1x8x2048xf32, #tpu.memory_space<vmem>> -> memref<8x2048xf32, #tpu.memory_space<vmem>>
        %get3A_1274 = arith.index_cast %get3A_1269 : i32 to index
        %get3A_1275 = arith.index_cast %mul3A_1057 : i32 to index
        %get3A_1276 = tpu.vector_load %get3A_1273[%get3A_1274, %get3A_1275] {strides = array<i32>} : memref<8x2048xf32, #tpu.memory_space<vmem>>, vector<16xf32>,
        %get3A_1277 = arith.constant 7 : i32
        %get3A_1278 = arith.constant 0 : i32
        %get3A_1279 = arith.constant 0 : i32
        %get3A_1280 = tpu.memref_slice %arg8[%scan3A_217, %get3A_1278, %get3A_1279] : memref<2x8x2048xf32, #tpu.memory_space<vmem>> -> memref<1x8x2048xf32, #tpu.memory_space<vmem>>
        %get3A_1281 = tpu.memref_squeeze %get3A_1280 : memref<1x8x2048xf32, #tpu.memory_space<vmem>> -> memref<8x2048xf32, #tpu.memory_space<vmem>>
        %get3A_1282 = arith.index_cast %get3A_1277 : i32 to index
        %get3A_1283 = arith.index_cast %mul3A_1057 : i32 to index
        %get3A_1284 = tpu.vector_load %get3A_1281[%get3A_1282, %get3A_1283] {strides = array<i32>} : memref<8x2048xf32, #tpu.memory_space<vmem>>, vector<16xf32>,
        %ge3A_1285 = arith.constant 5.000000e-01 : f32
        %ge3A_1286 = vector.broadcast %ge3A_1285 : f32 to vector<16xf32>
        %ge3A_1287 = arith.cmpf oge, %get3A_1284, %ge3A_1286 : vector<16xf32>
        %jit3A_1288 = arith.constant 0x7F800000 : f32
        %broadcast_in_dim3A_1289 = vector.broadcast %jit3A_1288 : f32 to vector<16xf32>
        %select_n3A_1290 = arith.select %ge3A_1287, %get3A_1276, %broadcast_in_dim3A_1289 : vector<16xi1>, vector<16xf32>
        %jit3A_1291 = arith.constant 0xFF800000 : f32
        %broadcast_in_dim3A_1292 = vector.broadcast %jit3A_1291 : f32 to vector<16xf32>
        %select_n3A_1293 = arith.select %ge3A_1287, %broadcast_in_dim3A_1292, %get3A_1276 : vector<16xi1>, vector<16xf32>
        %min3A_1294 = arith.minimumf %min3A_1044, %select_n3A_1290 : vector<16xf32>
        %max3A_1295 = arith.maximumf %max3A_1045, %select_n3A_1293 : vector<16xf32>
        %min3A_1296 = arith.minimumf %min3A_1267, %select_n3A_1290 : vector<16xf32>
        %max3A_1297 = arith.maximumf %max3A_1268, %select_n3A_1293 : vector<16xf32>
        %swap3A_1298 = arith.index_cast %add3A_1061 : i32 to index
        %swap3A_1299 = tpu.vector_load %arg9[%swap3A_1298] {strides = array<i32>} : memref<4096xf32, #tpu.memory_space<vmem>>, vector<16xf32>,
        tpu.vector_store %arg9[%swap3A_1298], %min3A_1296 {strides = array<i32>} : memref<4096xf32, #tpu.memory_space<vmem>>, vector<16xf32>,
        %swap3A_1300 = arith.index_cast %add3A_1061 : i32 to index
        %swap3A_1301 = tpu.vector_load %arg10[%swap3A_1300] {strides = array<i32>} : memref<4096xf32, #tpu.memory_space<vmem>>, vector<16xf32>,
        tpu.vector_store %arg10[%swap3A_1300], %max3A_1297 {strides = array<i32>} : memref<4096xf32, #tpu.memory_space<vmem>>, vector<16xf32>,
        %mul3A_1302 = arith.constant 4 : i32
        %mul3A_1303 = arith.muli %scan3A_537, %mul3A_1302 : i32
        %add3A_1304 = arith.constant 3 : i32
        %add3A_1305 = arith.addi %mul3A_1303, %add3A_1304 : i32
        %mul3A_1306 = arith.constant 16 : i32
        %mul3A_1307 = arith.muli %add3A_1305, %mul3A_1306 : i32
        %mul3A_1308 = arith.constant 16 : i32
        %mul3A_1309 = arith.muli %add3A_1305, %mul3A_1308 : i32
        %add3A_1310 = arith.constant 0 : i32
        %add3A_1311 = arith.addi %add3A_1310, %mul3A_1309 : i32
        %get3A_1312 = arith.index_cast %add3A_1311 : i32 to index
        %get3A_1313 = tpu.vector_load %arg9[%get3A_1312] {strides = array<i32>} : memref<4096xf32, #tpu.memory_space<vmem>>, vector<16xf32>,
        %get3A_1314 = arith.index_cast %add3A_1311 : i32 to index
        %get3A_1315 = tpu.vector_load %arg10[%get3A_1314] {strides = array<i32>} : memref<4096xf32, #tpu.memory_space<vmem>>, vector<16xf32>,
        %get3A_1316 = arith.constant 0 : i32
        %get3A_1317 = arith.constant 0 : i32
        %get3A_1318 = arith.constant 0 : i32
        %get3A_1319 = tpu.memref_slice %arg7[%scan3A_216, %get3A_1317, %get3A_1318] : memref<2x8x2048xf32, #tpu.memory_space<vmem>> -> memref<1x8x2048xf32, #tpu.memory_space<vmem>>
        %get3A_1320 = tpu.memref_squeeze %get3A_1319 : memref<1x8x2048xf32, #tpu.memory_space<vmem>> -> memref<8x2048xf32, #tpu.memory_space<vmem>>
        %get3A_1321 = arith.index_cast %get3A_1316 : i32 to index
        %get3A_1322 = arith.index_cast %mul3A_1307 : i32 to index
        %get3A_1323 = tpu.vector_load %get3A_1320[%get3A_1321, %get3A_1322] {strides = array<i32>} : memref<8x2048xf32, #tpu.memory_space<vmem>>, vector<16xf32>,
        %get3A_1324 = arith.constant 0 : i32
        %get3A_1325 = arith.constant 0 : i32
        %get3A_1326 = arith.constant 0 : i32
        %get3A_1327 = tpu.memref_slice %arg8[%scan3A_217, %get3A_1325, %get3A_1326] : memref<2x8x2048xf32, #tpu.memory_space<vmem>> -> memref<1x8x2048xf32, #tpu.memory_space<vmem>>
        %get3A_1328 = tpu.memref_squeeze %get3A_1327 : memref<1x8x2048xf32, #tpu.memory_space<vmem>> -> memref<8x2048xf32, #tpu.memory_space<vmem>>
        %get3A_1329 = arith.index_cast %get3A_1324 : i32 to index
        %get3A_1330 = arith.index_cast %mul3A_1307 : i32 to index
        %get3A_1331 = tpu.vector_load %get3A_1328[%get3A_1329, %get3A_1330] {strides = array<i32>} : memref<8x2048xf32, #tpu.memory_space<vmem>>, vector<16xf32>,
        %ge3A_1332 = arith.constant 5.000000e-01 : f32
        %ge3A_1333 = vector.broadcast %ge3A_1332 : f32 to vector<16xf32>
        %ge3A_1334 = arith.cmpf oge, %get3A_1331, %ge3A_1333 : vector<16xf32>
        %jit3A_1335 = arith.constant 0x7F800000 : f32
        %broadcast_in_dim3A_1336 = vector.broadcast %jit3A_1335 : f32 to vector<16xf32>
        %select_n3A_1337 = arith.select %ge3A_1334, %get3A_1323, %broadcast_in_dim3A_1336 : vector<16xi1>, vector<16xf32>
        %jit3A_1338 = arith.constant 0xFF800000 : f32
        %broadcast_in_dim3A_1339 = vector.broadcast %jit3A_1338 : f32 to vector<16xf32>
        %select_n3A_1340 = arith.select %ge3A_1334, %broadcast_in_dim3A_1339, %get3A_1323 : vector<16xi1>, vector<16xf32>
        %min3A_1341 = arith.minimumf %min3A_1091, %select_n3A_1337 : vector<16xf32>
        %max3A_1342 = arith.maximumf %max3A_1092, %select_n3A_1340 : vector<16xf32>
        %min3A_1343 = arith.minimumf %get3A_1313, %select_n3A_1337 : vector<16xf32>
        %max3A_1344 = arith.maximumf %get3A_1315, %select_n3A_1340 : vector<16xf32>
        %get3A_1345 = arith.constant 1 : i32
        %get3A_1346 = arith.constant 0 : i32
        %get3A_1347 = arith.constant 0 : i32
        %get3A_1348 = tpu.memref_slice %arg7[%scan3A_216, %get3A_1346, %get3A_1347] : memref<2x8x2048xf32, #tpu.memory_space<vmem>> -> memref<1x8x2048xf32, #tpu.memory_space<vmem>>
        %get3A_1349 = tpu.memref_squeeze %get3A_1348 : memref<1x8x2048xf32, #tpu.memory_space<vmem>> -> memref<8x2048xf32, #tpu.memory_space<vmem>>
        %get3A_1350 = arith.index_cast %get3A_1345 : i32 to index
        %get3A_1351 = arith.index_cast %mul3A_1307 : i32 to index
        %get3A_1352 = tpu.vector_load %get3A_1349[%get3A_1350, %get3A_1351] {strides = array<i32>} : memref<8x2048xf32, #tpu.memory_space<vmem>>, vector<16xf32>,
        %get3A_1353 = arith.constant 1 : i32
        %get3A_1354 = arith.constant 0 : i32
        %get3A_1355 = arith.constant 0 : i32
        %get3A_1356 = tpu.memref_slice %arg8[%scan3A_217, %get3A_1354, %get3A_1355] : memref<2x8x2048xf32, #tpu.memory_space<vmem>> -> memref<1x8x2048xf32, #tpu.memory_space<vmem>>
        %get3A_1357 = tpu.memref_squeeze %get3A_1356 : memref<1x8x2048xf32, #tpu.memory_space<vmem>> -> memref<8x2048xf32, #tpu.memory_space<vmem>>
        %get3A_1358 = arith.index_cast %get3A_1353 : i32 to index
        %get3A_1359 = arith.index_cast %mul3A_1307 : i32 to index
        %get3A_1360 = tpu.vector_load %get3A_1357[%get3A_1358, %get3A_1359] {strides = array<i32>} : memref<8x2048xf32, #tpu.memory_space<vmem>>, vector<16xf32>,
        %ge3A_1361 = arith.constant 5.000000e-01 : f32
        %ge3A_1362 = vector.broadcast %ge3A_1361 : f32 to vector<16xf32>
        %ge3A_1363 = arith.cmpf oge, %get3A_1360, %ge3A_1362 : vector<16xf32>
        %jit3A_1364 = arith.constant 0x7F800000 : f32
        %broadcast_in_dim3A_1365 = vector.broadcast %jit3A_1364 : f32 to vector<16xf32>
        %select_n3A_1366 = arith.select %ge3A_1363, %get3A_1352, %broadcast_in_dim3A_1365 : vector<16xi1>, vector<16xf32>
        %jit3A_1367 = arith.constant 0xFF800000 : f32
        %broadcast_in_dim3A_1368 = vector.broadcast %jit3A_1367 : f32 to vector<16xf32>
        %select_n3A_1369 = arith.select %ge3A_1363, %broadcast_in_dim3A_1368, %get3A_1352 : vector<16xi1>, vector<16xf32>
        %min3A_1370 = arith.minimumf %min3A_1120, %select_n3A_1366 : vector<16xf32>
        %max3A_1371 = arith.maximumf %max3A_1121, %select_n3A_1369 : vector<16xf32>
        %min3A_1372 = arith.minimumf %min3A_1343, %select_n3A_1366 : vector<16xf32>
        %max3A_1373 = arith.maximumf %max3A_1344, %select_n3A_1369 : vector<16xf32>
        %get3A_1374 = arith.constant 2 : i32
        %get3A_1375 = arith.constant 0 : i32
        %get3A_1376 = arith.constant 0 : i32
        %get3A_1377 = tpu.memref_slice %arg7[%scan3A_216, %get3A_1375, %get3A_1376] : memref<2x8x2048xf32, #tpu.memory_space<vmem>> -> memref<1x8x2048xf32, #tpu.memory_space<vmem>>
        %get3A_1378 = tpu.memref_squeeze %get3A_1377 : memref<1x8x2048xf32, #tpu.memory_space<vmem>> -> memref<8x2048xf32, #tpu.memory_space<vmem>>
        %get3A_1379 = arith.index_cast %get3A_1374 : i32 to index
        %get3A_1380 = arith.index_cast %mul3A_1307 : i32 to index
        %get3A_1381 = tpu.vector_load %get3A_1378[%get3A_1379, %get3A_1380] {strides = array<i32>} : memref<8x2048xf32, #tpu.memory_space<vmem>>, vector<16xf32>,
        %get3A_1382 = arith.constant 2 : i32
        %get3A_1383 = arith.constant 0 : i32
        %get3A_1384 = arith.constant 0 : i32
        %get3A_1385 = tpu.memref_slice %arg8[%scan3A_217, %get3A_1383, %get3A_1384] : memref<2x8x2048xf32, #tpu.memory_space<vmem>> -> memref<1x8x2048xf32, #tpu.memory_space<vmem>>
        %get3A_1386 = tpu.memref_squeeze %get3A_1385 : memref<1x8x2048xf32, #tpu.memory_space<vmem>> -> memref<8x2048xf32, #tpu.memory_space<vmem>>
        %get3A_1387 = arith.index_cast %get3A_1382 : i32 to index
        %get3A_1388 = arith.index_cast %mul3A_1307 : i32 to index
        %get3A_1389 = tpu.vector_load %get3A_1386[%get3A_1387, %get3A_1388] {strides = array<i32>} : memref<8x2048xf32, #tpu.memory_space<vmem>>, vector<16xf32>,
        %ge3A_1390 = arith.constant 5.000000e-01 : f32
        %ge3A_1391 = vector.broadcast %ge3A_1390 : f32 to vector<16xf32>
        %ge3A_1392 = arith.cmpf oge, %get3A_1389, %ge3A_1391 : vector<16xf32>
        %jit3A_1393 = arith.constant 0x7F800000 : f32
        %broadcast_in_dim3A_1394 = vector.broadcast %jit3A_1393 : f32 to vector<16xf32>
        %select_n3A_1395 = arith.select %ge3A_1392, %get3A_1381, %broadcast_in_dim3A_1394 : vector<16xi1>, vector<16xf32>
        %jit3A_1396 = arith.constant 0xFF800000 : f32
        %broadcast_in_dim3A_1397 = vector.broadcast %jit3A_1396 : f32 to vector<16xf32>
        %select_n3A_1398 = arith.select %ge3A_1392, %broadcast_in_dim3A_1397, %get3A_1381 : vector<16xi1>, vector<16xf32>
        %min3A_1399 = arith.minimumf %min3A_1149, %select_n3A_1395 : vector<16xf32>
        %max3A_1400 = arith.maximumf %max3A_1150, %select_n3A_1398 : vector<16xf32>
        %min3A_1401 = arith.minimumf %min3A_1372, %select_n3A_1395 : vector<16xf32>
        %max3A_1402 = arith.maximumf %max3A_1373, %select_n3A_1398 : vector<16xf32>
        %get3A_1403 = arith.constant 3 : i32
        %get3A_1404 = arith.constant 0 : i32
        %get3A_1405 = arith.constant 0 : i32
        %get3A_1406 = tpu.memref_slice %arg7[%scan3A_216, %get3A_1404, %get3A_1405] : memref<2x8x2048xf32, #tpu.memory_space<vmem>> -> memref<1x8x2048xf32, #tpu.memory_space<vmem>>
        %get3A_1407 = tpu.memref_squeeze %get3A_1406 : memref<1x8x2048xf32, #tpu.memory_space<vmem>> -> memref<8x2048xf32, #tpu.memory_space<vmem>>
        %get3A_1408 = arith.index_cast %get3A_1403 : i32 to index
        %get3A_1409 = arith.index_cast %mul3A_1307 : i32 to index
        %get3A_1410 = tpu.vector_load %get3A_1407[%get3A_1408, %get3A_1409] {strides = array<i32>} : memref<8x2048xf32, #tpu.memory_space<vmem>>, vector<16xf32>,
        %get3A_1411 = arith.constant 3 : i32
        %get3A_1412 = arith.constant 0 : i32
        %get3A_1413 = arith.constant 0 : i32
        %get3A_1414 = tpu.memref_slice %arg8[%scan3A_217, %get3A_1412, %get3A_1413] : memref<2x8x2048xf32, #tpu.memory_space<vmem>> -> memref<1x8x2048xf32, #tpu.memory_space<vmem>>
        %get3A_1415 = tpu.memref_squeeze %get3A_1414 : memref<1x8x2048xf32, #tpu.memory_space<vmem>> -> memref<8x2048xf32, #tpu.memory_space<vmem>>
        %get3A_1416 = arith.index_cast %get3A_1411 : i32 to index
        %get3A_1417 = arith.index_cast %mul3A_1307 : i32 to index
        %get3A_1418 = tpu.vector_load %get3A_1415[%get3A_1416, %get3A_1417] {strides = array<i32>} : memref<8x2048xf32, #tpu.memory_space<vmem>>, vector<16xf32>,
        %ge3A_1419 = arith.constant 5.000000e-01 : f32
        %ge3A_1420 = vector.broadcast %ge3A_1419 : f32 to vector<16xf32>
        %ge3A_1421 = arith.cmpf oge, %get3A_1418, %ge3A_1420 : vector<16xf32>
        %jit3A_1422 = arith.constant 0x7F800000 : f32
        %broadcast_in_dim3A_1423 = vector.broadcast %jit3A_1422 : f32 to vector<16xf32>
        %select_n3A_1424 = arith.select %ge3A_1421, %get3A_1410, %broadcast_in_dim3A_1423 : vector<16xi1>, vector<16xf32>
        %jit3A_1425 = arith.constant 0xFF800000 : f32
        %broadcast_in_dim3A_1426 = vector.broadcast %jit3A_1425 : f32 to vector<16xf32>
        %select_n3A_1427 = arith.select %ge3A_1421, %broadcast_in_dim3A_1426, %get3A_1410 : vector<16xi1>, vector<16xf32>
        %min3A_1428 = arith.minimumf %min3A_1178, %select_n3A_1424 : vector<16xf32>
        %max3A_1429 = arith.maximumf %max3A_1179, %select_n3A_1427 : vector<16xf32>
        %min3A_1430 = arith.minimumf %min3A_1401, %select_n3A_1424 : vector<16xf32>
        %max3A_1431 = arith.maximumf %max3A_1402, %select_n3A_1427 : vector<16xf32>
        %get3A_1432 = arith.constant 4 : i32
        %get3A_1433 = arith.constant 0 : i32
        %get3A_1434 = arith.constant 0 : i32
        %get3A_1435 = tpu.memref_slice %arg7[%scan3A_216, %get3A_1433, %get3A_1434] : memref<2x8x2048xf32, #tpu.memory_space<vmem>> -> memref<1x8x2048xf32, #tpu.memory_space<vmem>>
        %get3A_1436 = tpu.memref_squeeze %get3A_1435 : memref<1x8x2048xf32, #tpu.memory_space<vmem>> -> memref<8x2048xf32, #tpu.memory_space<vmem>>
        %get3A_1437 = arith.index_cast %get3A_1432 : i32 to index
        %get3A_1438 = arith.index_cast %mul3A_1307 : i32 to index
        %get3A_1439 = tpu.vector_load %get3A_1436[%get3A_1437, %get3A_1438] {strides = array<i32>} : memref<8x2048xf32, #tpu.memory_space<vmem>>, vector<16xf32>,
        %get3A_1440 = arith.constant 4 : i32
        %get3A_1441 = arith.constant 0 : i32
        %get3A_1442 = arith.constant 0 : i32
        %get3A_1443 = tpu.memref_slice %arg8[%scan3A_217, %get3A_1441, %get3A_1442] : memref<2x8x2048xf32, #tpu.memory_space<vmem>> -> memref<1x8x2048xf32, #tpu.memory_space<vmem>>
        %get3A_1444 = tpu.memref_squeeze %get3A_1443 : memref<1x8x2048xf32, #tpu.memory_space<vmem>> -> memref<8x2048xf32, #tpu.memory_space<vmem>>
        %get3A_1445 = arith.index_cast %get3A_1440 : i32 to index
        %get3A_1446 = arith.index_cast %mul3A_1307 : i32 to index
        %get3A_1447 = tpu.vector_load %get3A_1444[%get3A_1445, %get3A_1446] {strides = array<i32>} : memref<8x2048xf32, #tpu.memory_space<vmem>>, vector<16xf32>,
        %ge3A_1448 = arith.constant 5.000000e-01 : f32
        %ge3A_1449 = vector.broadcast %ge3A_1448 : f32 to vector<16xf32>
        %ge3A_1450 = arith.cmpf oge, %get3A_1447, %ge3A_1449 : vector<16xf32>
        %jit3A_1451 = arith.constant 0x7F800000 : f32
        %broadcast_in_dim3A_1452 = vector.broadcast %jit3A_1451 : f32 to vector<16xf32>
        %select_n3A_1453 = arith.select %ge3A_1450, %get3A_1439, %broadcast_in_dim3A_1452 : vector<16xi1>, vector<16xf32>
        %jit3A_1454 = arith.constant 0xFF800000 : f32
        %broadcast_in_dim3A_1455 = vector.broadcast %jit3A_1454 : f32 to vector<16xf32>
        %select_n3A_1456 = arith.select %ge3A_1450, %broadcast_in_dim3A_1455, %get3A_1439 : vector<16xi1>, vector<16xf32>
        %min3A_1457 = arith.minimumf %min3A_1207, %select_n3A_1453 : vector<16xf32>
        %max3A_1458 = arith.maximumf %max3A_1208, %select_n3A_1456 : vector<16xf32>
        %min3A_1459 = arith.minimumf %min3A_1430, %select_n3A_1453 : vector<16xf32>
        %max3A_1460 = arith.maximumf %max3A_1431, %select_n3A_1456 : vector<16xf32>
        %get3A_1461 = arith.constant 5 : i32
        %get3A_1462 = arith.constant 0 : i32
        %get3A_1463 = arith.constant 0 : i32
        %get3A_1464 = tpu.memref_slice %arg7[%scan3A_216, %get3A_1462, %get3A_1463] : memref<2x8x2048xf32, #tpu.memory_space<vmem>> -> memref<1x8x2048xf32, #tpu.memory_space<vmem>>
        %get3A_1465 = tpu.memref_squeeze %get3A_1464 : memref<1x8x2048xf32, #tpu.memory_space<vmem>> -> memref<8x2048xf32, #tpu.memory_space<vmem>>
        %get3A_1466 = arith.index_cast %get3A_1461 : i32 to index
        %get3A_1467 = arith.index_cast %mul3A_1307 : i32 to index
        %get3A_1468 = tpu.vector_load %get3A_1465[%get3A_1466, %get3A_1467] {strides = array<i32>} : memref<8x2048xf32, #tpu.memory_space<vmem>>, vector<16xf32>,
        %get3A_1469 = arith.constant 5 : i32
        %get3A_1470 = arith.constant 0 : i32
        %get3A_1471 = arith.constant 0 : i32
        %get3A_1472 = tpu.memref_slice %arg8[%scan3A_217, %get3A_1470, %get3A_1471] : memref<2x8x2048xf32, #tpu.memory_space<vmem>> -> memref<1x8x2048xf32, #tpu.memory_space<vmem>>
        %get3A_1473 = tpu.memref_squeeze %get3A_1472 : memref<1x8x2048xf32, #tpu.memory_space<vmem>> -> memref<8x2048xf32, #tpu.memory_space<vmem>>
        %get3A_1474 = arith.index_cast %get3A_1469 : i32 to index
        %get3A_1475 = arith.index_cast %mul3A_1307 : i32 to index
        %get3A_1476 = tpu.vector_load %get3A_1473[%get3A_1474, %get3A_1475] {strides = array<i32>} : memref<8x2048xf32, #tpu.memory_space<vmem>>, vector<16xf32>,
        %ge3A_1477 = arith.constant 5.000000e-01 : f32
        %ge3A_1478 = vector.broadcast %ge3A_1477 : f32 to vector<16xf32>
        %ge3A_1479 = arith.cmpf oge, %get3A_1476, %ge3A_1478 : vector<16xf32>
        %jit3A_1480 = arith.constant 0x7F800000 : f32
        %broadcast_in_dim3A_1481 = vector.broadcast %jit3A_1480 : f32 to vector<16xf32>
        %select_n3A_1482 = arith.select %ge3A_1479, %get3A_1468, %broadcast_in_dim3A_1481 : vector<16xi1>, vector<16xf32>
        %jit3A_1483 = arith.constant 0xFF800000 : f32
        %broadcast_in_dim3A_1484 = vector.broadcast %jit3A_1483 : f32 to vector<16xf32>
        %select_n3A_1485 = arith.select %ge3A_1479, %broadcast_in_dim3A_1484, %get3A_1468 : vector<16xi1>, vector<16xf32>
        %min3A_1486 = arith.minimumf %min3A_1236, %select_n3A_1482 : vector<16xf32>
        %max3A_1487 = arith.maximumf %max3A_1237, %select_n3A_1485 : vector<16xf32>
        %min3A_1488 = arith.minimumf %min3A_1459, %select_n3A_1482 : vector<16xf32>
        %max3A_1489 = arith.maximumf %max3A_1460, %select_n3A_1485 : vector<16xf32>
        %get3A_1490 = arith.constant 6 : i32
        %get3A_1491 = arith.constant 0 : i32
        %get3A_1492 = arith.constant 0 : i32
        %get3A_1493 = tpu.memref_slice %arg7[%scan3A_216, %get3A_1491, %get3A_1492] : memref<2x8x2048xf32, #tpu.memory_space<vmem>> -> memref<1x8x2048xf32, #tpu.memory_space<vmem>>
        %get3A_1494 = tpu.memref_squeeze %get3A_1493 : memref<1x8x2048xf32, #tpu.memory_space<vmem>> -> memref<8x2048xf32, #tpu.memory_space<vmem>>
        %get3A_1495 = arith.index_cast %get3A_1490 : i32 to index
        %get3A_1496 = arith.index_cast %mul3A_1307 : i32 to index
        %get3A_1497 = tpu.vector_load %get3A_1494[%get3A_1495, %get3A_1496] {strides = array<i32>} : memref<8x2048xf32, #tpu.memory_space<vmem>>, vector<16xf32>,
        %get3A_1498 = arith.constant 6 : i32
        %get3A_1499 = arith.constant 0 : i32
        %get3A_1500 = arith.constant 0 : i32
        %get3A_1501 = tpu.memref_slice %arg8[%scan3A_217, %get3A_1499, %get3A_1500] : memref<2x8x2048xf32, #tpu.memory_space<vmem>> -> memref<1x8x2048xf32, #tpu.memory_space<vmem>>
        %get3A_1502 = tpu.memref_squeeze %get3A_1501 : memref<1x8x2048xf32, #tpu.memory_space<vmem>> -> memref<8x2048xf32, #tpu.memory_space<vmem>>
        %get3A_1503 = arith.index_cast %get3A_1498 : i32 to index
        %get3A_1504 = arith.index_cast %mul3A_1307 : i32 to index
        %get3A_1505 = tpu.vector_load %get3A_1502[%get3A_1503, %get3A_1504] {strides = array<i32>} : memref<8x2048xf32, #tpu.memory_space<vmem>>, vector<16xf32>,
        %ge3A_1506 = arith.constant 5.000000e-01 : f32
        %ge3A_1507 = vector.broadcast %ge3A_1506 : f32 to vector<16xf32>
        %ge3A_1508 = arith.cmpf oge, %get3A_1505, %ge3A_1507 : vector<16xf32>
        %jit3A_1509 = arith.constant 0x7F800000 : f32
        %broadcast_in_dim3A_1510 = vector.broadcast %jit3A_1509 : f32 to vector<16xf32>
        %select_n3A_1511 = arith.select %ge3A_1508, %get3A_1497, %broadcast_in_dim3A_1510 : vector<16xi1>, vector<16xf32>
        %jit3A_1512 = arith.constant 0xFF800000 : f32
        %broadcast_in_dim3A_1513 = vector.broadcast %jit3A_1512 : f32 to vector<16xf32>
        %select_n3A_1514 = arith.select %ge3A_1508, %broadcast_in_dim3A_1513, %get3A_1497 : vector<16xi1>, vector<16xf32>
        %min3A_1515 = arith.minimumf %min3A_1265, %select_n3A_1511 : vector<16xf32>
        %max3A_1516 = arith.maximumf %max3A_1266, %select_n3A_1514 : vector<16xf32>
        %min3A_1517 = arith.minimumf %min3A_1488, %select_n3A_1511 : vector<16xf32>
        %max3A_1518 = arith.maximumf %max3A_1489, %select_n3A_1514 : vector<16xf32>
        %get3A_1519 = arith.constant 7 : i32
        %get3A_1520 = arith.constant 0 : i32
        %get3A_1521 = arith.constant 0 : i32
        %get3A_1522 = tpu.memref_slice %arg7[%scan3A_216, %get3A_1520, %get3A_1521] : memref<2x8x2048xf32, #tpu.memory_space<vmem>> -> memref<1x8x2048xf32, #tpu.memory_space<vmem>>
        %get3A_1523 = tpu.memref_squeeze %get3A_1522 : memref<1x8x2048xf32, #tpu.memory_space<vmem>> -> memref<8x2048xf32, #tpu.memory_space<vmem>>
        %get3A_1524 = arith.index_cast %get3A_1519 : i32 to index
        %get3A_1525 = arith.index_cast %mul3A_1307 : i32 to index
        %get3A_1526 = tpu.vector_load %get3A_1523[%get3A_1524, %get3A_1525] {strides = array<i32>} : memref<8x2048xf32, #tpu.memory_space<vmem>>, vector<16xf32>,
        %get3A_1527 = arith.constant 7 : i32
        %get3A_1528 = arith.constant 0 : i32
        %get3A_1529 = arith.constant 0 : i32
        %get3A_1530 = tpu.memref_slice %arg8[%scan3A_217, %get3A_1528, %get3A_1529] : memref<2x8x2048xf32, #tpu.memory_space<vmem>> -> memref<1x8x2048xf32, #tpu.memory_space<vmem>>
        %get3A_1531 = tpu.memref_squeeze %get3A_1530 : memref<1x8x2048xf32, #tpu.memory_space<vmem>> -> memref<8x2048xf32, #tpu.memory_space<vmem>>
        %get3A_1532 = arith.index_cast %get3A_1527 : i32 to index
        %get3A_1533 = arith.index_cast %mul3A_1307 : i32 to index
        %get3A_1534 = tpu.vector_load %get3A_1531[%get3A_1532, %get3A_1533] {strides = array<i32>} : memref<8x2048xf32, #tpu.memory_space<vmem>>, vector<16xf32>,
        %ge3A_1535 = arith.constant 5.000000e-01 : f32
        %ge3A_1536 = vector.broadcast %ge3A_1535 : f32 to vector<16xf32>
        %ge3A_1537 = arith.cmpf oge, %get3A_1534, %ge3A_1536 : vector<16xf32>
        %jit3A_1538 = arith.constant 0x7F800000 : f32
        %broadcast_in_dim3A_1539 = vector.broadcast %jit3A_1538 : f32 to vector<16xf32>
        %select_n3A_1540 = arith.select %ge3A_1537, %get3A_1526, %broadcast_in_dim3A_1539 : vector<16xi1>, vector<16xf32>
        %jit3A_1541 = arith.constant 0xFF800000 : f32
        %broadcast_in_dim3A_1542 = vector.broadcast %jit3A_1541 : f32 to vector<16xf32>
        %select_n3A_1543 = arith.select %ge3A_1537, %broadcast_in_dim3A_1542, %get3A_1526 : vector<16xi1>, vector<16xf32>
        %min3A_1544 = arith.minimumf %min3A_1294, %select_n3A_1540 : vector<16xf32>
        %max3A_1545 = arith.maximumf %max3A_1295, %select_n3A_1543 : vector<16xf32>
        %min3A_1546 = arith.minimumf %min3A_1517, %select_n3A_1540 : vector<16xf32>
        %max3A_1547 = arith.maximumf %max3A_1518, %select_n3A_1543 : vector<16xf32>
        %swap3A_1548 = arith.index_cast %add3A_1311 : i32 to index
        %swap3A_1549 = tpu.vector_load %arg9[%swap3A_1548] {strides = array<i32>} : memref<4096xf32, #tpu.memory_space<vmem>>, vector<16xf32>,
        tpu.vector_store %arg9[%swap3A_1548], %min3A_1546 {strides = array<i32>} : memref<4096xf32, #tpu.memory_space<vmem>>, vector<16xf32>,
        %swap3A_1550 = arith.index_cast %add3A_1311 : i32 to index
        %swap3A_1551 = tpu.vector_load %arg10[%swap3A_1550] {strides = array<i32>} : memref<4096xf32, #tpu.memory_space<vmem>>, vector<16xf32>,
        tpu.vector_store %arg10[%swap3A_1550], %max3A_1547 {strides = array<i32>} : memref<4096xf32, #tpu.memory_space<vmem>>, vector<16xf32>,
        scf.yield %min3A_1341, %min3A_1370, %min3A_1399, %min3A_1428, %min3A_1457, %min3A_1486, %min3A_1515, %min3A_1544, %max3A_1342, %max3A_1371, %max3A_1400, %max3A_1429, %max3A_1458, %max3A_1487, %max3A_1516, %max3A_1545 : vector<16xf32>, vector<16xf32>, vector<16xf32>, vector<16xf32>, vector<16xf32>, vector<16xf32>, vector<16xf32>, vector<16xf32>, vector<16xf32>, vector<16xf32>, vector<16xf32>, vector<16xf32>, vector<16xf32>, vector<16xf32>, vector<16xf32>, vector<16xf32>
      }
      %scan3A_223 = arith.constant 32 : i32
      %mul3A_224 = arith.constant 2 : i32
      %mul3A_225 = arith.muli %scan3A_91, %mul3A_224 : i32
      %add3A_226 = arith.constant 1 : i32
      %add3A_227 = arith.addi %mul3A_225, %add3A_226 : i32
      %add3A_228 = arith.constant 1 : i32
      %add3A_229 = arith.addi %add3A_227, %add3A_228 : i32
      %rem3A_230 = arith.constant 12 : i32
      %rem3A_231 = arith.remsi %add3A_229, %rem3A_230 : i32
      %jit3A_232 = arith.constant 2 : i32
      %div3A_233 = arith.divsi %rem3A_231, %jit3A_232 : i32
      %sign3A_234 = arith.constant 0 : i32
      %sign3A_235 = arith.cmpi sgt, %rem3A_231, %sign3A_234 : i32
      %sign3A_236 = arith.extui %sign3A_235 : i1 to i32
      %sign3A_237 = arith.constant 0 : i32
      %sign3A_238 = arith.cmpi slt, %rem3A_231, %sign3A_237 : i32
      %sign3A_239 = arith.extui %sign3A_238 : i1 to i32
      %sign3A_240 = arith.subi %sign3A_236, %sign3A_239 : i32
      %sign3A_241 = arith.constant 0 : i32
      %sign3A_242 = arith.cmpi sgt, %jit3A_232, %sign3A_241 : i32
      %sign3A_243 = arith.extui %sign3A_242 : i1 to i32
      %sign3A_244 = arith.constant 0 : i32
      %sign3A_245 = arith.cmpi slt, %jit3A_232, %sign3A_244 : i32
      %sign3A_246 = arith.extui %sign3A_245 : i1 to i32
      %sign3A_247 = arith.subi %sign3A_243, %sign3A_246 : i32
      %ne3A_248 = arith.cmpi ne, %sign3A_240, %sign3A_247 : i32
      %rem3A_249 = arith.remsi %rem3A_231, %jit3A_232 : i32
      %ne3A_250 = arith.constant 0 : i32
      %ne3A_251 = arith.cmpi ne, %rem3A_249, %ne3A_250 : i32
      %and3A_252 = arith.andi %ne3A_248, %ne3A_251 : i1
      %sub3A_253 = arith.constant 1 : i32
      %sub3A_254 = arith.subi %div3A_233, %sub3A_253 : i32
      %select_n3A_255 = arith.select %and3A_252, %sub3A_254, %div3A_233 : i32
      %mul3A_256 = arith.constant 8 : i32
      %mul3A_257 = arith.muli %select_n3A_255, %mul3A_256 : i32
      %add3A_258 = arith.addi %mul3A_2, %mul3A_257 : i32
      %rem3A_259 = arith.constant 2 : i32
      %rem3A_260 = arith.remsi %rem3A_231, %rem3A_259 : i32
      %mul3A_261 = arith.constant 2048 : i32
      %mul3A_262 = arith.muli %rem3A_260, %mul3A_261 : i32
      %dma_start3A_263 = arith.constant 0 : i32
      %dma_start3A_264 = arith.constant 0 : i32
      %dma_start3A_265 = arith.constant 0 : i32
      %dma_start3A_266 = tpu.memref_slice %arg7[%dma_start3A_263, %dma_start3A_264, %dma_start3A_265] : memref<2x8x2048xf32, #tpu.memory_space<vmem>> -> memref<1x8x2048xf32, #tpu.memory_space<vmem>>
      %dma_start3A_267 = tpu.memref_squeeze %dma_start3A_266 : memref<1x8x2048xf32, #tpu.memory_space<vmem>> -> memref<8x2048xf32, #tpu.memory_space<vmem>>
      %dma_start3A_268 = tpu.memref_slice %arg2[%add3A_258, %mul3A_262] : memref<4096x4096xf32, #tpu.memory_space<hbm>> -> memref<8x2048xf32, #tpu.memory_space<hbm>>
      %dma_start3A_269 = arith.constant 0 : i32
      %dma_start3A_270 = arith.constant 0 : i32
      %dma_start3A_271 = tpu.memref_slice %arg7[%dma_start3A_263, %dma_start3A_269, %dma_start3A_270] : memref<2x8x2048xf32, #tpu.memory_space<vmem>> -> memref<1x8x2048xf32, #tpu.memory_space<vmem>>
      %dma_start3A_272 = tpu.memref_squeeze %dma_start3A_271 : memref<1x8x2048xf32, #tpu.memory_space<vmem>> -> memref<8x2048xf32, #tpu.memory_space<vmem>>
      %dma_start3A_273 = tpu.memref_slice %arg2[%add3A_258, %mul3A_262] : memref<4096x4096xf32, #tpu.memory_space<hbm>> -> memref<8x2048xf32, #tpu.memory_space<hbm>>
      tpu.enqueue_dma source(%dma_start3A_273 : memref<8x2048xf32, #tpu.memory_space<hbm>>) target(%dma_start3A_272 : memref<8x2048xf32, #tpu.memory_space<vmem>>) target_semaphore(%arg14 : memref<!tpu.dma_semaphore, #tpu.memory_space<semaphore_mem>>)
      %dma_start3A_274 = arith.constant 0 : i32
      %dma_start3A_275 = arith.constant 0 : i32
      %dma_start3A_276 = arith.constant 0 : i32
      %dma_start3A_277 = tpu.memref_slice %arg8[%dma_start3A_274, %dma_start3A_275, %dma_start3A_276] : memref<2x8x2048xf32, #tpu.memory_space<vmem>> -> memref<1x8x2048xf32, #tpu.memory_space<vmem>>
      %dma_start3A_278 = tpu.memref_squeeze %dma_start3A_277 : memref<1x8x2048xf32, #tpu.memory_space<vmem>> -> memref<8x2048xf32, #tpu.memory_space<vmem>>
      %dma_start3A_279 = tpu.memref_slice %arg3[%add3A_258, %mul3A_262] : memref<4096x4096xf32, #tpu.memory_space<hbm>> -> memref<8x2048xf32, #tpu.memory_space<hbm>>
      %dma_start3A_280 = arith.constant 0 : i32
      %dma_start3A_281 = arith.constant 0 : i32
      %dma_start3A_282 = tpu.memref_slice %arg8[%dma_start3A_274, %dma_start3A_280, %dma_start3A_281] : memref<2x8x2048xf32, #tpu.memory_space<vmem>> -> memref<1x8x2048xf32, #tpu.memory_space<vmem>>
      %dma_start3A_283 = tpu.memref_squeeze %dma_start3A_282 : memref<1x8x2048xf32, #tpu.memory_space<vmem>> -> memref<8x2048xf32, #tpu.memory_space<vmem>>
      %dma_start3A_284 = tpu.memref_slice %arg3[%add3A_258, %mul3A_262] : memref<4096x4096xf32, #tpu.memory_space<hbm>> -> memref<8x2048xf32, #tpu.memory_space<hbm>>
      tpu.enqueue_dma source(%dma_start3A_284 : memref<8x2048xf32, #tpu.memory_space<hbm>>) target(%dma_start3A_283 : memref<8x2048xf32, #tpu.memory_space<vmem>>) target_semaphore(%arg16 : memref<!tpu.dma_semaphore, #tpu.memory_space<semaphore_mem>>)
      %dma_wait3A_285 = arith.constant 1 : i32
      %dma_wait3A_286 = arith.constant 0 : i32
      %dma_wait3A_287 = arith.constant 0 : i32
      %dma_wait3A_288 = tpu.memref_slice %arg7[%dma_wait3A_285, %dma_wait3A_286, %dma_wait3A_287] : memref<2x8x2048xf32, #tpu.memory_space<vmem>> -> memref<1x8x2048xf32, #tpu.memory_space<vmem>>
      %dma_wait3A_289 = tpu.memref_squeeze %dma_wait3A_288 : memref<1x8x2048xf32, #tpu.memory_space<vmem>> -> memref<8x2048xf32, #tpu.memory_space<vmem>>
      %dma_wait3A_290 = arith.constant 0 : i32
      %dma_wait3A_291 = arith.constant 0 : i32
      %dma_wait3A_292 = tpu.memref_slice %arg2[%dma_wait3A_290, %dma_wait3A_291] : memref<4096x4096xf32, #tpu.memory_space<hbm>> -> memref<8x2048xf32, #tpu.memory_space<hbm>>
      %dma_wait3A_293 = arith.constant 0 : i32
      %dma_wait3A_294 = arith.constant 0 : i32
      %dma_wait3A_295 = tpu.memref_slice %arg7[%dma_wait3A_285, %dma_wait3A_293, %dma_wait3A_294] : memref<2x8x2048xf32, #tpu.memory_space<vmem>> -> memref<1x8x2048xf32, #tpu.memory_space<vmem>>
      %dma_wait3A_296 = tpu.memref_squeeze %dma_wait3A_295 : memref<1x8x2048xf32, #tpu.memory_space<vmem>> -> memref<8x2048xf32, #tpu.memory_space<vmem>>
      %dma_wait3A_297 = arith.constant 0 : i32
      %dma_wait3A_298 = arith.constant 0 : i32
      %dma_wait3A_299 = tpu.memref_slice %arg2[%dma_wait3A_297, %dma_wait3A_298] : memref<4096x4096xf32, #tpu.memory_space<hbm>> -> memref<8x2048xf32, #tpu.memory_space<hbm>>
      tpu.wait_dma2 semaphore(%arg15 : memref<!tpu.dma_semaphore, #tpu.memory_space<semaphore_mem>>) src(%dma_wait3A_299 : memref<8x2048xf32, #tpu.memory_space<hbm>>) dst(%dma_wait3A_296 : memref<8x2048xf32, #tpu.memory_space<vmem>>)
      %dma_wait3A_300 = arith.constant 1 : i32
      %dma_wait3A_301 = arith.constant 0 : i32
      %dma_wait3A_302 = arith.constant 0 : i32
      %dma_wait3A_303 = tpu.memref_slice %arg8[%dma_wait3A_300, %dma_wait3A_301, %dma_wait3A_302] : memref<2x8x2048xf32, #tpu.memory_space<vmem>> -> memref<1x8x2048xf32, #tpu.memory_space<vmem>>
      %dma_wait3A_304 = tpu.memref_squeeze %dma_wait3A_303 : memref<1x8x2048xf32, #tpu.memory_space<vmem>> -> memref<8x2048xf32, #tpu.memory_space<vmem>>
      %dma_wait3A_305 = arith.constant 0 : i32
      %dma_wait3A_306 = arith.constant 0 : i32
      %dma_wait3A_307 = tpu.memref_slice %arg3[%dma_wait3A_305, %dma_wait3A_306] : memref<4096x4096xf32, #tpu.memory_space<hbm>> -> memref<8x2048xf32, #tpu.memory_space<hbm>>
      %dma_wait3A_308 = arith.constant 0 : i32
      %dma_wait3A_309 = arith.constant 0 : i32
      %dma_wait3A_310 = tpu.memref_slice %arg8[%dma_wait3A_300, %dma_wait3A_308, %dma_wait3A_309] : memref<2x8x2048xf32, #tpu.memory_space<vmem>> -> memref<1x8x2048xf32, #tpu.memory_space<vmem>>
      %dma_wait3A_311 = tpu.memref_squeeze %dma_wait3A_310 : memref<1x8x2048xf32, #tpu.memory_space<vmem>> -> memref<8x2048xf32, #tpu.memory_space<vmem>>
      %dma_wait3A_312 = arith.constant 0 : i32
      %dma_wait3A_313 = arith.constant 0 : i32
      %dma_wait3A_314 = tpu.memref_slice %arg3[%dma_wait3A_312, %dma_wait3A_313] : memref<4096x4096xf32, #tpu.memory_space<hbm>> -> memref<8x2048xf32, #tpu.memory_space<hbm>>
      tpu.wait_dma2 semaphore(%arg17 : memref<!tpu.dma_semaphore, #tpu.memory_space<semaphore_mem>>) src(%dma_wait3A_314 : memref<8x2048xf32, #tpu.memory_space<hbm>>) dst(%dma_wait3A_311 : memref<8x2048xf32, #tpu.memory_space<vmem>>)
      %scan3A_315 = arith.constant 1 : i32
      %scan3A_316 = arith.constant 1 : i32
      %scan3A_317 = arith.constant 0 : i32
      %scan3A_318 = arith.constant 32 : i32
      %scan3A_319 = arith.addi %scan3A_317, %scan3A_318 : i32
      %scan3A_320 = arith.constant 1 : i32
      %scan3A_321:16 = scf.for %scan3A_537 = %scan3A_317 to %scan3A_319 step %scan3A_320 iter_args(%scan3A_538 = %scan3A_222#0, %scan3A_539 = %scan3A_222#1, %scan3A_540 = %scan3A_222#2, %scan3A_541 = %scan3A_222#3, %scan3A_542 = %scan3A_222#4, %scan3A_543 = %scan3A_222#5, %scan3A_544 = %scan3A_222#6, %scan3A_545 = %scan3A_222#7, %scan3A_546 = %scan3A_222#8, %scan3A_547 = %scan3A_222#9, %scan3A_548 = %scan3A_222#10, %scan3A_549 = %scan3A_222#11, %scan3A_550 = %scan3A_222#12, %scan3A_551 = %scan3A_222#13, %scan3A_552 = %scan3A_222#14, %scan3A_553 = %scan3A_222#15) -> (vector<16xf32>, vector<16xf32>, vector<16xf32>, vector<16xf32>, vector<16xf32>, vector<16xf32>, vector<16xf32>, vector<16xf32>, vector<16xf32>, vector<16xf32>, vector<16xf32>, vector<16xf32>, vector<16xf32>, vector<16xf32>, vector<16xf32>, vector<16xf32>)  : i32 {
        %mul3A_554 = arith.constant 4 : i32
        %mul3A_555 = arith.muli %scan3A_537, %mul3A_554 : i32
        %add3A_556 = arith.constant 0 : i32
        %add3A_557 = arith.addi %mul3A_555, %add3A_556 : i32
        %mul3A_558 = arith.constant 16 : i32
        %mul3A_559 = arith.muli %add3A_557, %mul3A_558 : i32
        %mul3A_560 = arith.constant 16 : i32
        %mul3A_561 = arith.muli %add3A_557, %mul3A_560 : i32
        %add3A_562 = arith.constant 2048 : i32
        %add3A_563 = arith.addi %add3A_562, %mul3A_561 : i32
        %get3A = arith.index_cast %add3A_563 : i32 to index
        %get3A_564 = tpu.vector_load %arg9[%get3A] {strides = array<i32>} : memref<4096xf32, #tpu.memory_space<vmem>>, vector<16xf32>,
        %get3A_565 = arith.index_cast %add3A_563 : i32 to index
        %get3A_566 = tpu.vector_load %arg10[%get3A_565] {strides = array<i32>} : memref<4096xf32, #tpu.memory_space<vmem>>, vector<16xf32>,
        %get3A_567 = arith.constant 0 : i32
        %get3A_568 = arith.constant 0 : i32
        %get3A_569 = arith.constant 0 : i32
        %get3A_570 = tpu.memref_slice %arg7[%scan3A_315, %get3A_568, %get3A_569] : memref<2x8x2048xf32, #tpu.memory_space<vmem>> -> memref<1x8x2048xf32, #tpu.memory_space<vmem>>
        %get3A_571 = tpu.memref_squeeze %get3A_570 : memref<1x8x2048xf32, #tpu.memory_space<vmem>> -> memref<8x2048xf32, #tpu.memory_space<vmem>>
        %get3A_572 = arith.index_cast %get3A_567 : i32 to index
        %get3A_573 = arith.index_cast %mul3A_559 : i32 to index
        %get3A_574 = tpu.vector_load %get3A_571[%get3A_572, %get3A_573] {strides = array<i32>} : memref<8x2048xf32, #tpu.memory_space<vmem>>, vector<16xf32>,
        %get3A_575 = arith.constant 0 : i32
        %get3A_576 = arith.constant 0 : i32
        %get3A_577 = arith.constant 0 : i32
        %get3A_578 = tpu.memref_slice %arg8[%scan3A_316, %get3A_576, %get3A_577] : memref<2x8x2048xf32, #tpu.memory_space<vmem>> -> memref<1x8x2048xf32, #tpu.memory_space<vmem>>
        %get3A_579 = tpu.memref_squeeze %get3A_578 : memref<1x8x2048xf32, #tpu.memory_space<vmem>> -> memref<8x2048xf32, #tpu.memory_space<vmem>>
        %get3A_580 = arith.index_cast %get3A_575 : i32 to index
        %get3A_581 = arith.index_cast %mul3A_559 : i32 to index
        %get3A_582 = tpu.vector_load %get3A_579[%get3A_580, %get3A_581] {strides = array<i32>} : memref<8x2048xf32, #tpu.memory_space<vmem>>, vector<16xf32>,
        %ge3A = arith.constant 5.000000e-01 : f32
        %ge3A_583 = vector.broadcast %ge3A : f32 to vector<16xf32>
        %ge3A_584 = arith.cmpf oge, %get3A_582, %ge3A_583 : vector<16xf32>
        %jit3A_585 = arith.constant 0x7F800000 : f32
        %broadcast_in_dim3A_586 = vector.broadcast %jit3A_585 : f32 to vector<16xf32>
        %select_n3A_587 = arith.select %ge3A_584, %get3A_574, %broadcast_in_dim3A_586 : vector<16xi1>, vector<16xf32>
        %jit3A_588 = arith.constant 0xFF800000 : f32
        %broadcast_in_dim3A_589 = vector.broadcast %jit3A_588 : f32 to vector<16xf32>
        %select_n3A_590 = arith.select %ge3A_584, %broadcast_in_dim3A_589, %get3A_574 : vector<16xi1>, vector<16xf32>
        %min3A_591 = arith.minimumf %scan3A_538, %select_n3A_587 : vector<16xf32>
        %max3A_592 = arith.maximumf %scan3A_546, %select_n3A_590 : vector<16xf32>
        %min3A_593 = arith.minimumf %get3A_564, %select_n3A_587 : vector<16xf32>
        %max3A_594 = arith.maximumf %get3A_566, %select_n3A_590 : vector<16xf32>
        %get3A_595 = arith.constant 1 : i32
        %get3A_596 = arith.constant 0 : i32
        %get3A_597 = arith.constant 0 : i32
        %get3A_598 = tpu.memref_slice %arg7[%scan3A_315, %get3A_596, %get3A_597] : memref<2x8x2048xf32, #tpu.memory_space<vmem>> -> memref<1x8x2048xf32, #tpu.memory_space<vmem>>
        %get3A_599 = tpu.memref_squeeze %get3A_598 : memref<1x8x2048xf32, #tpu.memory_space<vmem>> -> memref<8x2048xf32, #tpu.memory_space<vmem>>
        %get3A_600 = arith.index_cast %get3A_595 : i32 to index
        %get3A_601 = arith.index_cast %mul3A_559 : i32 to index
        %get3A_602 = tpu.vector_load %get3A_599[%get3A_600, %get3A_601] {strides = array<i32>} : memref<8x2048xf32, #tpu.memory_space<vmem>>, vector<16xf32>,
        %get3A_603 = arith.constant 1 : i32
        %get3A_604 = arith.constant 0 : i32
        %get3A_605 = arith.constant 0 : i32
        %get3A_606 = tpu.memref_slice %arg8[%scan3A_316, %get3A_604, %get3A_605] : memref<2x8x2048xf32, #tpu.memory_space<vmem>> -> memref<1x8x2048xf32, #tpu.memory_space<vmem>>
        %get3A_607 = tpu.memref_squeeze %get3A_606 : memref<1x8x2048xf32, #tpu.memory_space<vmem>> -> memref<8x2048xf32, #tpu.memory_space<vmem>>
        %get3A_608 = arith.index_cast %get3A_603 : i32 to index
        %get3A_609 = arith.index_cast %mul3A_559 : i32 to index
        %get3A_610 = tpu.vector_load %get3A_607[%get3A_608, %get3A_609] {strides = array<i32>} : memref<8x2048xf32, #tpu.memory_space<vmem>>, vector<16xf32>,
        %ge3A_611 = arith.constant 5.000000e-01 : f32
        %ge3A_612 = vector.broadcast %ge3A_611 : f32 to vector<16xf32>
        %ge3A_613 = arith.cmpf oge, %get3A_610, %ge3A_612 : vector<16xf32>
        %jit3A_614 = arith.constant 0x7F800000 : f32
        %broadcast_in_dim3A_615 = vector.broadcast %jit3A_614 : f32 to vector<16xf32>
        %select_n3A_616 = arith.select %ge3A_613, %get3A_602, %broadcast_in_dim3A_615 : vector<16xi1>, vector<16xf32>
        %jit3A_617 = arith.constant 0xFF800000 : f32
        %broadcast_in_dim3A_618 = vector.broadcast %jit3A_617 : f32 to vector<16xf32>
        %select_n3A_619 = arith.select %ge3A_613, %broadcast_in_dim3A_618, %get3A_602 : vector<16xi1>, vector<16xf32>
        %min3A_620 = arith.minimumf %scan3A_539, %select_n3A_616 : vector<16xf32>
        %max3A_621 = arith.maximumf %scan3A_547, %select_n3A_619 : vector<16xf32>
        %min3A_622 = arith.minimumf %min3A_593, %select_n3A_616 : vector<16xf32>
        %max3A_623 = arith.maximumf %max3A_594, %select_n3A_619 : vector<16xf32>
        %get3A_624 = arith.constant 2 : i32
        %get3A_625 = arith.constant 0 : i32
        %get3A_626 = arith.constant 0 : i32
        %get3A_627 = tpu.memref_slice %arg7[%scan3A_315, %get3A_625, %get3A_626] : memref<2x8x2048xf32, #tpu.memory_space<vmem>> -> memref<1x8x2048xf32, #tpu.memory_space<vmem>>
        %get3A_628 = tpu.memref_squeeze %get3A_627 : memref<1x8x2048xf32, #tpu.memory_space<vmem>> -> memref<8x2048xf32, #tpu.memory_space<vmem>>
        %get3A_629 = arith.index_cast %get3A_624 : i32 to index
        %get3A_630 = arith.index_cast %mul3A_559 : i32 to index
        %get3A_631 = tpu.vector_load %get3A_628[%get3A_629, %get3A_630] {strides = array<i32>} : memref<8x2048xf32, #tpu.memory_space<vmem>>, vector<16xf32>,
        %get3A_632 = arith.constant 2 : i32
        %get3A_633 = arith.constant 0 : i32
        %get3A_634 = arith.constant 0 : i32
        %get3A_635 = tpu.memref_slice %arg8[%scan3A_316, %get3A_633, %get3A_634] : memref<2x8x2048xf32, #tpu.memory_space<vmem>> -> memref<1x8x2048xf32, #tpu.memory_space<vmem>>
        %get3A_636 = tpu.memref_squeeze %get3A_635 : memref<1x8x2048xf32, #tpu.memory_space<vmem>> -> memref<8x2048xf32, #tpu.memory_space<vmem>>
        %get3A_637 = arith.index_cast %get3A_632 : i32 to index
        %get3A_638 = arith.index_cast %mul3A_559 : i32 to index
        %get3A_639 = tpu.vector_load %get3A_636[%get3A_637, %get3A_638] {strides = array<i32>} : memref<8x2048xf32, #tpu.memory_space<vmem>>, vector<16xf32>,
        %ge3A_640 = arith.constant 5.000000e-01 : f32
        %ge3A_641 = vector.broadcast %ge3A_640 : f32 to vector<16xf32>
        %ge3A_642 = arith.cmpf oge, %get3A_639, %ge3A_641 : vector<16xf32>
        %jit3A_643 = arith.constant 0x7F800000 : f32
        %broadcast_in_dim3A_644 = vector.broadcast %jit3A_643 : f32 to vector<16xf32>
        %select_n3A_645 = arith.select %ge3A_642, %get3A_631, %broadcast_in_dim3A_644 : vector<16xi1>, vector<16xf32>
        %jit3A_646 = arith.constant 0xFF800000 : f32
        %broadcast_in_dim3A_647 = vector.broadcast %jit3A_646 : f32 to vector<16xf32>
        %select_n3A_648 = arith.select %ge3A_642, %broadcast_in_dim3A_647, %get3A_631 : vector<16xi1>, vector<16xf32>
        %min3A_649 = arith.minimumf %scan3A_540, %select_n3A_645 : vector<16xf32>
        %max3A_650 = arith.maximumf %scan3A_548, %select_n3A_648 : vector<16xf32>
        %min3A_651 = arith.minimumf %min3A_622, %select_n3A_645 : vector<16xf32>
        %max3A_652 = arith.maximumf %max3A_623, %select_n3A_648 : vector<16xf32>
        %get3A_653 = arith.constant 3 : i32
        %get3A_654 = arith.constant 0 : i32
        %get3A_655 = arith.constant 0 : i32
        %get3A_656 = tpu.memref_slice %arg7[%scan3A_315, %get3A_654, %get3A_655] : memref<2x8x2048xf32, #tpu.memory_space<vmem>> -> memref<1x8x2048xf32, #tpu.memory_space<vmem>>
        %get3A_657 = tpu.memref_squeeze %get3A_656 : memref<1x8x2048xf32, #tpu.memory_space<vmem>> -> memref<8x2048xf32, #tpu.memory_space<vmem>>
        %get3A_658 = arith.index_cast %get3A_653 : i32 to index
        %get3A_659 = arith.index_cast %mul3A_559 : i32 to index
        %get3A_660 = tpu.vector_load %get3A_657[%get3A_658, %get3A_659] {strides = array<i32>} : memref<8x2048xf32, #tpu.memory_space<vmem>>, vector<16xf32>,
        %get3A_661 = arith.constant 3 : i32
        %get3A_662 = arith.constant 0 : i32
        %get3A_663 = arith.constant 0 : i32
        %get3A_664 = tpu.memref_slice %arg8[%scan3A_316, %get3A_662, %get3A_663] : memref<2x8x2048xf32, #tpu.memory_space<vmem>> -> memref<1x8x2048xf32, #tpu.memory_space<vmem>>
        %get3A_665 = tpu.memref_squeeze %get3A_664 : memref<1x8x2048xf32, #tpu.memory_space<vmem>> -> memref<8x2048xf32, #tpu.memory_space<vmem>>
        %get3A_666 = arith.index_cast %get3A_661 : i32 to index
        %get3A_667 = arith.index_cast %mul3A_559 : i32 to index
        %get3A_668 = tpu.vector_load %get3A_665[%get3A_666, %get3A_667] {strides = array<i32>} : memref<8x2048xf32, #tpu.memory_space<vmem>>, vector<16xf32>,
        %ge3A_669 = arith.constant 5.000000e-01 : f32
        %ge3A_670 = vector.broadcast %ge3A_669 : f32 to vector<16xf32>
        %ge3A_671 = arith.cmpf oge, %get3A_668, %ge3A_670 : vector<16xf32>
        %jit3A_672 = arith.constant 0x7F800000 : f32
        %broadcast_in_dim3A_673 = vector.broadcast %jit3A_672 : f32 to vector<16xf32>
        %select_n3A_674 = arith.select %ge3A_671, %get3A_660, %broadcast_in_dim3A_673 : vector<16xi1>, vector<16xf32>
        %jit3A_675 = arith.constant 0xFF800000 : f32
        %broadcast_in_dim3A_676 = vector.broadcast %jit3A_675 : f32 to vector<16xf32>
        %select_n3A_677 = arith.select %ge3A_671, %broadcast_in_dim3A_676, %get3A_660 : vector<16xi1>, vector<16xf32>
        %min3A_678 = arith.minimumf %scan3A_541, %select_n3A_674 : vector<16xf32>
        %max3A_679 = arith.maximumf %scan3A_549, %select_n3A_677 : vector<16xf32>
        %min3A_680 = arith.minimumf %min3A_651, %select_n3A_674 : vector<16xf32>
        %max3A_681 = arith.maximumf %max3A_652, %select_n3A_677 : vector<16xf32>
        %get3A_682 = arith.constant 4 : i32
        %get3A_683 = arith.constant 0 : i32
        %get3A_684 = arith.constant 0 : i32
        %get3A_685 = tpu.memref_slice %arg7[%scan3A_315, %get3A_683, %get3A_684] : memref<2x8x2048xf32, #tpu.memory_space<vmem>> -> memref<1x8x2048xf32, #tpu.memory_space<vmem>>
        %get3A_686 = tpu.memref_squeeze %get3A_685 : memref<1x8x2048xf32, #tpu.memory_space<vmem>> -> memref<8x2048xf32, #tpu.memory_space<vmem>>
        %get3A_687 = arith.index_cast %get3A_682 : i32 to index
        %get3A_688 = arith.index_cast %mul3A_559 : i32 to index
        %get3A_689 = tpu.vector_load %get3A_686[%get3A_687, %get3A_688] {strides = array<i32>} : memref<8x2048xf32, #tpu.memory_space<vmem>>, vector<16xf32>,
        %get3A_690 = arith.constant 4 : i32
        %get3A_691 = arith.constant 0 : i32
        %get3A_692 = arith.constant 0 : i32
        %get3A_693 = tpu.memref_slice %arg8[%scan3A_316, %get3A_691, %get3A_692] : memref<2x8x2048xf32, #tpu.memory_space<vmem>> -> memref<1x8x2048xf32, #tpu.memory_space<vmem>>
        %get3A_694 = tpu.memref_squeeze %get3A_693 : memref<1x8x2048xf32, #tpu.memory_space<vmem>> -> memref<8x2048xf32, #tpu.memory_space<vmem>>
        %get3A_695 = arith.index_cast %get3A_690 : i32 to index
        %get3A_696 = arith.index_cast %mul3A_559 : i32 to index
        %get3A_697 = tpu.vector_load %get3A_694[%get3A_695, %get3A_696] {strides = array<i32>} : memref<8x2048xf32, #tpu.memory_space<vmem>>, vector<16xf32>,
        %ge3A_698 = arith.constant 5.000000e-01 : f32
        %ge3A_699 = vector.broadcast %ge3A_698 : f32 to vector<16xf32>
        %ge3A_700 = arith.cmpf oge, %get3A_697, %ge3A_699 : vector<16xf32>
        %jit3A_701 = arith.constant 0x7F800000 : f32
        %broadcast_in_dim3A_702 = vector.broadcast %jit3A_701 : f32 to vector<16xf32>
        %select_n3A_703 = arith.select %ge3A_700, %get3A_689, %broadcast_in_dim3A_702 : vector<16xi1>, vector<16xf32>
        %jit3A_704 = arith.constant 0xFF800000 : f32
        %broadcast_in_dim3A_705 = vector.broadcast %jit3A_704 : f32 to vector<16xf32>
        %select_n3A_706 = arith.select %ge3A_700, %broadcast_in_dim3A_705, %get3A_689 : vector<16xi1>, vector<16xf32>
        %min3A_707 = arith.minimumf %scan3A_542, %select_n3A_703 : vector<16xf32>
        %max3A_708 = arith.maximumf %scan3A_550, %select_n3A_706 : vector<16xf32>
        %min3A_709 = arith.minimumf %min3A_680, %select_n3A_703 : vector<16xf32>
        %max3A_710 = arith.maximumf %max3A_681, %select_n3A_706 : vector<16xf32>
        %get3A_711 = arith.constant 5 : i32
        %get3A_712 = arith.constant 0 : i32
        %get3A_713 = arith.constant 0 : i32
        %get3A_714 = tpu.memref_slice %arg7[%scan3A_315, %get3A_712, %get3A_713] : memref<2x8x2048xf32, #tpu.memory_space<vmem>> -> memref<1x8x2048xf32, #tpu.memory_space<vmem>>
        %get3A_715 = tpu.memref_squeeze %get3A_714 : memref<1x8x2048xf32, #tpu.memory_space<vmem>> -> memref<8x2048xf32, #tpu.memory_space<vmem>>
        %get3A_716 = arith.index_cast %get3A_711 : i32 to index
        %get3A_717 = arith.index_cast %mul3A_559 : i32 to index
        %get3A_718 = tpu.vector_load %get3A_715[%get3A_716, %get3A_717] {strides = array<i32>} : memref<8x2048xf32, #tpu.memory_space<vmem>>, vector<16xf32>,
        %get3A_719 = arith.constant 5 : i32
        %get3A_720 = arith.constant 0 : i32
        %get3A_721 = arith.constant 0 : i32
        %get3A_722 = tpu.memref_slice %arg8[%scan3A_316, %get3A_720, %get3A_721] : memref<2x8x2048xf32, #tpu.memory_space<vmem>> -> memref<1x8x2048xf32, #tpu.memory_space<vmem>>
        %get3A_723 = tpu.memref_squeeze %get3A_722 : memref<1x8x2048xf32, #tpu.memory_space<vmem>> -> memref<8x2048xf32, #tpu.memory_space<vmem>>
        %get3A_724 = arith.index_cast %get3A_719 : i32 to index
        %get3A_725 = arith.index_cast %mul3A_559 : i32 to index
        %get3A_726 = tpu.vector_load %get3A_723[%get3A_724, %get3A_725] {strides = array<i32>} : memref<8x2048xf32, #tpu.memory_space<vmem>>, vector<16xf32>,
        %ge3A_727 = arith.constant 5.000000e-01 : f32
        %ge3A_728 = vector.broadcast %ge3A_727 : f32 to vector<16xf32>
        %ge3A_729 = arith.cmpf oge, %get3A_726, %ge3A_728 : vector<16xf32>
        %jit3A_730 = arith.constant 0x7F800000 : f32
        %broadcast_in_dim3A_731 = vector.broadcast %jit3A_730 : f32 to vector<16xf32>
        %select_n3A_732 = arith.select %ge3A_729, %get3A_718, %broadcast_in_dim3A_731 : vector<16xi1>, vector<16xf32>
        %jit3A_733 = arith.constant 0xFF800000 : f32
        %broadcast_in_dim3A_734 = vector.broadcast %jit3A_733 : f32 to vector<16xf32>
        %select_n3A_735 = arith.select %ge3A_729, %broadcast_in_dim3A_734, %get3A_718 : vector<16xi1>, vector<16xf32>
        %min3A_736 = arith.minimumf %scan3A_543, %select_n3A_732 : vector<16xf32>
        %max3A_737 = arith.maximumf %scan3A_551, %select_n3A_735 : vector<16xf32>
        %min3A_738 = arith.minimumf %min3A_709, %select_n3A_732 : vector<16xf32>
        %max3A_739 = arith.maximumf %max3A_710, %select_n3A_735 : vector<16xf32>
        %get3A_740 = arith.constant 6 : i32
        %get3A_741 = arith.constant 0 : i32
        %get3A_742 = arith.constant 0 : i32
        %get3A_743 = tpu.memref_slice %arg7[%scan3A_315, %get3A_741, %get3A_742] : memref<2x8x2048xf32, #tpu.memory_space<vmem>> -> memref<1x8x2048xf32, #tpu.memory_space<vmem>>
        %get3A_744 = tpu.memref_squeeze %get3A_743 : memref<1x8x2048xf32, #tpu.memory_space<vmem>> -> memref<8x2048xf32, #tpu.memory_space<vmem>>
        %get3A_745 = arith.index_cast %get3A_740 : i32 to index
        %get3A_746 = arith.index_cast %mul3A_559 : i32 to index
        %get3A_747 = tpu.vector_load %get3A_744[%get3A_745, %get3A_746] {strides = array<i32>} : memref<8x2048xf32, #tpu.memory_space<vmem>>, vector<16xf32>,
        %get3A_748 = arith.constant 6 : i32
        %get3A_749 = arith.constant 0 : i32
        %get3A_750 = arith.constant 0 : i32
        %get3A_751 = tpu.memref_slice %arg8[%scan3A_316, %get3A_749, %get3A_750] : memref<2x8x2048xf32, #tpu.memory_space<vmem>> -> memref<1x8x2048xf32, #tpu.memory_space<vmem>>
        %get3A_752 = tpu.memref_squeeze %get3A_751 : memref<1x8x2048xf32, #tpu.memory_space<vmem>> -> memref<8x2048xf32, #tpu.memory_space<vmem>>
        %get3A_753 = arith.index_cast %get3A_748 : i32 to index
        %get3A_754 = arith.index_cast %mul3A_559 : i32 to index
        %get3A_755 = tpu.vector_load %get3A_752[%get3A_753, %get3A_754] {strides = array<i32>} : memref<8x2048xf32, #tpu.memory_space<vmem>>, vector<16xf32>,
        %ge3A_756 = arith.constant 5.000000e-01 : f32
        %ge3A_757 = vector.broadcast %ge3A_756 : f32 to vector<16xf32>
        %ge3A_758 = arith.cmpf oge, %get3A_755, %ge3A_757 : vector<16xf32>
        %jit3A_759 = arith.constant 0x7F800000 : f32
        %broadcast_in_dim3A_760 = vector.broadcast %jit3A_759 : f32 to vector<16xf32>
        %select_n3A_761 = arith.select %ge3A_758, %get3A_747, %broadcast_in_dim3A_760 : vector<16xi1>, vector<16xf32>
        %jit3A_762 = arith.constant 0xFF800000 : f32
        %broadcast_in_dim3A_763 = vector.broadcast %jit3A_762 : f32 to vector<16xf32>
        %select_n3A_764 = arith.select %ge3A_758, %broadcast_in_dim3A_763, %get3A_747 : vector<16xi1>, vector<16xf32>
        %min3A_765 = arith.minimumf %scan3A_544, %select_n3A_761 : vector<16xf32>
        %max3A_766 = arith.maximumf %scan3A_552, %select_n3A_764 : vector<16xf32>
        %min3A_767 = arith.minimumf %min3A_738, %select_n3A_761 : vector<16xf32>
        %max3A_768 = arith.maximumf %max3A_739, %select_n3A_764 : vector<16xf32>
        %get3A_769 = arith.constant 7 : i32
        %get3A_770 = arith.constant 0 : i32
        %get3A_771 = arith.constant 0 : i32
        %get3A_772 = tpu.memref_slice %arg7[%scan3A_315, %get3A_770, %get3A_771] : memref<2x8x2048xf32, #tpu.memory_space<vmem>> -> memref<1x8x2048xf32, #tpu.memory_space<vmem>>
        %get3A_773 = tpu.memref_squeeze %get3A_772 : memref<1x8x2048xf32, #tpu.memory_space<vmem>> -> memref<8x2048xf32, #tpu.memory_space<vmem>>
        %get3A_774 = arith.index_cast %get3A_769 : i32 to index
        %get3A_775 = arith.index_cast %mul3A_559 : i32 to index
        %get3A_776 = tpu.vector_load %get3A_773[%get3A_774, %get3A_775] {strides = array<i32>} : memref<8x2048xf32, #tpu.memory_space<vmem>>, vector<16xf32>,
        %get3A_777 = arith.constant 7 : i32
        %get3A_778 = arith.constant 0 : i32
        %get3A_779 = arith.constant 0 : i32
        %get3A_780 = tpu.memref_slice %arg8[%scan3A_316, %get3A_778, %get3A_779] : memref<2x8x2048xf32, #tpu.memory_space<vmem>> -> memref<1x8x2048xf32, #tpu.memory_space<vmem>>
        %get3A_781 = tpu.memref_squeeze %get3A_780 : memref<1x8x2048xf32, #tpu.memory_space<vmem>> -> memref<8x2048xf32, #tpu.memory_space<vmem>>
        %get3A_782 = arith.index_cast %get3A_777 : i32 to index
        %get3A_783 = arith.index_cast %mul3A_559 : i32 to index
        %get3A_784 = tpu.vector_load %get3A_781[%get3A_782, %get3A_783] {strides = array<i32>} : memref<8x2048xf32, #tpu.memory_space<vmem>>, vector<16xf32>,
        %ge3A_785 = arith.constant 5.000000e-01 : f32
        %ge3A_786 = vector.broadcast %ge3A_785 : f32 to vector<16xf32>
        %ge3A_787 = arith.cmpf oge, %get3A_784, %ge3A_786 : vector<16xf32>
        %jit3A_788 = arith.constant 0x7F800000 : f32
        %broadcast_in_dim3A_789 = vector.broadcast %jit3A_788 : f32 to vector<16xf32>
        %select_n3A_790 = arith.select %ge3A_787, %get3A_776, %broadcast_in_dim3A_789 : vector<16xi1>, vector<16xf32>
        %jit3A_791 = arith.constant 0xFF800000 : f32
        %broadcast_in_dim3A_792 = vector.broadcast %jit3A_791 : f32 to vector<16xf32>
        %select_n3A_793 = arith.select %ge3A_787, %broadcast_in_dim3A_792, %get3A_776 : vector<16xi1>, vector<16xf32>
        %min3A_794 = arith.minimumf %scan3A_545, %select_n3A_790 : vector<16xf32>
        %max3A_795 = arith.maximumf %scan3A_553, %select_n3A_793 : vector<16xf32>
        %min3A_796 = arith.minimumf %min3A_767, %select_n3A_790 : vector<16xf32>
        %max3A_797 = arith.maximumf %max3A_768, %select_n3A_793 : vector<16xf32>
        %swap3A_798 = arith.index_cast %add3A_563 : i32 to index
        %swap3A_799 = tpu.vector_load %arg9[%swap3A_798] {strides = array<i32>} : memref<4096xf32, #tpu.memory_space<vmem>>, vector<16xf32>,
        tpu.vector_store %arg9[%swap3A_798], %min3A_796 {strides = array<i32>} : memref<4096xf32, #tpu.memory_space<vmem>>, vector<16xf32>,
        %swap3A_800 = arith.index_cast %add3A_563 : i32 to index
        %swap3A_801 = tpu.vector_load %arg10[%swap3A_800] {strides = array<i32>} : memref<4096xf32, #tpu.memory_space<vmem>>, vector<16xf32>,
        tpu.vector_store %arg10[%swap3A_800], %max3A_797 {strides = array<i32>} : memref<4096xf32, #tpu.memory_space<vmem>>, vector<16xf32>,
        %mul3A_802 = arith.constant 4 : i32
        %mul3A_803 = arith.muli %scan3A_537, %mul3A_802 : i32
        %add3A_804 = arith.constant 1 : i32
        %add3A_805 = arith.addi %mul3A_803, %add3A_804 : i32
        %mul3A_806 = arith.constant 16 : i32
        %mul3A_807 = arith.muli %add3A_805, %mul3A_806 : i32
        %mul3A_808 = arith.constant 16 : i32
        %mul3A_809 = arith.muli %add3A_805, %mul3A_808 : i32
        %add3A_810 = arith.constant 2048 : i32
        %add3A_811 = arith.addi %add3A_810, %mul3A_809 : i32
        %get3A_812 = arith.index_cast %add3A_811 : i32 to index
        %get3A_813 = tpu.vector_load %arg9[%get3A_812] {strides = array<i32>} : memref<4096xf32, #tpu.memory_space<vmem>>, vector<16xf32>,
        %get3A_814 = arith.index_cast %add3A_811 : i32 to index
        %get3A_815 = tpu.vector_load %arg10[%get3A_814] {strides = array<i32>} : memref<4096xf32, #tpu.memory_space<vmem>>, vector<16xf32>,
        %get3A_816 = arith.constant 0 : i32
        %get3A_817 = arith.constant 0 : i32
        %get3A_818 = arith.constant 0 : i32
        %get3A_819 = tpu.memref_slice %arg7[%scan3A_315, %get3A_817, %get3A_818] : memref<2x8x2048xf32, #tpu.memory_space<vmem>> -> memref<1x8x2048xf32, #tpu.memory_space<vmem>>
        %get3A_820 = tpu.memref_squeeze %get3A_819 : memref<1x8x2048xf32, #tpu.memory_space<vmem>> -> memref<8x2048xf32, #tpu.memory_space<vmem>>
        %get3A_821 = arith.index_cast %get3A_816 : i32 to index
        %get3A_822 = arith.index_cast %mul3A_807 : i32 to index
        %get3A_823 = tpu.vector_load %get3A_820[%get3A_821, %get3A_822] {strides = array<i32>} : memref<8x2048xf32, #tpu.memory_space<vmem>>, vector<16xf32>,
        %get3A_824 = arith.constant 0 : i32
        %get3A_825 = arith.constant 0 : i32
        %get3A_826 = arith.constant 0 : i32
        %get3A_827 = tpu.memref_slice %arg8[%scan3A_316, %get3A_825, %get3A_826] : memref<2x8x2048xf32, #tpu.memory_space<vmem>> -> memref<1x8x2048xf32, #tpu.memory_space<vmem>>
        %get3A_828 = tpu.memref_squeeze %get3A_827 : memref<1x8x2048xf32, #tpu.memory_space<vmem>> -> memref<8x2048xf32, #tpu.memory_space<vmem>>
        %get3A_829 = arith.index_cast %get3A_824 : i32 to index
        %get3A_830 = arith.index_cast %mul3A_807 : i32 to index
        %get3A_831 = tpu.vector_load %get3A_828[%get3A_829, %get3A_830] {strides = array<i32>} : memref<8x2048xf32, #tpu.memory_space<vmem>>, vector<16xf32>,
        %ge3A_832 = arith.constant 5.000000e-01 : f32
        %ge3A_833 = vector.broadcast %ge3A_832 : f32 to vector<16xf32>
        %ge3A_834 = arith.cmpf oge, %get3A_831, %ge3A_833 : vector<16xf32>
        %jit3A_835 = arith.constant 0x7F800000 : f32
        %broadcast_in_dim3A_836 = vector.broadcast %jit3A_835 : f32 to vector<16xf32>
        %select_n3A_837 = arith.select %ge3A_834, %get3A_823, %broadcast_in_dim3A_836 : vector<16xi1>, vector<16xf32>
        %jit3A_838 = arith.constant 0xFF800000 : f32
        %broadcast_in_dim3A_839 = vector.broadcast %jit3A_838 : f32 to vector<16xf32>
        %select_n3A_840 = arith.select %ge3A_834, %broadcast_in_dim3A_839, %get3A_823 : vector<16xi1>, vector<16xf32>
        %min3A_841 = arith.minimumf %min3A_591, %select_n3A_837 : vector<16xf32>
        %max3A_842 = arith.maximumf %max3A_592, %select_n3A_840 : vector<16xf32>
        %min3A_843 = arith.minimumf %get3A_813, %select_n3A_837 : vector<16xf32>
        %max3A_844 = arith.maximumf %get3A_815, %select_n3A_840 : vector<16xf32>
        %get3A_845 = arith.constant 1 : i32
        %get3A_846 = arith.constant 0 : i32
        %get3A_847 = arith.constant 0 : i32
        %get3A_848 = tpu.memref_slice %arg7[%scan3A_315, %get3A_846, %get3A_847] : memref<2x8x2048xf32, #tpu.memory_space<vmem>> -> memref<1x8x2048xf32, #tpu.memory_space<vmem>>
        %get3A_849 = tpu.memref_squeeze %get3A_848 : memref<1x8x2048xf32, #tpu.memory_space<vmem>> -> memref<8x2048xf32, #tpu.memory_space<vmem>>
        %get3A_850 = arith.index_cast %get3A_845 : i32 to index
        %get3A_851 = arith.index_cast %mul3A_807 : i32 to index
        %get3A_852 = tpu.vector_load %get3A_849[%get3A_850, %get3A_851] {strides = array<i32>} : memref<8x2048xf32, #tpu.memory_space<vmem>>, vector<16xf32>,
        %get3A_853 = arith.constant 1 : i32
        %get3A_854 = arith.constant 0 : i32
        %get3A_855 = arith.constant 0 : i32
        %get3A_856 = tpu.memref_slice %arg8[%scan3A_316, %get3A_854, %get3A_855] : memref<2x8x2048xf32, #tpu.memory_space<vmem>> -> memref<1x8x2048xf32, #tpu.memory_space<vmem>>
        %get3A_857 = tpu.memref_squeeze %get3A_856 : memref<1x8x2048xf32, #tpu.memory_space<vmem>> -> memref<8x2048xf32, #tpu.memory_space<vmem>>
        %get3A_858 = arith.index_cast %get3A_853 : i32 to index
        %get3A_859 = arith.index_cast %mul3A_807 : i32 to index
        %get3A_860 = tpu.vector_load %get3A_857[%get3A_858, %get3A_859] {strides = array<i32>} : memref<8x2048xf32, #tpu.memory_space<vmem>>, vector<16xf32>,
        %ge3A_861 = arith.constant 5.000000e-01 : f32
        %ge3A_862 = vector.broadcast %ge3A_861 : f32 to vector<16xf32>
        %ge3A_863 = arith.cmpf oge, %get3A_860, %ge3A_862 : vector<16xf32>
        %jit3A_864 = arith.constant 0x7F800000 : f32
        %broadcast_in_dim3A_865 = vector.broadcast %jit3A_864 : f32 to vector<16xf32>
        %select_n3A_866 = arith.select %ge3A_863, %get3A_852, %broadcast_in_dim3A_865 : vector<16xi1>, vector<16xf32>
        %jit3A_867 = arith.constant 0xFF800000 : f32
        %broadcast_in_dim3A_868 = vector.broadcast %jit3A_867 : f32 to vector<16xf32>
        %select_n3A_869 = arith.select %ge3A_863, %broadcast_in_dim3A_868, %get3A_852 : vector<16xi1>, vector<16xf32>
        %min3A_870 = arith.minimumf %min3A_620, %select_n3A_866 : vector<16xf32>
        %max3A_871 = arith.maximumf %max3A_621, %select_n3A_869 : vector<16xf32>
        %min3A_872 = arith.minimumf %min3A_843, %select_n3A_866 : vector<16xf32>
        %max3A_873 = arith.maximumf %max3A_844, %select_n3A_869 : vector<16xf32>
        %get3A_874 = arith.constant 2 : i32
        %get3A_875 = arith.constant 0 : i32
        %get3A_876 = arith.constant 0 : i32
        %get3A_877 = tpu.memref_slice %arg7[%scan3A_315, %get3A_875, %get3A_876] : memref<2x8x2048xf32, #tpu.memory_space<vmem>> -> memref<1x8x2048xf32, #tpu.memory_space<vmem>>
        %get3A_878 = tpu.memref_squeeze %get3A_877 : memref<1x8x2048xf32, #tpu.memory_space<vmem>> -> memref<8x2048xf32, #tpu.memory_space<vmem>>
        %get3A_879 = arith.index_cast %get3A_874 : i32 to index
        %get3A_880 = arith.index_cast %mul3A_807 : i32 to index
        %get3A_881 = tpu.vector_load %get3A_878[%get3A_879, %get3A_880] {strides = array<i32>} : memref<8x2048xf32, #tpu.memory_space<vmem>>, vector<16xf32>,
        %get3A_882 = arith.constant 2 : i32
        %get3A_883 = arith.constant 0 : i32
        %get3A_884 = arith.constant 0 : i32
        %get3A_885 = tpu.memref_slice %arg8[%scan3A_316, %get3A_883, %get3A_884] : memref<2x8x2048xf32, #tpu.memory_space<vmem>> -> memref<1x8x2048xf32, #tpu.memory_space<vmem>>
        %get3A_886 = tpu.memref_squeeze %get3A_885 : memref<1x8x2048xf32, #tpu.memory_space<vmem>> -> memref<8x2048xf32, #tpu.memory_space<vmem>>
        %get3A_887 = arith.index_cast %get3A_882 : i32 to index
        %get3A_888 = arith.index_cast %mul3A_807 : i32 to index
        %get3A_889 = tpu.vector_load %get3A_886[%get3A_887, %get3A_888] {strides = array<i32>} : memref<8x2048xf32, #tpu.memory_space<vmem>>, vector<16xf32>,
        %ge3A_890 = arith.constant 5.000000e-01 : f32
        %ge3A_891 = vector.broadcast %ge3A_890 : f32 to vector<16xf32>
        %ge3A_892 = arith.cmpf oge, %get3A_889, %ge3A_891 : vector<16xf32>
        %jit3A_893 = arith.constant 0x7F800000 : f32
        %broadcast_in_dim3A_894 = vector.broadcast %jit3A_893 : f32 to vector<16xf32>
        %select_n3A_895 = arith.select %ge3A_892, %get3A_881, %broadcast_in_dim3A_894 : vector<16xi1>, vector<16xf32>
        %jit3A_896 = arith.constant 0xFF800000 : f32
        %broadcast_in_dim3A_897 = vector.broadcast %jit3A_896 : f32 to vector<16xf32>
        %select_n3A_898 = arith.select %ge3A_892, %broadcast_in_dim3A_897, %get3A_881 : vector<16xi1>, vector<16xf32>
        %min3A_899 = arith.minimumf %min3A_649, %select_n3A_895 : vector<16xf32>
        %max3A_900 = arith.maximumf %max3A_650, %select_n3A_898 : vector<16xf32>
        %min3A_901 = arith.minimumf %min3A_872, %select_n3A_895 : vector<16xf32>
        %max3A_902 = arith.maximumf %max3A_873, %select_n3A_898 : vector<16xf32>
        %get3A_903 = arith.constant 3 : i32
        %get3A_904 = arith.constant 0 : i32
        %get3A_905 = arith.constant 0 : i32
        %get3A_906 = tpu.memref_slice %arg7[%scan3A_315, %get3A_904, %get3A_905] : memref<2x8x2048xf32, #tpu.memory_space<vmem>> -> memref<1x8x2048xf32, #tpu.memory_space<vmem>>
        %get3A_907 = tpu.memref_squeeze %get3A_906 : memref<1x8x2048xf32, #tpu.memory_space<vmem>> -> memref<8x2048xf32, #tpu.memory_space<vmem>>
        %get3A_908 = arith.index_cast %get3A_903 : i32 to index
        %get3A_909 = arith.index_cast %mul3A_807 : i32 to index
        %get3A_910 = tpu.vector_load %get3A_907[%get3A_908, %get3A_909] {strides = array<i32>} : memref<8x2048xf32, #tpu.memory_space<vmem>>, vector<16xf32>,
        %get3A_911 = arith.constant 3 : i32
        %get3A_912 = arith.constant 0 : i32
        %get3A_913 = arith.constant 0 : i32
        %get3A_914 = tpu.memref_slice %arg8[%scan3A_316, %get3A_912, %get3A_913] : memref<2x8x2048xf32, #tpu.memory_space<vmem>> -> memref<1x8x2048xf32, #tpu.memory_space<vmem>>
        %get3A_915 = tpu.memref_squeeze %get3A_914 : memref<1x8x2048xf32, #tpu.memory_space<vmem>> -> memref<8x2048xf32, #tpu.memory_space<vmem>>
        %get3A_916 = arith.index_cast %get3A_911 : i32 to index
        %get3A_917 = arith.index_cast %mul3A_807 : i32 to index
        %get3A_918 = tpu.vector_load %get3A_915[%get3A_916, %get3A_917] {strides = array<i32>} : memref<8x2048xf32, #tpu.memory_space<vmem>>, vector<16xf32>,
        %ge3A_919 = arith.constant 5.000000e-01 : f32
        %ge3A_920 = vector.broadcast %ge3A_919 : f32 to vector<16xf32>
        %ge3A_921 = arith.cmpf oge, %get3A_918, %ge3A_920 : vector<16xf32>
        %jit3A_922 = arith.constant 0x7F800000 : f32
        %broadcast_in_dim3A_923 = vector.broadcast %jit3A_922 : f32 to vector<16xf32>
        %select_n3A_924 = arith.select %ge3A_921, %get3A_910, %broadcast_in_dim3A_923 : vector<16xi1>, vector<16xf32>
        %jit3A_925 = arith.constant 0xFF800000 : f32
        %broadcast_in_dim3A_926 = vector.broadcast %jit3A_925 : f32 to vector<16xf32>
        %select_n3A_927 = arith.select %ge3A_921, %broadcast_in_dim3A_926, %get3A_910 : vector<16xi1>, vector<16xf32>
        %min3A_928 = arith.minimumf %min3A_678, %select_n3A_924 : vector<16xf32>
        %max3A_929 = arith.maximumf %max3A_679, %select_n3A_927 : vector<16xf32>
        %min3A_930 = arith.minimumf %min3A_901, %select_n3A_924 : vector<16xf32>
        %max3A_931 = arith.maximumf %max3A_902, %select_n3A_927 : vector<16xf32>
        %get3A_932 = arith.constant 4 : i32
        %get3A_933 = arith.constant 0 : i32
        %get3A_934 = arith.constant 0 : i32
        %get3A_935 = tpu.memref_slice %arg7[%scan3A_315, %get3A_933, %get3A_934] : memref<2x8x2048xf32, #tpu.memory_space<vmem>> -> memref<1x8x2048xf32, #tpu.memory_space<vmem>>
        %get3A_936 = tpu.memref_squeeze %get3A_935 : memref<1x8x2048xf32, #tpu.memory_space<vmem>> -> memref<8x2048xf32, #tpu.memory_space<vmem>>
        %get3A_937 = arith.index_cast %get3A_932 : i32 to index
        %get3A_938 = arith.index_cast %mul3A_807 : i32 to index
        %get3A_939 = tpu.vector_load %get3A_936[%get3A_937, %get3A_938] {strides = array<i32>} : memref<8x2048xf32, #tpu.memory_space<vmem>>, vector<16xf32>,
        %get3A_940 = arith.constant 4 : i32
        %get3A_941 = arith.constant 0 : i32
        %get3A_942 = arith.constant 0 : i32
        %get3A_943 = tpu.memref_slice %arg8[%scan3A_316, %get3A_941, %get3A_942] : memref<2x8x2048xf32, #tpu.memory_space<vmem>> -> memref<1x8x2048xf32, #tpu.memory_space<vmem>>
        %get3A_944 = tpu.memref_squeeze %get3A_943 : memref<1x8x2048xf32, #tpu.memory_space<vmem>> -> memref<8x2048xf32, #tpu.memory_space<vmem>>
        %get3A_945 = arith.index_cast %get3A_940 : i32 to index
        %get3A_946 = arith.index_cast %mul3A_807 : i32 to index
        %get3A_947 = tpu.vector_load %get3A_944[%get3A_945, %get3A_946] {strides = array<i32>} : memref<8x2048xf32, #tpu.memory_space<vmem>>, vector<16xf32>,
        %ge3A_948 = arith.constant 5.000000e-01 : f32
        %ge3A_949 = vector.broadcast %ge3A_948 : f32 to vector<16xf32>
        %ge3A_950 = arith.cmpf oge, %get3A_947, %ge3A_949 : vector<16xf32>
        %jit3A_951 = arith.constant 0x7F800000 : f32
        %broadcast_in_dim3A_952 = vector.broadcast %jit3A_951 : f32 to vector<16xf32>
        %select_n3A_953 = arith.select %ge3A_950, %get3A_939, %broadcast_in_dim3A_952 : vector<16xi1>, vector<16xf32>
        %jit3A_954 = arith.constant 0xFF800000 : f32
        %broadcast_in_dim3A_955 = vector.broadcast %jit3A_954 : f32 to vector<16xf32>
        %select_n3A_956 = arith.select %ge3A_950, %broadcast_in_dim3A_955, %get3A_939 : vector<16xi1>, vector<16xf32>
        %min3A_957 = arith.minimumf %min3A_707, %select_n3A_953 : vector<16xf32>
        %max3A_958 = arith.maximumf %max3A_708, %select_n3A_956 : vector<16xf32>
        %min3A_959 = arith.minimumf %min3A_930, %select_n3A_953 : vector<16xf32>
        %max3A_960 = arith.maximumf %max3A_931, %select_n3A_956 : vector<16xf32>
        %get3A_961 = arith.constant 5 : i32
        %get3A_962 = arith.constant 0 : i32
        %get3A_963 = arith.constant 0 : i32
        %get3A_964 = tpu.memref_slice %arg7[%scan3A_315, %get3A_962, %get3A_963] : memref<2x8x2048xf32, #tpu.memory_space<vmem>> -> memref<1x8x2048xf32, #tpu.memory_space<vmem>>
        %get3A_965 = tpu.memref_squeeze %get3A_964 : memref<1x8x2048xf32, #tpu.memory_space<vmem>> -> memref<8x2048xf32, #tpu.memory_space<vmem>>
        %get3A_966 = arith.index_cast %get3A_961 : i32 to index
        %get3A_967 = arith.index_cast %mul3A_807 : i32 to index
        %get3A_968 = tpu.vector_load %get3A_965[%get3A_966, %get3A_967] {strides = array<i32>} : memref<8x2048xf32, #tpu.memory_space<vmem>>, vector<16xf32>,
        %get3A_969 = arith.constant 5 : i32
        %get3A_970 = arith.constant 0 : i32
        %get3A_971 = arith.constant 0 : i32
        %get3A_972 = tpu.memref_slice %arg8[%scan3A_316, %get3A_970, %get3A_971] : memref<2x8x2048xf32, #tpu.memory_space<vmem>> -> memref<1x8x2048xf32, #tpu.memory_space<vmem>>
        %get3A_973 = tpu.memref_squeeze %get3A_972 : memref<1x8x2048xf32, #tpu.memory_space<vmem>> -> memref<8x2048xf32, #tpu.memory_space<vmem>>
        %get3A_974 = arith.index_cast %get3A_969 : i32 to index
        %get3A_975 = arith.index_cast %mul3A_807 : i32 to index
        %get3A_976 = tpu.vector_load %get3A_973[%get3A_974, %get3A_975] {strides = array<i32>} : memref<8x2048xf32, #tpu.memory_space<vmem>>, vector<16xf32>,
        %ge3A_977 = arith.constant 5.000000e-01 : f32
        %ge3A_978 = vector.broadcast %ge3A_977 : f32 to vector<16xf32>
        %ge3A_979 = arith.cmpf oge, %get3A_976, %ge3A_978 : vector<16xf32>
        %jit3A_980 = arith.constant 0x7F800000 : f32
        %broadcast_in_dim3A_981 = vector.broadcast %jit3A_980 : f32 to vector<16xf32>
        %select_n3A_982 = arith.select %ge3A_979, %get3A_968, %broadcast_in_dim3A_981 : vector<16xi1>, vector<16xf32>
        %jit3A_983 = arith.constant 0xFF800000 : f32
        %broadcast_in_dim3A_984 = vector.broadcast %jit3A_983 : f32 to vector<16xf32>
        %select_n3A_985 = arith.select %ge3A_979, %broadcast_in_dim3A_984, %get3A_968 : vector<16xi1>, vector<16xf32>
        %min3A_986 = arith.minimumf %min3A_736, %select_n3A_982 : vector<16xf32>
        %max3A_987 = arith.maximumf %max3A_737, %select_n3A_985 : vector<16xf32>
        %min3A_988 = arith.minimumf %min3A_959, %select_n3A_982 : vector<16xf32>
        %max3A_989 = arith.maximumf %max3A_960, %select_n3A_985 : vector<16xf32>
        %get3A_990 = arith.constant 6 : i32
        %get3A_991 = arith.constant 0 : i32
        %get3A_992 = arith.constant 0 : i32
        %get3A_993 = tpu.memref_slice %arg7[%scan3A_315, %get3A_991, %get3A_992] : memref<2x8x2048xf32, #tpu.memory_space<vmem>> -> memref<1x8x2048xf32, #tpu.memory_space<vmem>>
        %get3A_994 = tpu.memref_squeeze %get3A_993 : memref<1x8x2048xf32, #tpu.memory_space<vmem>> -> memref<8x2048xf32, #tpu.memory_space<vmem>>
        %get3A_995 = arith.index_cast %get3A_990 : i32 to index
        %get3A_996 = arith.index_cast %mul3A_807 : i32 to index
        %get3A_997 = tpu.vector_load %get3A_994[%get3A_995, %get3A_996] {strides = array<i32>} : memref<8x2048xf32, #tpu.memory_space<vmem>>, vector<16xf32>,
        %get3A_998 = arith.constant 6 : i32
        %get3A_999 = arith.constant 0 : i32
        %get3A_1000 = arith.constant 0 : i32
        %get3A_1001 = tpu.memref_slice %arg8[%scan3A_316, %get3A_999, %get3A_1000] : memref<2x8x2048xf32, #tpu.memory_space<vmem>> -> memref<1x8x2048xf32, #tpu.memory_space<vmem>>
        %get3A_1002 = tpu.memref_squeeze %get3A_1001 : memref<1x8x2048xf32, #tpu.memory_space<vmem>> -> memref<8x2048xf32, #tpu.memory_space<vmem>>
        %get3A_1003 = arith.index_cast %get3A_998 : i32 to index
        %get3A_1004 = arith.index_cast %mul3A_807 : i32 to index
        %get3A_1005 = tpu.vector_load %get3A_1002[%get3A_1003, %get3A_1004] {strides = array<i32>} : memref<8x2048xf32, #tpu.memory_space<vmem>>, vector<16xf32>,
        %ge3A_1006 = arith.constant 5.000000e-01 : f32
        %ge3A_1007 = vector.broadcast %ge3A_1006 : f32 to vector<16xf32>
        %ge3A_1008 = arith.cmpf oge, %get3A_1005, %ge3A_1007 : vector<16xf32>
        %jit3A_1009 = arith.constant 0x7F800000 : f32
        %broadcast_in_dim3A_1010 = vector.broadcast %jit3A_1009 : f32 to vector<16xf32>
        %select_n3A_1011 = arith.select %ge3A_1008, %get3A_997, %broadcast_in_dim3A_1010 : vector<16xi1>, vector<16xf32>
        %jit3A_1012 = arith.constant 0xFF800000 : f32
        %broadcast_in_dim3A_1013 = vector.broadcast %jit3A_1012 : f32 to vector<16xf32>
        %select_n3A_1014 = arith.select %ge3A_1008, %broadcast_in_dim3A_1013, %get3A_997 : vector<16xi1>, vector<16xf32>
        %min3A_1015 = arith.minimumf %min3A_765, %select_n3A_1011 : vector<16xf32>
        %max3A_1016 = arith.maximumf %max3A_766, %select_n3A_1014 : vector<16xf32>
        %min3A_1017 = arith.minimumf %min3A_988, %select_n3A_1011 : vector<16xf32>
        %max3A_1018 = arith.maximumf %max3A_989, %select_n3A_1014 : vector<16xf32>
        %get3A_1019 = arith.constant 7 : i32
        %get3A_1020 = arith.constant 0 : i32
        %get3A_1021 = arith.constant 0 : i32
        %get3A_1022 = tpu.memref_slice %arg7[%scan3A_315, %get3A_1020, %get3A_1021] : memref<2x8x2048xf32, #tpu.memory_space<vmem>> -> memref<1x8x2048xf32, #tpu.memory_space<vmem>>
        %get3A_1023 = tpu.memref_squeeze %get3A_1022 : memref<1x8x2048xf32, #tpu.memory_space<vmem>> -> memref<8x2048xf32, #tpu.memory_space<vmem>>
        %get3A_1024 = arith.index_cast %get3A_1019 : i32 to index
        %get3A_1025 = arith.index_cast %mul3A_807 : i32 to index
        %get3A_1026 = tpu.vector_load %get3A_1023[%get3A_1024, %get3A_1025] {strides = array<i32>} : memref<8x2048xf32, #tpu.memory_space<vmem>>, vector<16xf32>,
        %get3A_1027 = arith.constant 7 : i32
        %get3A_1028 = arith.constant 0 : i32
        %get3A_1029 = arith.constant 0 : i32
        %get3A_1030 = tpu.memref_slice %arg8[%scan3A_316, %get3A_1028, %get3A_1029] : memref<2x8x2048xf32, #tpu.memory_space<vmem>> -> memref<1x8x2048xf32, #tpu.memory_space<vmem>>
        %get3A_1031 = tpu.memref_squeeze %get3A_1030 : memref<1x8x2048xf32, #tpu.memory_space<vmem>> -> memref<8x2048xf32, #tpu.memory_space<vmem>>
        %get3A_1032 = arith.index_cast %get3A_1027 : i32 to index
        %get3A_1033 = arith.index_cast %mul3A_807 : i32 to index
        %get3A_1034 = tpu.vector_load %get3A_1031[%get3A_1032, %get3A_1033] {strides = array<i32>} : memref<8x2048xf32, #tpu.memory_space<vmem>>, vector<16xf32>,
        %ge3A_1035 = arith.constant 5.000000e-01 : f32
        %ge3A_1036 = vector.broadcast %ge3A_1035 : f32 to vector<16xf32>
        %ge3A_1037 = arith.cmpf oge, %get3A_1034, %ge3A_1036 : vector<16xf32>
        %jit3A_1038 = arith.constant 0x7F800000 : f32
        %broadcast_in_dim3A_1039 = vector.broadcast %jit3A_1038 : f32 to vector<16xf32>
        %select_n3A_1040 = arith.select %ge3A_1037, %get3A_1026, %broadcast_in_dim3A_1039 : vector<16xi1>, vector<16xf32>
        %jit3A_1041 = arith.constant 0xFF800000 : f32
        %broadcast_in_dim3A_1042 = vector.broadcast %jit3A_1041 : f32 to vector<16xf32>
        %select_n3A_1043 = arith.select %ge3A_1037, %broadcast_in_dim3A_1042, %get3A_1026 : vector<16xi1>, vector<16xf32>
        %min3A_1044 = arith.minimumf %min3A_794, %select_n3A_1040 : vector<16xf32>
        %max3A_1045 = arith.maximumf %max3A_795, %select_n3A_1043 : vector<16xf32>
        %min3A_1046 = arith.minimumf %min3A_1017, %select_n3A_1040 : vector<16xf32>
        %max3A_1047 = arith.maximumf %max3A_1018, %select_n3A_1043 : vector<16xf32>
        %swap3A_1048 = arith.index_cast %add3A_811 : i32 to index
        %swap3A_1049 = tpu.vector_load %arg9[%swap3A_1048] {strides = array<i32>} : memref<4096xf32, #tpu.memory_space<vmem>>, vector<16xf32>,
        tpu.vector_store %arg9[%swap3A_1048], %min3A_1046 {strides = array<i32>} : memref<4096xf32, #tpu.memory_space<vmem>>, vector<16xf32>,
        %swap3A_1050 = arith.index_cast %add3A_811 : i32 to index
        %swap3A_1051 = tpu.vector_load %arg10[%swap3A_1050] {strides = array<i32>} : memref<4096xf32, #tpu.memory_space<vmem>>, vector<16xf32>,
        tpu.vector_store %arg10[%swap3A_1050], %max3A_1047 {strides = array<i32>} : memref<4096xf32, #tpu.memory_space<vmem>>, vector<16xf32>,
        %mul3A_1052 = arith.constant 4 : i32
        %mul3A_1053 = arith.muli %scan3A_537, %mul3A_1052 : i32
        %add3A_1054 = arith.constant 2 : i32
        %add3A_1055 = arith.addi %mul3A_1053, %add3A_1054 : i32
        %mul3A_1056 = arith.constant 16 : i32
        %mul3A_1057 = arith.muli %add3A_1055, %mul3A_1056 : i32
        %mul3A_1058 = arith.constant 16 : i32
        %mul3A_1059 = arith.muli %add3A_1055, %mul3A_1058 : i32
        %add3A_1060 = arith.constant 2048 : i32
        %add3A_1061 = arith.addi %add3A_1060, %mul3A_1059 : i32
        %get3A_1062 = arith.index_cast %add3A_1061 : i32 to index
        %get3A_1063 = tpu.vector_load %arg9[%get3A_1062] {strides = array<i32>} : memref<4096xf32, #tpu.memory_space<vmem>>, vector<16xf32>,
        %get3A_1064 = arith.index_cast %add3A_1061 : i32 to index
        %get3A_1065 = tpu.vector_load %arg10[%get3A_1064] {strides = array<i32>} : memref<4096xf32, #tpu.memory_space<vmem>>, vector<16xf32>,
        %get3A_1066 = arith.constant 0 : i32
        %get3A_1067 = arith.constant 0 : i32
        %get3A_1068 = arith.constant 0 : i32
        %get3A_1069 = tpu.memref_slice %arg7[%scan3A_315, %get3A_1067, %get3A_1068] : memref<2x8x2048xf32, #tpu.memory_space<vmem>> -> memref<1x8x2048xf32, #tpu.memory_space<vmem>>
        %get3A_1070 = tpu.memref_squeeze %get3A_1069 : memref<1x8x2048xf32, #tpu.memory_space<vmem>> -> memref<8x2048xf32, #tpu.memory_space<vmem>>
        %get3A_1071 = arith.index_cast %get3A_1066 : i32 to index
        %get3A_1072 = arith.index_cast %mul3A_1057 : i32 to index
        %get3A_1073 = tpu.vector_load %get3A_1070[%get3A_1071, %get3A_1072] {strides = array<i32>} : memref<8x2048xf32, #tpu.memory_space<vmem>>, vector<16xf32>,
        %get3A_1074 = arith.constant 0 : i32
        %get3A_1075 = arith.constant 0 : i32
        %get3A_1076 = arith.constant 0 : i32
        %get3A_1077 = tpu.memref_slice %arg8[%scan3A_316, %get3A_1075, %get3A_1076] : memref<2x8x2048xf32, #tpu.memory_space<vmem>> -> memref<1x8x2048xf32, #tpu.memory_space<vmem>>
        %get3A_1078 = tpu.memref_squeeze %get3A_1077 : memref<1x8x2048xf32, #tpu.memory_space<vmem>> -> memref<8x2048xf32, #tpu.memory_space<vmem>>
        %get3A_1079 = arith.index_cast %get3A_1074 : i32 to index
        %get3A_1080 = arith.index_cast %mul3A_1057 : i32 to index
        %get3A_1081 = tpu.vector_load %get3A_1078[%get3A_1079, %get3A_1080] {strides = array<i32>} : memref<8x2048xf32, #tpu.memory_space<vmem>>, vector<16xf32>,
        %ge3A_1082 = arith.constant 5.000000e-01 : f32
        %ge3A_1083 = vector.broadcast %ge3A_1082 : f32 to vector<16xf32>
        %ge3A_1084 = arith.cmpf oge, %get3A_1081, %ge3A_1083 : vector<16xf32>
        %jit3A_1085 = arith.constant 0x7F800000 : f32
        %broadcast_in_dim3A_1086 = vector.broadcast %jit3A_1085 : f32 to vector<16xf32>
        %select_n3A_1087 = arith.select %ge3A_1084, %get3A_1073, %broadcast_in_dim3A_1086 : vector<16xi1>, vector<16xf32>
        %jit3A_1088 = arith.constant 0xFF800000 : f32
        %broadcast_in_dim3A_1089 = vector.broadcast %jit3A_1088 : f32 to vector<16xf32>
        %select_n3A_1090 = arith.select %ge3A_1084, %broadcast_in_dim3A_1089, %get3A_1073 : vector<16xi1>, vector<16xf32>
        %min3A_1091 = arith.minimumf %min3A_841, %select_n3A_1087 : vector<16xf32>
        %max3A_1092 = arith.maximumf %max3A_842, %select_n3A_1090 : vector<16xf32>
        %min3A_1093 = arith.minimumf %get3A_1063, %select_n3A_1087 : vector<16xf32>
        %max3A_1094 = arith.maximumf %get3A_1065, %select_n3A_1090 : vector<16xf32>
        %get3A_1095 = arith.constant 1 : i32
        %get3A_1096 = arith.constant 0 : i32
        %get3A_1097 = arith.constant 0 : i32
        %get3A_1098 = tpu.memref_slice %arg7[%scan3A_315, %get3A_1096, %get3A_1097] : memref<2x8x2048xf32, #tpu.memory_space<vmem>> -> memref<1x8x2048xf32, #tpu.memory_space<vmem>>
        %get3A_1099 = tpu.memref_squeeze %get3A_1098 : memref<1x8x2048xf32, #tpu.memory_space<vmem>> -> memref<8x2048xf32, #tpu.memory_space<vmem>>
        %get3A_1100 = arith.index_cast %get3A_1095 : i32 to index
        %get3A_1101 = arith.index_cast %mul3A_1057 : i32 to index
        %get3A_1102 = tpu.vector_load %get3A_1099[%get3A_1100, %get3A_1101] {strides = array<i32>} : memref<8x2048xf32, #tpu.memory_space<vmem>>, vector<16xf32>,
        %get3A_1103 = arith.constant 1 : i32
        %get3A_1104 = arith.constant 0 : i32
        %get3A_1105 = arith.constant 0 : i32
        %get3A_1106 = tpu.memref_slice %arg8[%scan3A_316, %get3A_1104, %get3A_1105] : memref<2x8x2048xf32, #tpu.memory_space<vmem>> -> memref<1x8x2048xf32, #tpu.memory_space<vmem>>
        %get3A_1107 = tpu.memref_squeeze %get3A_1106 : memref<1x8x2048xf32, #tpu.memory_space<vmem>> -> memref<8x2048xf32, #tpu.memory_space<vmem>>
        %get3A_1108 = arith.index_cast %get3A_1103 : i32 to index
        %get3A_1109 = arith.index_cast %mul3A_1057 : i32 to index
        %get3A_1110 = tpu.vector_load %get3A_1107[%get3A_1108, %get3A_1109] {strides = array<i32>} : memref<8x2048xf32, #tpu.memory_space<vmem>>, vector<16xf32>,
        %ge3A_1111 = arith.constant 5.000000e-01 : f32
        %ge3A_1112 = vector.broadcast %ge3A_1111 : f32 to vector<16xf32>
        %ge3A_1113 = arith.cmpf oge, %get3A_1110, %ge3A_1112 : vector<16xf32>
        %jit3A_1114 = arith.constant 0x7F800000 : f32
        %broadcast_in_dim3A_1115 = vector.broadcast %jit3A_1114 : f32 to vector<16xf32>
        %select_n3A_1116 = arith.select %ge3A_1113, %get3A_1102, %broadcast_in_dim3A_1115 : vector<16xi1>, vector<16xf32>
        %jit3A_1117 = arith.constant 0xFF800000 : f32
        %broadcast_in_dim3A_1118 = vector.broadcast %jit3A_1117 : f32 to vector<16xf32>
        %select_n3A_1119 = arith.select %ge3A_1113, %broadcast_in_dim3A_1118, %get3A_1102 : vector<16xi1>, vector<16xf32>
        %min3A_1120 = arith.minimumf %min3A_870, %select_n3A_1116 : vector<16xf32>
        %max3A_1121 = arith.maximumf %max3A_871, %select_n3A_1119 : vector<16xf32>
        %min3A_1122 = arith.minimumf %min3A_1093, %select_n3A_1116 : vector<16xf32>
        %max3A_1123 = arith.maximumf %max3A_1094, %select_n3A_1119 : vector<16xf32>
        %get3A_1124 = arith.constant 2 : i32
        %get3A_1125 = arith.constant 0 : i32
        %get3A_1126 = arith.constant 0 : i32
        %get3A_1127 = tpu.memref_slice %arg7[%scan3A_315, %get3A_1125, %get3A_1126] : memref<2x8x2048xf32, #tpu.memory_space<vmem>> -> memref<1x8x2048xf32, #tpu.memory_space<vmem>>
        %get3A_1128 = tpu.memref_squeeze %get3A_1127 : memref<1x8x2048xf32, #tpu.memory_space<vmem>> -> memref<8x2048xf32, #tpu.memory_space<vmem>>
        %get3A_1129 = arith.index_cast %get3A_1124 : i32 to index
        %get3A_1130 = arith.index_cast %mul3A_1057 : i32 to index
        %get3A_1131 = tpu.vector_load %get3A_1128[%get3A_1129, %get3A_1130] {strides = array<i32>} : memref<8x2048xf32, #tpu.memory_space<vmem>>, vector<16xf32>,
        %get3A_1132 = arith.constant 2 : i32
        %get3A_1133 = arith.constant 0 : i32
        %get3A_1134 = arith.constant 0 : i32
        %get3A_1135 = tpu.memref_slice %arg8[%scan3A_316, %get3A_1133, %get3A_1134] : memref<2x8x2048xf32, #tpu.memory_space<vmem>> -> memref<1x8x2048xf32, #tpu.memory_space<vmem>>
        %get3A_1136 = tpu.memref_squeeze %get3A_1135 : memref<1x8x2048xf32, #tpu.memory_space<vmem>> -> memref<8x2048xf32, #tpu.memory_space<vmem>>
        %get3A_1137 = arith.index_cast %get3A_1132 : i32 to index
        %get3A_1138 = arith.index_cast %mul3A_1057 : i32 to index
        %get3A_1139 = tpu.vector_load %get3A_1136[%get3A_1137, %get3A_1138] {strides = array<i32>} : memref<8x2048xf32, #tpu.memory_space<vmem>>, vector<16xf32>,
        %ge3A_1140 = arith.constant 5.000000e-01 : f32
        %ge3A_1141 = vector.broadcast %ge3A_1140 : f32 to vector<16xf32>
        %ge3A_1142 = arith.cmpf oge, %get3A_1139, %ge3A_1141 : vector<16xf32>
        %jit3A_1143 = arith.constant 0x7F800000 : f32
        %broadcast_in_dim3A_1144 = vector.broadcast %jit3A_1143 : f32 to vector<16xf32>
        %select_n3A_1145 = arith.select %ge3A_1142, %get3A_1131, %broadcast_in_dim3A_1144 : vector<16xi1>, vector<16xf32>
        %jit3A_1146 = arith.constant 0xFF800000 : f32
        %broadcast_in_dim3A_1147 = vector.broadcast %jit3A_1146 : f32 to vector<16xf32>
        %select_n3A_1148 = arith.select %ge3A_1142, %broadcast_in_dim3A_1147, %get3A_1131 : vector<16xi1>, vector<16xf32>
        %min3A_1149 = arith.minimumf %min3A_899, %select_n3A_1145 : vector<16xf32>
        %max3A_1150 = arith.maximumf %max3A_900, %select_n3A_1148 : vector<16xf32>
        %min3A_1151 = arith.minimumf %min3A_1122, %select_n3A_1145 : vector<16xf32>
        %max3A_1152 = arith.maximumf %max3A_1123, %select_n3A_1148 : vector<16xf32>
        %get3A_1153 = arith.constant 3 : i32
        %get3A_1154 = arith.constant 0 : i32
        %get3A_1155 = arith.constant 0 : i32
        %get3A_1156 = tpu.memref_slice %arg7[%scan3A_315, %get3A_1154, %get3A_1155] : memref<2x8x2048xf32, #tpu.memory_space<vmem>> -> memref<1x8x2048xf32, #tpu.memory_space<vmem>>
        %get3A_1157 = tpu.memref_squeeze %get3A_1156 : memref<1x8x2048xf32, #tpu.memory_space<vmem>> -> memref<8x2048xf32, #tpu.memory_space<vmem>>
        %get3A_1158 = arith.index_cast %get3A_1153 : i32 to index
        %get3A_1159 = arith.index_cast %mul3A_1057 : i32 to index
        %get3A_1160 = tpu.vector_load %get3A_1157[%get3A_1158, %get3A_1159] {strides = array<i32>} : memref<8x2048xf32, #tpu.memory_space<vmem>>, vector<16xf32>,
        %get3A_1161 = arith.constant 3 : i32
        %get3A_1162 = arith.constant 0 : i32
        %get3A_1163 = arith.constant 0 : i32
        %get3A_1164 = tpu.memref_slice %arg8[%scan3A_316, %get3A_1162, %get3A_1163] : memref<2x8x2048xf32, #tpu.memory_space<vmem>> -> memref<1x8x2048xf32, #tpu.memory_space<vmem>>
        %get3A_1165 = tpu.memref_squeeze %get3A_1164 : memref<1x8x2048xf32, #tpu.memory_space<vmem>> -> memref<8x2048xf32, #tpu.memory_space<vmem>>
        %get3A_1166 = arith.index_cast %get3A_1161 : i32 to index
        %get3A_1167 = arith.index_cast %mul3A_1057 : i32 to index
        %get3A_1168 = tpu.vector_load %get3A_1165[%get3A_1166, %get3A_1167] {strides = array<i32>} : memref<8x2048xf32, #tpu.memory_space<vmem>>, vector<16xf32>,
        %ge3A_1169 = arith.constant 5.000000e-01 : f32
        %ge3A_1170 = vector.broadcast %ge3A_1169 : f32 to vector<16xf32>
        %ge3A_1171 = arith.cmpf oge, %get3A_1168, %ge3A_1170 : vector<16xf32>
        %jit3A_1172 = arith.constant 0x7F800000 : f32
        %broadcast_in_dim3A_1173 = vector.broadcast %jit3A_1172 : f32 to vector<16xf32>
        %select_n3A_1174 = arith.select %ge3A_1171, %get3A_1160, %broadcast_in_dim3A_1173 : vector<16xi1>, vector<16xf32>
        %jit3A_1175 = arith.constant 0xFF800000 : f32
        %broadcast_in_dim3A_1176 = vector.broadcast %jit3A_1175 : f32 to vector<16xf32>
        %select_n3A_1177 = arith.select %ge3A_1171, %broadcast_in_dim3A_1176, %get3A_1160 : vector<16xi1>, vector<16xf32>
        %min3A_1178 = arith.minimumf %min3A_928, %select_n3A_1174 : vector<16xf32>
        %max3A_1179 = arith.maximumf %max3A_929, %select_n3A_1177 : vector<16xf32>
        %min3A_1180 = arith.minimumf %min3A_1151, %select_n3A_1174 : vector<16xf32>
        %max3A_1181 = arith.maximumf %max3A_1152, %select_n3A_1177 : vector<16xf32>
        %get3A_1182 = arith.constant 4 : i32
        %get3A_1183 = arith.constant 0 : i32
        %get3A_1184 = arith.constant 0 : i32
        %get3A_1185 = tpu.memref_slice %arg7[%scan3A_315, %get3A_1183, %get3A_1184] : memref<2x8x2048xf32, #tpu.memory_space<vmem>> -> memref<1x8x2048xf32, #tpu.memory_space<vmem>>
        %get3A_1186 = tpu.memref_squeeze %get3A_1185 : memref<1x8x2048xf32, #tpu.memory_space<vmem>> -> memref<8x2048xf32, #tpu.memory_space<vmem>>
        %get3A_1187 = arith.index_cast %get3A_1182 : i32 to index
        %get3A_1188 = arith.index_cast %mul3A_1057 : i32 to index
        %get3A_1189 = tpu.vector_load %get3A_1186[%get3A_1187, %get3A_1188] {strides = array<i32>} : memref<8x2048xf32, #tpu.memory_space<vmem>>, vector<16xf32>,
        %get3A_1190 = arith.constant 4 : i32
        %get3A_1191 = arith.constant 0 : i32
        %get3A_1192 = arith.constant 0 : i32
        %get3A_1193 = tpu.memref_slice %arg8[%scan3A_316, %get3A_1191, %get3A_1192] : memref<2x8x2048xf32, #tpu.memory_space<vmem>> -> memref<1x8x2048xf32, #tpu.memory_space<vmem>>
        %get3A_1194 = tpu.memref_squeeze %get3A_1193 : memref<1x8x2048xf32, #tpu.memory_space<vmem>> -> memref<8x2048xf32, #tpu.memory_space<vmem>>
        %get3A_1195 = arith.index_cast %get3A_1190 : i32 to index
        %get3A_1196 = arith.index_cast %mul3A_1057 : i32 to index
        %get3A_1197 = tpu.vector_load %get3A_1194[%get3A_1195, %get3A_1196] {strides = array<i32>} : memref<8x2048xf32, #tpu.memory_space<vmem>>, vector<16xf32>,
        %ge3A_1198 = arith.constant 5.000000e-01 : f32
        %ge3A_1199 = vector.broadcast %ge3A_1198 : f32 to vector<16xf32>
        %ge3A_1200 = arith.cmpf oge, %get3A_1197, %ge3A_1199 : vector<16xf32>
        %jit3A_1201 = arith.constant 0x7F800000 : f32
        %broadcast_in_dim3A_1202 = vector.broadcast %jit3A_1201 : f32 to vector<16xf32>
        %select_n3A_1203 = arith.select %ge3A_1200, %get3A_1189, %broadcast_in_dim3A_1202 : vector<16xi1>, vector<16xf32>
        %jit3A_1204 = arith.constant 0xFF800000 : f32
        %broadcast_in_dim3A_1205 = vector.broadcast %jit3A_1204 : f32 to vector<16xf32>
        %select_n3A_1206 = arith.select %ge3A_1200, %broadcast_in_dim3A_1205, %get3A_1189 : vector<16xi1>, vector<16xf32>
        %min3A_1207 = arith.minimumf %min3A_957, %select_n3A_1203 : vector<16xf32>
        %max3A_1208 = arith.maximumf %max3A_958, %select_n3A_1206 : vector<16xf32>
        %min3A_1209 = arith.minimumf %min3A_1180, %select_n3A_1203 : vector<16xf32>
        %max3A_1210 = arith.maximumf %max3A_1181, %select_n3A_1206 : vector<16xf32>
        %get3A_1211 = arith.constant 5 : i32
        %get3A_1212 = arith.constant 0 : i32
        %get3A_1213 = arith.constant 0 : i32
        %get3A_1214 = tpu.memref_slice %arg7[%scan3A_315, %get3A_1212, %get3A_1213] : memref<2x8x2048xf32, #tpu.memory_space<vmem>> -> memref<1x8x2048xf32, #tpu.memory_space<vmem>>
        %get3A_1215 = tpu.memref_squeeze %get3A_1214 : memref<1x8x2048xf32, #tpu.memory_space<vmem>> -> memref<8x2048xf32, #tpu.memory_space<vmem>>
        %get3A_1216 = arith.index_cast %get3A_1211 : i32 to index
        %get3A_1217 = arith.index_cast %mul3A_1057 : i32 to index
        %get3A_1218 = tpu.vector_load %get3A_1215[%get3A_1216, %get3A_1217] {strides = array<i32>} : memref<8x2048xf32, #tpu.memory_space<vmem>>, vector<16xf32>,
        %get3A_1219 = arith.constant 5 : i32
        %get3A_1220 = arith.constant 0 : i32
        %get3A_1221 = arith.constant 0 : i32
        %get3A_1222 = tpu.memref_slice %arg8[%scan3A_316, %get3A_1220, %get3A_1221] : memref<2x8x2048xf32, #tpu.memory_space<vmem>> -> memref<1x8x2048xf32, #tpu.memory_space<vmem>>
        %get3A_1223 = tpu.memref_squeeze %get3A_1222 : memref<1x8x2048xf32, #tpu.memory_space<vmem>> -> memref<8x2048xf32, #tpu.memory_space<vmem>>
        %get3A_1224 = arith.index_cast %get3A_1219 : i32 to index
        %get3A_1225 = arith.index_cast %mul3A_1057 : i32 to index
        %get3A_1226 = tpu.vector_load %get3A_1223[%get3A_1224, %get3A_1225] {strides = array<i32>} : memref<8x2048xf32, #tpu.memory_space<vmem>>, vector<16xf32>,
        %ge3A_1227 = arith.constant 5.000000e-01 : f32
        %ge3A_1228 = vector.broadcast %ge3A_1227 : f32 to vector<16xf32>
        %ge3A_1229 = arith.cmpf oge, %get3A_1226, %ge3A_1228 : vector<16xf32>
        %jit3A_1230 = arith.constant 0x7F800000 : f32
        %broadcast_in_dim3A_1231 = vector.broadcast %jit3A_1230 : f32 to vector<16xf32>
        %select_n3A_1232 = arith.select %ge3A_1229, %get3A_1218, %broadcast_in_dim3A_1231 : vector<16xi1>, vector<16xf32>
        %jit3A_1233 = arith.constant 0xFF800000 : f32
        %broadcast_in_dim3A_1234 = vector.broadcast %jit3A_1233 : f32 to vector<16xf32>
        %select_n3A_1235 = arith.select %ge3A_1229, %broadcast_in_dim3A_1234, %get3A_1218 : vector<16xi1>, vector<16xf32>
        %min3A_1236 = arith.minimumf %min3A_986, %select_n3A_1232 : vector<16xf32>
        %max3A_1237 = arith.maximumf %max3A_987, %select_n3A_1235 : vector<16xf32>
        %min3A_1238 = arith.minimumf %min3A_1209, %select_n3A_1232 : vector<16xf32>
        %max3A_1239 = arith.maximumf %max3A_1210, %select_n3A_1235 : vector<16xf32>
        %get3A_1240 = arith.constant 6 : i32
        %get3A_1241 = arith.constant 0 : i32
        %get3A_1242 = arith.constant 0 : i32
        %get3A_1243 = tpu.memref_slice %arg7[%scan3A_315, %get3A_1241, %get3A_1242] : memref<2x8x2048xf32, #tpu.memory_space<vmem>> -> memref<1x8x2048xf32, #tpu.memory_space<vmem>>
        %get3A_1244 = tpu.memref_squeeze %get3A_1243 : memref<1x8x2048xf32, #tpu.memory_space<vmem>> -> memref<8x2048xf32, #tpu.memory_space<vmem>>
        %get3A_1245 = arith.index_cast %get3A_1240 : i32 to index
        %get3A_1246 = arith.index_cast %mul3A_1057 : i32 to index
        %get3A_1247 = tpu.vector_load %get3A_1244[%get3A_1245, %get3A_1246] {strides = array<i32>} : memref<8x2048xf32, #tpu.memory_space<vmem>>, vector<16xf32>,
        %get3A_1248 = arith.constant 6 : i32
        %get3A_1249 = arith.constant 0 : i32
        %get3A_1250 = arith.constant 0 : i32
        %get3A_1251 = tpu.memref_slice %arg8[%scan3A_316, %get3A_1249, %get3A_1250] : memref<2x8x2048xf32, #tpu.memory_space<vmem>> -> memref<1x8x2048xf32, #tpu.memory_space<vmem>>
        %get3A_1252 = tpu.memref_squeeze %get3A_1251 : memref<1x8x2048xf32, #tpu.memory_space<vmem>> -> memref<8x2048xf32, #tpu.memory_space<vmem>>
        %get3A_1253 = arith.index_cast %get3A_1248 : i32 to index
        %get3A_1254 = arith.index_cast %mul3A_1057 : i32 to index
        %get3A_1255 = tpu.vector_load %get3A_1252[%get3A_1253, %get3A_1254] {strides = array<i32>} : memref<8x2048xf32, #tpu.memory_space<vmem>>, vector<16xf32>,
        %ge3A_1256 = arith.constant 5.000000e-01 : f32
        %ge3A_1257 = vector.broadcast %ge3A_1256 : f32 to vector<16xf32>
        %ge3A_1258 = arith.cmpf oge, %get3A_1255, %ge3A_1257 : vector<16xf32>
        %jit3A_1259 = arith.constant 0x7F800000 : f32
        %broadcast_in_dim3A_1260 = vector.broadcast %jit3A_1259 : f32 to vector<16xf32>
        %select_n3A_1261 = arith.select %ge3A_1258, %get3A_1247, %broadcast_in_dim3A_1260 : vector<16xi1>, vector<16xf32>
        %jit3A_1262 = arith.constant 0xFF800000 : f32
        %broadcast_in_dim3A_1263 = vector.broadcast %jit3A_1262 : f32 to vector<16xf32>
        %select_n3A_1264 = arith.select %ge3A_1258, %broadcast_in_dim3A_1263, %get3A_1247 : vector<16xi1>, vector<16xf32>
        %min3A_1265 = arith.minimumf %min3A_1015, %select_n3A_1261 : vector<16xf32>
        %max3A_1266 = arith.maximumf %max3A_1016, %select_n3A_1264 : vector<16xf32>
        %min3A_1267 = arith.minimumf %min3A_1238, %select_n3A_1261 : vector<16xf32>
        %max3A_1268 = arith.maximumf %max3A_1239, %select_n3A_1264 : vector<16xf32>
        %get3A_1269 = arith.constant 7 : i32
        %get3A_1270 = arith.constant 0 : i32
        %get3A_1271 = arith.constant 0 : i32
        %get3A_1272 = tpu.memref_slice %arg7[%scan3A_315, %get3A_1270, %get3A_1271] : memref<2x8x2048xf32, #tpu.memory_space<vmem>> -> memref<1x8x2048xf32, #tpu.memory_space<vmem>>
        %get3A_1273 = tpu.memref_squeeze %get3A_1272 : memref<1x8x2048xf32, #tpu.memory_space<vmem>> -> memref<8x2048xf32, #tpu.memory_space<vmem>>
        %get3A_1274 = arith.index_cast %get3A_1269 : i32 to index
        %get3A_1275 = arith.index_cast %mul3A_1057 : i32 to index
        %get3A_1276 = tpu.vector_load %get3A_1273[%get3A_1274, %get3A_1275] {strides = array<i32>} : memref<8x2048xf32, #tpu.memory_space<vmem>>, vector<16xf32>,
        %get3A_1277 = arith.constant 7 : i32
        %get3A_1278 = arith.constant 0 : i32
        %get3A_1279 = arith.constant 0 : i32
        %get3A_1280 = tpu.memref_slice %arg8[%scan3A_316, %get3A_1278, %get3A_1279] : memref<2x8x2048xf32, #tpu.memory_space<vmem>> -> memref<1x8x2048xf32, #tpu.memory_space<vmem>>
        %get3A_1281 = tpu.memref_squeeze %get3A_1280 : memref<1x8x2048xf32, #tpu.memory_space<vmem>> -> memref<8x2048xf32, #tpu.memory_space<vmem>>
        %get3A_1282 = arith.index_cast %get3A_1277 : i32 to index
        %get3A_1283 = arith.index_cast %mul3A_1057 : i32 to index
        %get3A_1284 = tpu.vector_load %get3A_1281[%get3A_1282, %get3A_1283] {strides = array<i32>} : memref<8x2048xf32, #tpu.memory_space<vmem>>, vector<16xf32>,
        %ge3A_1285 = arith.constant 5.000000e-01 : f32
        %ge3A_1286 = vector.broadcast %ge3A_1285 : f32 to vector<16xf32>
        %ge3A_1287 = arith.cmpf oge, %get3A_1284, %ge3A_1286 : vector<16xf32>
        %jit3A_1288 = arith.constant 0x7F800000 : f32
        %broadcast_in_dim3A_1289 = vector.broadcast %jit3A_1288 : f32 to vector<16xf32>
        %select_n3A_1290 = arith.select %ge3A_1287, %get3A_1276, %broadcast_in_dim3A_1289 : vector<16xi1>, vector<16xf32>
        %jit3A_1291 = arith.constant 0xFF800000 : f32
        %broadcast_in_dim3A_1292 = vector.broadcast %jit3A_1291 : f32 to vector<16xf32>
        %select_n3A_1293 = arith.select %ge3A_1287, %broadcast_in_dim3A_1292, %get3A_1276 : vector<16xi1>, vector<16xf32>
        %min3A_1294 = arith.minimumf %min3A_1044, %select_n3A_1290 : vector<16xf32>
        %max3A_1295 = arith.maximumf %max3A_1045, %select_n3A_1293 : vector<16xf32>
        %min3A_1296 = arith.minimumf %min3A_1267, %select_n3A_1290 : vector<16xf32>
        %max3A_1297 = arith.maximumf %max3A_1268, %select_n3A_1293 : vector<16xf32>
        %swap3A_1298 = arith.index_cast %add3A_1061 : i32 to index
        %swap3A_1299 = tpu.vector_load %arg9[%swap3A_1298] {strides = array<i32>} : memref<4096xf32, #tpu.memory_space<vmem>>, vector<16xf32>,
        tpu.vector_store %arg9[%swap3A_1298], %min3A_1296 {strides = array<i32>} : memref<4096xf32, #tpu.memory_space<vmem>>, vector<16xf32>,
        %swap3A_1300 = arith.index_cast %add3A_1061 : i32 to index
        %swap3A_1301 = tpu.vector_load %arg10[%swap3A_1300] {strides = array<i32>} : memref<4096xf32, #tpu.memory_space<vmem>>, vector<16xf32>,
        tpu.vector_store %arg10[%swap3A_1300], %max3A_1297 {strides = array<i32>} : memref<4096xf32, #tpu.memory_space<vmem>>, vector<16xf32>,
        %mul3A_1302 = arith.constant 4 : i32
        %mul3A_1303 = arith.muli %scan3A_537, %mul3A_1302 : i32
        %add3A_1304 = arith.constant 3 : i32
        %add3A_1305 = arith.addi %mul3A_1303, %add3A_1304 : i32
        %mul3A_1306 = arith.constant 16 : i32
        %mul3A_1307 = arith.muli %add3A_1305, %mul3A_1306 : i32
        %mul3A_1308 = arith.constant 16 : i32
        %mul3A_1309 = arith.muli %add3A_1305, %mul3A_1308 : i32
        %add3A_1310 = arith.constant 2048 : i32
        %add3A_1311 = arith.addi %add3A_1310, %mul3A_1309 : i32
        %get3A_1312 = arith.index_cast %add3A_1311 : i32 to index
        %get3A_1313 = tpu.vector_load %arg9[%get3A_1312] {strides = array<i32>} : memref<4096xf32, #tpu.memory_space<vmem>>, vector<16xf32>,
        %get3A_1314 = arith.index_cast %add3A_1311 : i32 to index
        %get3A_1315 = tpu.vector_load %arg10[%get3A_1314] {strides = array<i32>} : memref<4096xf32, #tpu.memory_space<vmem>>, vector<16xf32>,
        %get3A_1316 = arith.constant 0 : i32
        %get3A_1317 = arith.constant 0 : i32
        %get3A_1318 = arith.constant 0 : i32
        %get3A_1319 = tpu.memref_slice %arg7[%scan3A_315, %get3A_1317, %get3A_1318] : memref<2x8x2048xf32, #tpu.memory_space<vmem>> -> memref<1x8x2048xf32, #tpu.memory_space<vmem>>
        %get3A_1320 = tpu.memref_squeeze %get3A_1319 : memref<1x8x2048xf32, #tpu.memory_space<vmem>> -> memref<8x2048xf32, #tpu.memory_space<vmem>>
        %get3A_1321 = arith.index_cast %get3A_1316 : i32 to index
        %get3A_1322 = arith.index_cast %mul3A_1307 : i32 to index
        %get3A_1323 = tpu.vector_load %get3A_1320[%get3A_1321, %get3A_1322] {strides = array<i32>} : memref<8x2048xf32, #tpu.memory_space<vmem>>, vector<16xf32>,
        %get3A_1324 = arith.constant 0 : i32
        %get3A_1325 = arith.constant 0 : i32
        %get3A_1326 = arith.constant 0 : i32
        %get3A_1327 = tpu.memref_slice %arg8[%scan3A_316, %get3A_1325, %get3A_1326] : memref<2x8x2048xf32, #tpu.memory_space<vmem>> -> memref<1x8x2048xf32, #tpu.memory_space<vmem>>
        %get3A_1328 = tpu.memref_squeeze %get3A_1327 : memref<1x8x2048xf32, #tpu.memory_space<vmem>> -> memref<8x2048xf32, #tpu.memory_space<vmem>>
        %get3A_1329 = arith.index_cast %get3A_1324 : i32 to index
        %get3A_1330 = arith.index_cast %mul3A_1307 : i32 to index
        %get3A_1331 = tpu.vector_load %get3A_1328[%get3A_1329, %get3A_1330] {strides = array<i32>} : memref<8x2048xf32, #tpu.memory_space<vmem>>, vector<16xf32>,
        %ge3A_1332 = arith.constant 5.000000e-01 : f32
        %ge3A_1333 = vector.broadcast %ge3A_1332 : f32 to vector<16xf32>
        %ge3A_1334 = arith.cmpf oge, %get3A_1331, %ge3A_1333 : vector<16xf32>
        %jit3A_1335 = arith.constant 0x7F800000 : f32
        %broadcast_in_dim3A_1336 = vector.broadcast %jit3A_1335 : f32 to vector<16xf32>
        %select_n3A_1337 = arith.select %ge3A_1334, %get3A_1323, %broadcast_in_dim3A_1336 : vector<16xi1>, vector<16xf32>
        %jit3A_1338 = arith.constant 0xFF800000 : f32
        %broadcast_in_dim3A_1339 = vector.broadcast %jit3A_1338 : f32 to vector<16xf32>
        %select_n3A_1340 = arith.select %ge3A_1334, %broadcast_in_dim3A_1339, %get3A_1323 : vector<16xi1>, vector<16xf32>
        %min3A_1341 = arith.minimumf %min3A_1091, %select_n3A_1337 : vector<16xf32>
        %max3A_1342 = arith.maximumf %max3A_1092, %select_n3A_1340 : vector<16xf32>
        %min3A_1343 = arith.minimumf %get3A_1313, %select_n3A_1337 : vector<16xf32>
        %max3A_1344 = arith.maximumf %get3A_1315, %select_n3A_1340 : vector<16xf32>
        %get3A_1345 = arith.constant 1 : i32
        %get3A_1346 = arith.constant 0 : i32
        %get3A_1347 = arith.constant 0 : i32
        %get3A_1348 = tpu.memref_slice %arg7[%scan3A_315, %get3A_1346, %get3A_1347] : memref<2x8x2048xf32, #tpu.memory_space<vmem>> -> memref<1x8x2048xf32, #tpu.memory_space<vmem>>
        %get3A_1349 = tpu.memref_squeeze %get3A_1348 : memref<1x8x2048xf32, #tpu.memory_space<vmem>> -> memref<8x2048xf32, #tpu.memory_space<vmem>>
        %get3A_1350 = arith.index_cast %get3A_1345 : i32 to index
        %get3A_1351 = arith.index_cast %mul3A_1307 : i32 to index
        %get3A_1352 = tpu.vector_load %get3A_1349[%get3A_1350, %get3A_1351] {strides = array<i32>} : memref<8x2048xf32, #tpu.memory_space<vmem>>, vector<16xf32>,
        %get3A_1353 = arith.constant 1 : i32
        %get3A_1354 = arith.constant 0 : i32
        %get3A_1355 = arith.constant 0 : i32
        %get3A_1356 = tpu.memref_slice %arg8[%scan3A_316, %get3A_1354, %get3A_1355] : memref<2x8x2048xf32, #tpu.memory_space<vmem>> -> memref<1x8x2048xf32, #tpu.memory_space<vmem>>
        %get3A_1357 = tpu.memref_squeeze %get3A_1356 : memref<1x8x2048xf32, #tpu.memory_space<vmem>> -> memref<8x2048xf32, #tpu.memory_space<vmem>>
        %get3A_1358 = arith.index_cast %get3A_1353 : i32 to index
        %get3A_1359 = arith.index_cast %mul3A_1307 : i32 to index
        %get3A_1360 = tpu.vector_load %get3A_1357[%get3A_1358, %get3A_1359] {strides = array<i32>} : memref<8x2048xf32, #tpu.memory_space<vmem>>, vector<16xf32>,
        %ge3A_1361 = arith.constant 5.000000e-01 : f32
        %ge3A_1362 = vector.broadcast %ge3A_1361 : f32 to vector<16xf32>
        %ge3A_1363 = arith.cmpf oge, %get3A_1360, %ge3A_1362 : vector<16xf32>
        %jit3A_1364 = arith.constant 0x7F800000 : f32
        %broadcast_in_dim3A_1365 = vector.broadcast %jit3A_1364 : f32 to vector<16xf32>
        %select_n3A_1366 = arith.select %ge3A_1363, %get3A_1352, %broadcast_in_dim3A_1365 : vector<16xi1>, vector<16xf32>
        %jit3A_1367 = arith.constant 0xFF800000 : f32
        %broadcast_in_dim3A_1368 = vector.broadcast %jit3A_1367 : f32 to vector<16xf32>
        %select_n3A_1369 = arith.select %ge3A_1363, %broadcast_in_dim3A_1368, %get3A_1352 : vector<16xi1>, vector<16xf32>
        %min3A_1370 = arith.minimumf %min3A_1120, %select_n3A_1366 : vector<16xf32>
        %max3A_1371 = arith.maximumf %max3A_1121, %select_n3A_1369 : vector<16xf32>
        %min3A_1372 = arith.minimumf %min3A_1343, %select_n3A_1366 : vector<16xf32>
        %max3A_1373 = arith.maximumf %max3A_1344, %select_n3A_1369 : vector<16xf32>
        %get3A_1374 = arith.constant 2 : i32
        %get3A_1375 = arith.constant 0 : i32
        %get3A_1376 = arith.constant 0 : i32
        %get3A_1377 = tpu.memref_slice %arg7[%scan3A_315, %get3A_1375, %get3A_1376] : memref<2x8x2048xf32, #tpu.memory_space<vmem>> -> memref<1x8x2048xf32, #tpu.memory_space<vmem>>
        %get3A_1378 = tpu.memref_squeeze %get3A_1377 : memref<1x8x2048xf32, #tpu.memory_space<vmem>> -> memref<8x2048xf32, #tpu.memory_space<vmem>>
        %get3A_1379 = arith.index_cast %get3A_1374 : i32 to index
        %get3A_1380 = arith.index_cast %mul3A_1307 : i32 to index
        %get3A_1381 = tpu.vector_load %get3A_1378[%get3A_1379, %get3A_1380] {strides = array<i32>} : memref<8x2048xf32, #tpu.memory_space<vmem>>, vector<16xf32>,
        %get3A_1382 = arith.constant 2 : i32
        %get3A_1383 = arith.constant 0 : i32
        %get3A_1384 = arith.constant 0 : i32
        %get3A_1385 = tpu.memref_slice %arg8[%scan3A_316, %get3A_1383, %get3A_1384] : memref<2x8x2048xf32, #tpu.memory_space<vmem>> -> memref<1x8x2048xf32, #tpu.memory_space<vmem>>
        %get3A_1386 = tpu.memref_squeeze %get3A_1385 : memref<1x8x2048xf32, #tpu.memory_space<vmem>> -> memref<8x2048xf32, #tpu.memory_space<vmem>>
        %get3A_1387 = arith.index_cast %get3A_1382 : i32 to index
        %get3A_1388 = arith.index_cast %mul3A_1307 : i32 to index
        %get3A_1389 = tpu.vector_load %get3A_1386[%get3A_1387, %get3A_1388] {strides = array<i32>} : memref<8x2048xf32, #tpu.memory_space<vmem>>, vector<16xf32>,
        %ge3A_1390 = arith.constant 5.000000e-01 : f32
        %ge3A_1391 = vector.broadcast %ge3A_1390 : f32 to vector<16xf32>
        %ge3A_1392 = arith.cmpf oge, %get3A_1389, %ge3A_1391 : vector<16xf32>
        %jit3A_1393 = arith.constant 0x7F800000 : f32
        %broadcast_in_dim3A_1394 = vector.broadcast %jit3A_1393 : f32 to vector<16xf32>
        %select_n3A_1395 = arith.select %ge3A_1392, %get3A_1381, %broadcast_in_dim3A_1394 : vector<16xi1>, vector<16xf32>
        %jit3A_1396 = arith.constant 0xFF800000 : f32
        %broadcast_in_dim3A_1397 = vector.broadcast %jit3A_1396 : f32 to vector<16xf32>
        %select_n3A_1398 = arith.select %ge3A_1392, %broadcast_in_dim3A_1397, %get3A_1381 : vector<16xi1>, vector<16xf32>
        %min3A_1399 = arith.minimumf %min3A_1149, %select_n3A_1395 : vector<16xf32>
        %max3A_1400 = arith.maximumf %max3A_1150, %select_n3A_1398 : vector<16xf32>
        %min3A_1401 = arith.minimumf %min3A_1372, %select_n3A_1395 : vector<16xf32>
        %max3A_1402 = arith.maximumf %max3A_1373, %select_n3A_1398 : vector<16xf32>
        %get3A_1403 = arith.constant 3 : i32
        %get3A_1404 = arith.constant 0 : i32
        %get3A_1405 = arith.constant 0 : i32
        %get3A_1406 = tpu.memref_slice %arg7[%scan3A_315, %get3A_1404, %get3A_1405] : memref<2x8x2048xf32, #tpu.memory_space<vmem>> -> memref<1x8x2048xf32, #tpu.memory_space<vmem>>
        %get3A_1407 = tpu.memref_squeeze %get3A_1406 : memref<1x8x2048xf32, #tpu.memory_space<vmem>> -> memref<8x2048xf32, #tpu.memory_space<vmem>>
        %get3A_1408 = arith.index_cast %get3A_1403 : i32 to index
        %get3A_1409 = arith.index_cast %mul3A_1307 : i32 to index
        %get3A_1410 = tpu.vector_load %get3A_1407[%get3A_1408, %get3A_1409] {strides = array<i32>} : memref<8x2048xf32, #tpu.memory_space<vmem>>, vector<16xf32>,
        %get3A_1411 = arith.constant 3 : i32
        %get3A_1412 = arith.constant 0 : i32
        %get3A_1413 = arith.constant 0 : i32
        %get3A_1414 = tpu.memref_slice %arg8[%scan3A_316, %get3A_1412, %get3A_1413] : memref<2x8x2048xf32, #tpu.memory_space<vmem>> -> memref<1x8x2048xf32, #tpu.memory_space<vmem>>
        %get3A_1415 = tpu.memref_squeeze %get3A_1414 : memref<1x8x2048xf32, #tpu.memory_space<vmem>> -> memref<8x2048xf32, #tpu.memory_space<vmem>>
        %get3A_1416 = arith.index_cast %get3A_1411 : i32 to index
        %get3A_1417 = arith.index_cast %mul3A_1307 : i32 to index
        %get3A_1418 = tpu.vector_load %get3A_1415[%get3A_1416, %get3A_1417] {strides = array<i32>} : memref<8x2048xf32, #tpu.memory_space<vmem>>, vector<16xf32>,
        %ge3A_1419 = arith.constant 5.000000e-01 : f32
        %ge3A_1420 = vector.broadcast %ge3A_1419 : f32 to vector<16xf32>
        %ge3A_1421 = arith.cmpf oge, %get3A_1418, %ge3A_1420 : vector<16xf32>
        %jit3A_1422 = arith.constant 0x7F800000 : f32
        %broadcast_in_dim3A_1423 = vector.broadcast %jit3A_1422 : f32 to vector<16xf32>
        %select_n3A_1424 = arith.select %ge3A_1421, %get3A_1410, %broadcast_in_dim3A_1423 : vector<16xi1>, vector<16xf32>
        %jit3A_1425 = arith.constant 0xFF800000 : f32
        %broadcast_in_dim3A_1426 = vector.broadcast %jit3A_1425 : f32 to vector<16xf32>
        %select_n3A_1427 = arith.select %ge3A_1421, %broadcast_in_dim3A_1426, %get3A_1410 : vector<16xi1>, vector<16xf32>
        %min3A_1428 = arith.minimumf %min3A_1178, %select_n3A_1424 : vector<16xf32>
        %max3A_1429 = arith.maximumf %max3A_1179, %select_n3A_1427 : vector<16xf32>
        %min3A_1430 = arith.minimumf %min3A_1401, %select_n3A_1424 : vector<16xf32>
        %max3A_1431 = arith.maximumf %max3A_1402, %select_n3A_1427 : vector<16xf32>
        %get3A_1432 = arith.constant 4 : i32
        %get3A_1433 = arith.constant 0 : i32
        %get3A_1434 = arith.constant 0 : i32
        %get3A_1435 = tpu.memref_slice %arg7[%scan3A_315, %get3A_1433, %get3A_1434] : memref<2x8x2048xf32, #tpu.memory_space<vmem>> -> memref<1x8x2048xf32, #tpu.memory_space<vmem>>
        %get3A_1436 = tpu.memref_squeeze %get3A_1435 : memref<1x8x2048xf32, #tpu.memory_space<vmem>> -> memref<8x2048xf32, #tpu.memory_space<vmem>>
        %get3A_1437 = arith.index_cast %get3A_1432 : i32 to index
        %get3A_1438 = arith.index_cast %mul3A_1307 : i32 to index
        %get3A_1439 = tpu.vector_load %get3A_1436[%get3A_1437, %get3A_1438] {strides = array<i32>} : memref<8x2048xf32, #tpu.memory_space<vmem>>, vector<16xf32>,
        %get3A_1440 = arith.constant 4 : i32
        %get3A_1441 = arith.constant 0 : i32
        %get3A_1442 = arith.constant 0 : i32
        %get3A_1443 = tpu.memref_slice %arg8[%scan3A_316, %get3A_1441, %get3A_1442] : memref<2x8x2048xf32, #tpu.memory_space<vmem>> -> memref<1x8x2048xf32, #tpu.memory_space<vmem>>
        %get3A_1444 = tpu.memref_squeeze %get3A_1443 : memref<1x8x2048xf32, #tpu.memory_space<vmem>> -> memref<8x2048xf32, #tpu.memory_space<vmem>>
        %get3A_1445 = arith.index_cast %get3A_1440 : i32 to index
        %get3A_1446 = arith.index_cast %mul3A_1307 : i32 to index
        %get3A_1447 = tpu.vector_load %get3A_1444[%get3A_1445, %get3A_1446] {strides = array<i32>} : memref<8x2048xf32, #tpu.memory_space<vmem>>, vector<16xf32>,
        %ge3A_1448 = arith.constant 5.000000e-01 : f32
        %ge3A_1449 = vector.broadcast %ge3A_1448 : f32 to vector<16xf32>
        %ge3A_1450 = arith.cmpf oge, %get3A_1447, %ge3A_1449 : vector<16xf32>
        %jit3A_1451 = arith.constant 0x7F800000 : f32
        %broadcast_in_dim3A_1452 = vector.broadcast %jit3A_1451 : f32 to vector<16xf32>
        %select_n3A_1453 = arith.select %ge3A_1450, %get3A_1439, %broadcast_in_dim3A_1452 : vector<16xi1>, vector<16xf32>
        %jit3A_1454 = arith.constant 0xFF800000 : f32
        %broadcast_in_dim3A_1455 = vector.broadcast %jit3A_1454 : f32 to vector<16xf32>
        %select_n3A_1456 = arith.select %ge3A_1450, %broadcast_in_dim3A_1455, %get3A_1439 : vector<16xi1>, vector<16xf32>
        %min3A_1457 = arith.minimumf %min3A_1207, %select_n3A_1453 : vector<16xf32>
        %max3A_1458 = arith.maximumf %max3A_1208, %select_n3A_1456 : vector<16xf32>
        %min3A_1459 = arith.minimumf %min3A_1430, %select_n3A_1453 : vector<16xf32>
        %max3A_1460 = arith.maximumf %max3A_1431, %select_n3A_1456 : vector<16xf32>
        %get3A_1461 = arith.constant 5 : i32
        %get3A_1462 = arith.constant 0 : i32
        %get3A_1463 = arith.constant 0 : i32
        %get3A_1464 = tpu.memref_slice %arg7[%scan3A_315, %get3A_1462, %get3A_1463] : memref<2x8x2048xf32, #tpu.memory_space<vmem>> -> memref<1x8x2048xf32, #tpu.memory_space<vmem>>
        %get3A_1465 = tpu.memref_squeeze %get3A_1464 : memref<1x8x2048xf32, #tpu.memory_space<vmem>> -> memref<8x2048xf32, #tpu.memory_space<vmem>>
        %get3A_1466 = arith.index_cast %get3A_1461 : i32 to index
        %get3A_1467 = arith.index_cast %mul3A_1307 : i32 to index
        %get3A_1468 = tpu.vector_load %get3A_1465[%get3A_1466, %get3A_1467] {strides = array<i32>} : memref<8x2048xf32, #tpu.memory_space<vmem>>, vector<16xf32>,
        %get3A_1469 = arith.constant 5 : i32
        %get3A_1470 = arith.constant 0 : i32
        %get3A_1471 = arith.constant 0 : i32
        %get3A_1472 = tpu.memref_slice %arg8[%scan3A_316, %get3A_1470, %get3A_1471] : memref<2x8x2048xf32, #tpu.memory_space<vmem>> -> memref<1x8x2048xf32, #tpu.memory_space<vmem>>
        %get3A_1473 = tpu.memref_squeeze %get3A_1472 : memref<1x8x2048xf32, #tpu.memory_space<vmem>> -> memref<8x2048xf32, #tpu.memory_space<vmem>>
        %get3A_1474 = arith.index_cast %get3A_1469 : i32 to index
        %get3A_1475 = arith.index_cast %mul3A_1307 : i32 to index
        %get3A_1476 = tpu.vector_load %get3A_1473[%get3A_1474, %get3A_1475] {strides = array<i32>} : memref<8x2048xf32, #tpu.memory_space<vmem>>, vector<16xf32>,
        %ge3A_1477 = arith.constant 5.000000e-01 : f32
        %ge3A_1478 = vector.broadcast %ge3A_1477 : f32 to vector<16xf32>
        %ge3A_1479 = arith.cmpf oge, %get3A_1476, %ge3A_1478 : vector<16xf32>
        %jit3A_1480 = arith.constant 0x7F800000 : f32
        %broadcast_in_dim3A_1481 = vector.broadcast %jit3A_1480 : f32 to vector<16xf32>
        %select_n3A_1482 = arith.select %ge3A_1479, %get3A_1468, %broadcast_in_dim3A_1481 : vector<16xi1>, vector<16xf32>
        %jit3A_1483 = arith.constant 0xFF800000 : f32
        %broadcast_in_dim3A_1484 = vector.broadcast %jit3A_1483 : f32 to vector<16xf32>
        %select_n3A_1485 = arith.select %ge3A_1479, %broadcast_in_dim3A_1484, %get3A_1468 : vector<16xi1>, vector<16xf32>
        %min3A_1486 = arith.minimumf %min3A_1236, %select_n3A_1482 : vector<16xf32>
        %max3A_1487 = arith.maximumf %max3A_1237, %select_n3A_1485 : vector<16xf32>
        %min3A_1488 = arith.minimumf %min3A_1459, %select_n3A_1482 : vector<16xf32>
        %max3A_1489 = arith.maximumf %max3A_1460, %select_n3A_1485 : vector<16xf32>
        %get3A_1490 = arith.constant 6 : i32
        %get3A_1491 = arith.constant 0 : i32
        %get3A_1492 = arith.constant 0 : i32
        %get3A_1493 = tpu.memref_slice %arg7[%scan3A_315, %get3A_1491, %get3A_1492] : memref<2x8x2048xf32, #tpu.memory_space<vmem>> -> memref<1x8x2048xf32, #tpu.memory_space<vmem>>
        %get3A_1494 = tpu.memref_squeeze %get3A_1493 : memref<1x8x2048xf32, #tpu.memory_space<vmem>> -> memref<8x2048xf32, #tpu.memory_space<vmem>>
        %get3A_1495 = arith.index_cast %get3A_1490 : i32 to index
        %get3A_1496 = arith.index_cast %mul3A_1307 : i32 to index
        %get3A_1497 = tpu.vector_load %get3A_1494[%get3A_1495, %get3A_1496] {strides = array<i32>} : memref<8x2048xf32, #tpu.memory_space<vmem>>, vector<16xf32>,
        %get3A_1498 = arith.constant 6 : i32
        %get3A_1499 = arith.constant 0 : i32
        %get3A_1500 = arith.constant 0 : i32
        %get3A_1501 = tpu.memref_slice %arg8[%scan3A_316, %get3A_1499, %get3A_1500] : memref<2x8x2048xf32, #tpu.memory_space<vmem>> -> memref<1x8x2048xf32, #tpu.memory_space<vmem>>
        %get3A_1502 = tpu.memref_squeeze %get3A_1501 : memref<1x8x2048xf32, #tpu.memory_space<vmem>> -> memref<8x2048xf32, #tpu.memory_space<vmem>>
        %get3A_1503 = arith.index_cast %get3A_1498 : i32 to index
        %get3A_1504 = arith.index_cast %mul3A_1307 : i32 to index
        %get3A_1505 = tpu.vector_load %get3A_1502[%get3A_1503, %get3A_1504] {strides = array<i32>} : memref<8x2048xf32, #tpu.memory_space<vmem>>, vector<16xf32>,
        %ge3A_1506 = arith.constant 5.000000e-01 : f32
        %ge3A_1507 = vector.broadcast %ge3A_1506 : f32 to vector<16xf32>
        %ge3A_1508 = arith.cmpf oge, %get3A_1505, %ge3A_1507 : vector<16xf32>
        %jit3A_1509 = arith.constant 0x7F800000 : f32
        %broadcast_in_dim3A_1510 = vector.broadcast %jit3A_1509 : f32 to vector<16xf32>
        %select_n3A_1511 = arith.select %ge3A_1508, %get3A_1497, %broadcast_in_dim3A_1510 : vector<16xi1>, vector<16xf32>
        %jit3A_1512 = arith.constant 0xFF800000 : f32
        %broadcast_in_dim3A_1513 = vector.broadcast %jit3A_1512 : f32 to vector<16xf32>
        %select_n3A_1514 = arith.select %ge3A_1508, %broadcast_in_dim3A_1513, %get3A_1497 : vector<16xi1>, vector<16xf32>
        %min3A_1515 = arith.minimumf %min3A_1265, %select_n3A_1511 : vector<16xf32>
        %max3A_1516 = arith.maximumf %max3A_1266, %select_n3A_1514 : vector<16xf32>
        %min3A_1517 = arith.minimumf %min3A_1488, %select_n3A_1511 : vector<16xf32>
        %max3A_1518 = arith.maximumf %max3A_1489, %select_n3A_1514 : vector<16xf32>
        %get3A_1519 = arith.constant 7 : i32
        %get3A_1520 = arith.constant 0 : i32
        %get3A_1521 = arith.constant 0 : i32
        %get3A_1522 = tpu.memref_slice %arg7[%scan3A_315, %get3A_1520, %get3A_1521] : memref<2x8x2048xf32, #tpu.memory_space<vmem>> -> memref<1x8x2048xf32, #tpu.memory_space<vmem>>
        %get3A_1523 = tpu.memref_squeeze %get3A_1522 : memref<1x8x2048xf32, #tpu.memory_space<vmem>> -> memref<8x2048xf32, #tpu.memory_space<vmem>>
        %get3A_1524 = arith.index_cast %get3A_1519 : i32 to index
        %get3A_1525 = arith.index_cast %mul3A_1307 : i32 to index
        %get3A_1526 = tpu.vector_load %get3A_1523[%get3A_1524, %get3A_1525] {strides = array<i32>} : memref<8x2048xf32, #tpu.memory_space<vmem>>, vector<16xf32>,
        %get3A_1527 = arith.constant 7 : i32
        %get3A_1528 = arith.constant 0 : i32
        %get3A_1529 = arith.constant 0 : i32
        %get3A_1530 = tpu.memref_slice %arg8[%scan3A_316, %get3A_1528, %get3A_1529] : memref<2x8x2048xf32, #tpu.memory_space<vmem>> -> memref<1x8x2048xf32, #tpu.memory_space<vmem>>
        %get3A_1531 = tpu.memref_squeeze %get3A_1530 : memref<1x8x2048xf32, #tpu.memory_space<vmem>> -> memref<8x2048xf32, #tpu.memory_space<vmem>>
        %get3A_1532 = arith.index_cast %get3A_1527 : i32 to index
        %get3A_1533 = arith.index_cast %mul3A_1307 : i32 to index
        %get3A_1534 = tpu.vector_load %get3A_1531[%get3A_1532, %get3A_1533] {strides = array<i32>} : memref<8x2048xf32, #tpu.memory_space<vmem>>, vector<16xf32>,
        %ge3A_1535 = arith.constant 5.000000e-01 : f32
        %ge3A_1536 = vector.broadcast %ge3A_1535 : f32 to vector<16xf32>
        %ge3A_1537 = arith.cmpf oge, %get3A_1534, %ge3A_1536 : vector<16xf32>
        %jit3A_1538 = arith.constant 0x7F800000 : f32
        %broadcast_in_dim3A_1539 = vector.broadcast %jit3A_1538 : f32 to vector<16xf32>
        %select_n3A_1540 = arith.select %ge3A_1537, %get3A_1526, %broadcast_in_dim3A_1539 : vector<16xi1>, vector<16xf32>
        %jit3A_1541 = arith.constant 0xFF800000 : f32
        %broadcast_in_dim3A_1542 = vector.broadcast %jit3A_1541 : f32 to vector<16xf32>
        %select_n3A_1543 = arith.select %ge3A_1537, %broadcast_in_dim3A_1542, %get3A_1526 : vector<16xi1>, vector<16xf32>
        %min3A_1544 = arith.minimumf %min3A_1294, %select_n3A_1540 : vector<16xf32>
        %max3A_1545 = arith.maximumf %max3A_1295, %select_n3A_1543 : vector<16xf32>
        %min3A_1546 = arith.minimumf %min3A_1517, %select_n3A_1540 : vector<16xf32>
        %max3A_1547 = arith.maximumf %max3A_1518, %select_n3A_1543 : vector<16xf32>
        %swap3A_1548 = arith.index_cast %add3A_1311 : i32 to index
        %swap3A_1549 = tpu.vector_load %arg9[%swap3A_1548] {strides = array<i32>} : memref<4096xf32, #tpu.memory_space<vmem>>, vector<16xf32>,
        tpu.vector_store %arg9[%swap3A_1548], %min3A_1546 {strides = array<i32>} : memref<4096xf32, #tpu.memory_space<vmem>>, vector<16xf32>,
        %swap3A_1550 = arith.index_cast %add3A_1311 : i32 to index
        %swap3A_1551 = tpu.vector_load %arg10[%swap3A_1550] {strides = array<i32>} : memref<4096xf32, #tpu.memory_space<vmem>>, vector<16xf32>,
        tpu.vector_store %arg10[%swap3A_1550], %max3A_1547 {strides = array<i32>} : memref<4096xf32, #tpu.memory_space<vmem>>, vector<16xf32>,
        scf.yield %min3A_1341, %min3A_1370, %min3A_1399, %min3A_1428, %min3A_1457, %min3A_1486, %min3A_1515, %min3A_1544, %max3A_1342, %max3A_1371, %max3A_1400, %max3A_1429, %max3A_1458, %max3A_1487, %max3A_1516, %max3A_1545 : vector<16xf32>, vector<16xf32>, vector<16xf32>, vector<16xf32>, vector<16xf32>, vector<16xf32>, vector<16xf32>, vector<16xf32>, vector<16xf32>, vector<16xf32>, vector<16xf32>, vector<16xf32>, vector<16xf32>, vector<16xf32>, vector<16xf32>, vector<16xf32>
      }
      %scan3A_322 = arith.constant 32 : i32
      %swap3A_323 = arith.constant 0 : i32
      %swap3A_324 = arith.index_cast %swap3A_323 : i32 to index
      %swap3A_325 = arith.constant 0 : index
      %swap3A_326 = tpu.vector_load %arg11[%swap3A_324, %swap3A_325] {strides = array<i32>} : memref<8x16xf32, #tpu.memory_space<vmem>>, vector<16xf32>,
      tpu.vector_store %arg11[%swap3A_324, %swap3A_325], %scan3A_321#0 {strides = array<i32>} : memref<8x16xf32, #tpu.memory_space<vmem>>, vector<16xf32>,
      %swap3A_327 = arith.constant 0 : i32
      %swap3A_328 = arith.index_cast %swap3A_327 : i32 to index
      %swap3A_329 = arith.constant 0 : index
      %swap3A_330 = tpu.vector_load %arg12[%swap3A_328, %swap3A_329] {strides = array<i32>} : memref<8x16xf32, #tpu.memory_space<vmem>>, vector<16xf32>,
      tpu.vector_store %arg12[%swap3A_328, %swap3A_329], %scan3A_321#8 {strides = array<i32>} : memref<8x16xf32, #tpu.memory_space<vmem>>, vector<16xf32>,
      %swap3A_331 = arith.constant 1 : i32
      %swap3A_332 = arith.index_cast %swap3A_331 : i32 to index
      %swap3A_333 = arith.constant 0 : index
      %swap3A_334 = tpu.vector_load %arg11[%swap3A_332, %swap3A_333] {strides = array<i32>} : memref<8x16xf32, #tpu.memory_space<vmem>>, vector<16xf32>,
      tpu.vector_store %arg11[%swap3A_332, %swap3A_333], %scan3A_321#1 {strides = array<i32>} : memref<8x16xf32, #tpu.memory_space<vmem>>, vector<16xf32>,
      %swap3A_335 = arith.constant 1 : i32
      %swap3A_336 = arith.index_cast %swap3A_335 : i32 to index
      %swap3A_337 = arith.constant 0 : index
      %swap3A_338 = tpu.vector_load %arg12[%swap3A_336, %swap3A_337] {strides = array<i32>} : memref<8x16xf32, #tpu.memory_space<vmem>>, vector<16xf32>,
      tpu.vector_store %arg12[%swap3A_336, %swap3A_337], %scan3A_321#9 {strides = array<i32>} : memref<8x16xf32, #tpu.memory_space<vmem>>, vector<16xf32>,
      %swap3A_339 = arith.constant 2 : i32
      %swap3A_340 = arith.index_cast %swap3A_339 : i32 to index
      %swap3A_341 = arith.constant 0 : index
      %swap3A_342 = tpu.vector_load %arg11[%swap3A_340, %swap3A_341] {strides = array<i32>} : memref<8x16xf32, #tpu.memory_space<vmem>>, vector<16xf32>,
      tpu.vector_store %arg11[%swap3A_340, %swap3A_341], %scan3A_321#2 {strides = array<i32>} : memref<8x16xf32, #tpu.memory_space<vmem>>, vector<16xf32>,
      %swap3A_343 = arith.constant 2 : i32
      %swap3A_344 = arith.index_cast %swap3A_343 : i32 to index
      %swap3A_345 = arith.constant 0 : index
      %swap3A_346 = tpu.vector_load %arg12[%swap3A_344, %swap3A_345] {strides = array<i32>} : memref<8x16xf32, #tpu.memory_space<vmem>>, vector<16xf32>,
      tpu.vector_store %arg12[%swap3A_344, %swap3A_345], %scan3A_321#10 {strides = array<i32>} : memref<8x16xf32, #tpu.memory_space<vmem>>, vector<16xf32>,
      %swap3A_347 = arith.constant 3 : i32
      %swap3A_348 = arith.index_cast %swap3A_347 : i32 to index
      %swap3A_349 = arith.constant 0 : index
      %swap3A_350 = tpu.vector_load %arg11[%swap3A_348, %swap3A_349] {strides = array<i32>} : memref<8x16xf32, #tpu.memory_space<vmem>>, vector<16xf32>,
      tpu.vector_store %arg11[%swap3A_348, %swap3A_349], %scan3A_321#3 {strides = array<i32>} : memref<8x16xf32, #tpu.memory_space<vmem>>, vector<16xf32>,
      %swap3A_351 = arith.constant 3 : i32
      %swap3A_352 = arith.index_cast %swap3A_351 : i32 to index
      %swap3A_353 = arith.constant 0 : index
      %swap3A_354 = tpu.vector_load %arg12[%swap3A_352, %swap3A_353] {strides = array<i32>} : memref<8x16xf32, #tpu.memory_space<vmem>>, vector<16xf32>,
      tpu.vector_store %arg12[%swap3A_352, %swap3A_353], %scan3A_321#11 {strides = array<i32>} : memref<8x16xf32, #tpu.memory_space<vmem>>, vector<16xf32>,
      %swap3A_355 = arith.constant 4 : i32
      %swap3A_356 = arith.index_cast %swap3A_355 : i32 to index
      %swap3A_357 = arith.constant 0 : index
      %swap3A_358 = tpu.vector_load %arg11[%swap3A_356, %swap3A_357] {strides = array<i32>} : memref<8x16xf32, #tpu.memory_space<vmem>>, vector<16xf32>,
      tpu.vector_store %arg11[%swap3A_356, %swap3A_357], %scan3A_321#4 {strides = array<i32>} : memref<8x16xf32, #tpu.memory_space<vmem>>, vector<16xf32>,
      %swap3A_359 = arith.constant 4 : i32
      %swap3A_360 = arith.index_cast %swap3A_359 : i32 to index
      %swap3A_361 = arith.constant 0 : index
      %swap3A_362 = tpu.vector_load %arg12[%swap3A_360, %swap3A_361] {strides = array<i32>} : memref<8x16xf32, #tpu.memory_space<vmem>>, vector<16xf32>,
      tpu.vector_store %arg12[%swap3A_360, %swap3A_361], %scan3A_321#12 {strides = array<i32>} : memref<8x16xf32, #tpu.memory_space<vmem>>, vector<16xf32>,
      %swap3A_363 = arith.constant 5 : i32
      %swap3A_364 = arith.index_cast %swap3A_363 : i32 to index
      %swap3A_365 = arith.constant 0 : index
      %swap3A_366 = tpu.vector_load %arg11[%swap3A_364, %swap3A_365] {strides = array<i32>} : memref<8x16xf32, #tpu.memory_space<vmem>>, vector<16xf32>,
      tpu.vector_store %arg11[%swap3A_364, %swap3A_365], %scan3A_321#5 {strides = array<i32>} : memref<8x16xf32, #tpu.memory_space<vmem>>, vector<16xf32>,
      %swap3A_367 = arith.constant 5 : i32
      %swap3A_368 = arith.index_cast %swap3A_367 : i32 to index
      %swap3A_369 = arith.constant 0 : index
      %swap3A_370 = tpu.vector_load %arg12[%swap3A_368, %swap3A_369] {strides = array<i32>} : memref<8x16xf32, #tpu.memory_space<vmem>>, vector<16xf32>,
      tpu.vector_store %arg12[%swap3A_368, %swap3A_369], %scan3A_321#13 {strides = array<i32>} : memref<8x16xf32, #tpu.memory_space<vmem>>, vector<16xf32>,
      %swap3A_371 = arith.constant 6 : i32
      %swap3A_372 = arith.index_cast %swap3A_371 : i32 to index
      %swap3A_373 = arith.constant 0 : index
      %swap3A_374 = tpu.vector_load %arg11[%swap3A_372, %swap3A_373] {strides = array<i32>} : memref<8x16xf32, #tpu.memory_space<vmem>>, vector<16xf32>,
      tpu.vector_store %arg11[%swap3A_372, %swap3A_373], %scan3A_321#6 {strides = array<i32>} : memref<8x16xf32, #tpu.memory_space<vmem>>, vector<16xf32>,
      %swap3A_375 = arith.constant 6 : i32
      %swap3A_376 = arith.index_cast %swap3A_375 : i32 to index
      %swap3A_377 = arith.constant 0 : index
      %swap3A_378 = tpu.vector_load %arg12[%swap3A_376, %swap3A_377] {strides = array<i32>} : memref<8x16xf32, #tpu.memory_space<vmem>>, vector<16xf32>,
      tpu.vector_store %arg12[%swap3A_376, %swap3A_377], %scan3A_321#14 {strides = array<i32>} : memref<8x16xf32, #tpu.memory_space<vmem>>, vector<16xf32>,
      %swap3A_379 = arith.constant 7 : i32
      %swap3A_380 = arith.index_cast %swap3A_379 : i32 to index
      %swap3A_381 = arith.constant 0 : index
      %swap3A_382 = tpu.vector_load %arg11[%swap3A_380, %swap3A_381] {strides = array<i32>} : memref<8x16xf32, #tpu.memory_space<vmem>>, vector<16xf32>,
      tpu.vector_store %arg11[%swap3A_380, %swap3A_381], %scan3A_321#7 {strides = array<i32>} : memref<8x16xf32, #tpu.memory_space<vmem>>, vector<16xf32>,
      %swap3A_383 = arith.constant 7 : i32
      %swap3A_384 = arith.index_cast %swap3A_383 : i32 to index
      %swap3A_385 = arith.constant 0 : index
      %swap3A_386 = tpu.vector_load %arg12[%swap3A_384, %swap3A_385] {strides = array<i32>} : memref<8x16xf32, #tpu.memory_space<vmem>>, vector<16xf32>,
      tpu.vector_store %arg12[%swap3A_384, %swap3A_385], %scan3A_321#15 {strides = array<i32>} : memref<8x16xf32, #tpu.memory_space<vmem>>, vector<16xf32>,
      %iota3A = tpu.iota {dimensions = array<i32: 0>} : vector<16xi32>
      %rem3A_387 = arith.constant 8 : i32
      %rem3A_388 = vector.broadcast %rem3A_387 : i32 to vector<16xi32>
      %rem3A_389 = arith.remsi %iota3A, %rem3A_388 : vector<16xi32>
      %broadcast_in_dim3A_390 = arith.constant 0x7F800000 : f32
      %broadcast_in_dim3A_391 = vector.broadcast %broadcast_in_dim3A_390 : f32 to vector<16xf32>
      %broadcast_in_dim3A_392 = arith.constant 0 : i32
      %broadcast_in_dim3A_393 = vector.broadcast %broadcast_in_dim3A_392 : i32 to vector<16xi32>
      %gather3A = tpu.vector_load_idx %arg11[%rem3A_389, %broadcast_in_dim3A_393] : memref<8x16xf32, #tpu.memory_space<vmem>>[vector<16xi32>, vector<16xi32>], vector<16xf32>,
      %min3A = arith.minimumf %broadcast_in_dim3A_391, %gather3A : vector<16xf32>
      %broadcast_in_dim3A_394 = arith.constant 1 : i32
      %broadcast_in_dim3A_395 = vector.broadcast %broadcast_in_dim3A_394 : i32 to vector<16xi32>
      %gather3A_396 = tpu.vector_load_idx %arg11[%rem3A_389, %broadcast_in_dim3A_395] : memref<8x16xf32, #tpu.memory_space<vmem>>[vector<16xi32>, vector<16xi32>], vector<16xf32>,
      %min3A_397 = arith.minimumf %min3A, %gather3A_396 : vector<16xf32>
      %broadcast_in_dim3A_398 = arith.constant 2 : i32
      %broadcast_in_dim3A_399 = vector.broadcast %broadcast_in_dim3A_398 : i32 to vector<16xi32>
      %gather3A_400 = tpu.vector_load_idx %arg11[%rem3A_389, %broadcast_in_dim3A_399] : memref<8x16xf32, #tpu.memory_space<vmem>>[vector<16xi32>, vector<16xi32>], vector<16xf32>,
      %min3A_401 = arith.minimumf %min3A_397, %gather3A_400 : vector<16xf32>
      %broadcast_in_dim3A_402 = arith.constant 3 : i32
      %broadcast_in_dim3A_403 = vector.broadcast %broadcast_in_dim3A_402 : i32 to vector<16xi32>
      %gather3A_404 = tpu.vector_load_idx %arg11[%rem3A_389, %broadcast_in_dim3A_403] : memref<8x16xf32, #tpu.memory_space<vmem>>[vector<16xi32>, vector<16xi32>], vector<16xf32>,
      %min3A_405 = arith.minimumf %min3A_401, %gather3A_404 : vector<16xf32>
      %broadcast_in_dim3A_406 = arith.constant 4 : i32
      %broadcast_in_dim3A_407 = vector.broadcast %broadcast_in_dim3A_406 : i32 to vector<16xi32>
      %gather3A_408 = tpu.vector_load_idx %arg11[%rem3A_389, %broadcast_in_dim3A_407] : memref<8x16xf32, #tpu.memory_space<vmem>>[vector<16xi32>, vector<16xi32>], vector<16xf32>,
      %min3A_409 = arith.minimumf %min3A_405, %gather3A_408 : vector<16xf32>
      %broadcast_in_dim3A_410 = arith.constant 5 : i32
      %broadcast_in_dim3A_411 = vector.broadcast %broadcast_in_dim3A_410 : i32 to vector<16xi32>
      %gather3A_412 = tpu.vector_load_idx %arg11[%rem3A_389, %broadcast_in_dim3A_411] : memref<8x16xf32, #tpu.memory_space<vmem>>[vector<16xi32>, vector<16xi32>], vector<16xf32>,
      %min3A_413 = arith.minimumf %min3A_409, %gather3A_412 : vector<16xf32>
      %broadcast_in_dim3A_414 = arith.constant 6 : i32
      %broadcast_in_dim3A_415 = vector.broadcast %broadcast_in_dim3A_414 : i32 to vector<16xi32>
      %gather3A_416 = tpu.vector_load_idx %arg11[%rem3A_389, %broadcast_in_dim3A_415] : memref<8x16xf32, #tpu.memory_space<vmem>>[vector<16xi32>, vector<16xi32>], vector<16xf32>,
      %min3A_417 = arith.minimumf %min3A_413, %gather3A_416 : vector<16xf32>
      %broadcast_in_dim3A_418 = arith.constant 7 : i32
      %broadcast_in_dim3A_419 = vector.broadcast %broadcast_in_dim3A_418 : i32 to vector<16xi32>
      %gather3A_420 = tpu.vector_load_idx %arg11[%rem3A_389, %broadcast_in_dim3A_419] : memref<8x16xf32, #tpu.memory_space<vmem>>[vector<16xi32>, vector<16xi32>], vector<16xf32>,
      %min3A_421 = arith.minimumf %min3A_417, %gather3A_420 : vector<16xf32>
      %broadcast_in_dim3A_422 = arith.constant 8 : i32
      %broadcast_in_dim3A_423 = vector.broadcast %broadcast_in_dim3A_422 : i32 to vector<16xi32>
      %gather3A_424 = tpu.vector_load_idx %arg11[%rem3A_389, %broadcast_in_dim3A_423] : memref<8x16xf32, #tpu.memory_space<vmem>>[vector<16xi32>, vector<16xi32>], vector<16xf32>,
      %min3A_425 = arith.minimumf %min3A_421, %gather3A_424 : vector<16xf32>
      %broadcast_in_dim3A_426 = arith.constant 9 : i32
      %broadcast_in_dim3A_427 = vector.broadcast %broadcast_in_dim3A_426 : i32 to vector<16xi32>
      %gather3A_428 = tpu.vector_load_idx %arg11[%rem3A_389, %broadcast_in_dim3A_427] : memref<8x16xf32, #tpu.memory_space<vmem>>[vector<16xi32>, vector<16xi32>], vector<16xf32>,
      %min3A_429 = arith.minimumf %min3A_425, %gather3A_428 : vector<16xf32>
      %broadcast_in_dim3A_430 = arith.constant 10 : i32
      %broadcast_in_dim3A_431 = vector.broadcast %broadcast_in_dim3A_430 : i32 to vector<16xi32>
      %gather3A_432 = tpu.vector_load_idx %arg11[%rem3A_389, %broadcast_in_dim3A_431] : memref<8x16xf32, #tpu.memory_space<vmem>>[vector<16xi32>, vector<16xi32>], vector<16xf32>,
      %min3A_433 = arith.minimumf %min3A_429, %gather3A_432 : vector<16xf32>
      %broadcast_in_dim3A_434 = arith.constant 11 : i32
      %broadcast_in_dim3A_435 = vector.broadcast %broadcast_in_dim3A_434 : i32 to vector<16xi32>
      %gather3A_436 = tpu.vector_load_idx %arg11[%rem3A_389, %broadcast_in_dim3A_435] : memref<8x16xf32, #tpu.memory_space<vmem>>[vector<16xi32>, vector<16xi32>], vector<16xf32>,
      %min3A_437 = arith.minimumf %min3A_433, %gather3A_436 : vector<16xf32>
      %broadcast_in_dim3A_438 = arith.constant 12 : i32
      %broadcast_in_dim3A_439 = vector.broadcast %broadcast_in_dim3A_438 : i32 to vector<16xi32>
      %gather3A_440 = tpu.vector_load_idx %arg11[%rem3A_389, %broadcast_in_dim3A_439] : memref<8x16xf32, #tpu.memory_space<vmem>>[vector<16xi32>, vector<16xi32>], vector<16xf32>,
      %min3A_441 = arith.minimumf %min3A_437, %gather3A_440 : vector<16xf32>
      %broadcast_in_dim3A_442 = arith.constant 13 : i32
      %broadcast_in_dim3A_443 = vector.broadcast %broadcast_in_dim3A_442 : i32 to vector<16xi32>
      %gather3A_444 = tpu.vector_load_idx %arg11[%rem3A_389, %broadcast_in_dim3A_443] : memref<8x16xf32, #tpu.memory_space<vmem>>[vector<16xi32>, vector<16xi32>], vector<16xf32>,
      %min3A_445 = arith.minimumf %min3A_441, %gather3A_444 : vector<16xf32>
      %broadcast_in_dim3A_446 = arith.constant 14 : i32
      %broadcast_in_dim3A_447 = vector.broadcast %broadcast_in_dim3A_446 : i32 to vector<16xi32>
      %gather3A_448 = tpu.vector_load_idx %arg11[%rem3A_389, %broadcast_in_dim3A_447] : memref<8x16xf32, #tpu.memory_space<vmem>>[vector<16xi32>, vector<16xi32>], vector<16xf32>,
      %min3A_449 = arith.minimumf %min3A_445, %gather3A_448 : vector<16xf32>
      %broadcast_in_dim3A_450 = arith.constant 15 : i32
      %broadcast_in_dim3A_451 = vector.broadcast %broadcast_in_dim3A_450 : i32 to vector<16xi32>
      %gather3A_452 = tpu.vector_load_idx %arg11[%rem3A_389, %broadcast_in_dim3A_451] : memref<8x16xf32, #tpu.memory_space<vmem>>[vector<16xi32>, vector<16xi32>], vector<16xf32>,
      %min3A_453 = arith.minimumf %min3A_449, %gather3A_452 : vector<16xf32>
      %iota3A_454 = tpu.iota {dimensions = array<i32: 0>} : vector<16xi32>
      %rem3A_455 = arith.constant 8 : i32
      %rem3A_456 = vector.broadcast %rem3A_455 : i32 to vector<16xi32>
      %rem3A_457 = arith.remsi %iota3A_454, %rem3A_456 : vector<16xi32>
      %broadcast_in_dim3A_458 = arith.constant 0xFF800000 : f32
      %broadcast_in_dim3A_459 = vector.broadcast %broadcast_in_dim3A_458 : f32 to vector<16xf32>
      %broadcast_in_dim3A_460 = arith.constant 0 : i32
      %broadcast_in_dim3A_461 = vector.broadcast %broadcast_in_dim3A_460 : i32 to vector<16xi32>
      %gather3A_462 = tpu.vector_load_idx %arg12[%rem3A_457, %broadcast_in_dim3A_461] : memref<8x16xf32, #tpu.memory_space<vmem>>[vector<16xi32>, vector<16xi32>], vector<16xf32>,
      %max3A = arith.maximumf %broadcast_in_dim3A_459, %gather3A_462 : vector<16xf32>
      %broadcast_in_dim3A_463 = arith.constant 1 : i32
      %broadcast_in_dim3A_464 = vector.broadcast %broadcast_in_dim3A_463 : i32 to vector<16xi32>
      %gather3A_465 = tpu.vector_load_idx %arg12[%rem3A_457, %broadcast_in_dim3A_464] : memref<8x16xf32, #tpu.memory_space<vmem>>[vector<16xi32>, vector<16xi32>], vector<16xf32>,
      %max3A_466 = arith.maximumf %max3A, %gather3A_465 : vector<16xf32>
      %broadcast_in_dim3A_467 = arith.constant 2 : i32
      %broadcast_in_dim3A_468 = vector.broadcast %broadcast_in_dim3A_467 : i32 to vector<16xi32>
      %gather3A_469 = tpu.vector_load_idx %arg12[%rem3A_457, %broadcast_in_dim3A_468] : memref<8x16xf32, #tpu.memory_space<vmem>>[vector<16xi32>, vector<16xi32>], vector<16xf32>,
      %max3A_470 = arith.maximumf %max3A_466, %gather3A_469 : vector<16xf32>
      %broadcast_in_dim3A_471 = arith.constant 3 : i32
      %broadcast_in_dim3A_472 = vector.broadcast %broadcast_in_dim3A_471 : i32 to vector<16xi32>
      %gather3A_473 = tpu.vector_load_idx %arg12[%rem3A_457, %broadcast_in_dim3A_472] : memref<8x16xf32, #tpu.memory_space<vmem>>[vector<16xi32>, vector<16xi32>], vector<16xf32>,
      %max3A_474 = arith.maximumf %max3A_470, %gather3A_473 : vector<16xf32>
      %broadcast_in_dim3A_475 = arith.constant 4 : i32
      %broadcast_in_dim3A_476 = vector.broadcast %broadcast_in_dim3A_475 : i32 to vector<16xi32>
      %gather3A_477 = tpu.vector_load_idx %arg12[%rem3A_457, %broadcast_in_dim3A_476] : memref<8x16xf32, #tpu.memory_space<vmem>>[vector<16xi32>, vector<16xi32>], vector<16xf32>,
      %max3A_478 = arith.maximumf %max3A_474, %gather3A_477 : vector<16xf32>
      %broadcast_in_dim3A_479 = arith.constant 5 : i32
      %broadcast_in_dim3A_480 = vector.broadcast %broadcast_in_dim3A_479 : i32 to vector<16xi32>
      %gather3A_481 = tpu.vector_load_idx %arg12[%rem3A_457, %broadcast_in_dim3A_480] : memref<8x16xf32, #tpu.memory_space<vmem>>[vector<16xi32>, vector<16xi32>], vector<16xf32>,
      %max3A_482 = arith.maximumf %max3A_478, %gather3A_481 : vector<16xf32>
      %broadcast_in_dim3A_483 = arith.constant 6 : i32
      %broadcast_in_dim3A_484 = vector.broadcast %broadcast_in_dim3A_483 : i32 to vector<16xi32>
      %gather3A_485 = tpu.vector_load_idx %arg12[%rem3A_457, %broadcast_in_dim3A_484] : memref<8x16xf32, #tpu.memory_space<vmem>>[vector<16xi32>, vector<16xi32>], vector<16xf32>,
      %max3A_486 = arith.maximumf %max3A_482, %gather3A_485 : vector<16xf32>
      %broadcast_in_dim3A_487 = arith.constant 7 : i32
      %broadcast_in_dim3A_488 = vector.broadcast %broadcast_in_dim3A_487 : i32 to vector<16xi32>
      %gather3A_489 = tpu.vector_load_idx %arg12[%rem3A_457, %broadcast_in_dim3A_488] : memref<8x16xf32, #tpu.memory_space<vmem>>[vector<16xi32>, vector<16xi32>], vector<16xf32>,
      %max3A_490 = arith.maximumf %max3A_486, %gather3A_489 : vector<16xf32>
      %broadcast_in_dim3A_491 = arith.constant 8 : i32
      %broadcast_in_dim3A_492 = vector.broadcast %broadcast_in_dim3A_491 : i32 to vector<16xi32>
      %gather3A_493 = tpu.vector_load_idx %arg12[%rem3A_457, %broadcast_in_dim3A_492] : memref<8x16xf32, #tpu.memory_space<vmem>>[vector<16xi32>, vector<16xi32>], vector<16xf32>,
      %max3A_494 = arith.maximumf %max3A_490, %gather3A_493 : vector<16xf32>
      %broadcast_in_dim3A_495 = arith.constant 9 : i32
      %broadcast_in_dim3A_496 = vector.broadcast %broadcast_in_dim3A_495 : i32 to vector<16xi32>
      %gather3A_497 = tpu.vector_load_idx %arg12[%rem3A_457, %broadcast_in_dim3A_496] : memref<8x16xf32, #tpu.memory_space<vmem>>[vector<16xi32>, vector<16xi32>], vector<16xf32>,
      %max3A_498 = arith.maximumf %max3A_494, %gather3A_497 : vector<16xf32>
      %broadcast_in_dim3A_499 = arith.constant 10 : i32
      %broadcast_in_dim3A_500 = vector.broadcast %broadcast_in_dim3A_499 : i32 to vector<16xi32>
      %gather3A_501 = tpu.vector_load_idx %arg12[%rem3A_457, %broadcast_in_dim3A_500] : memref<8x16xf32, #tpu.memory_space<vmem>>[vector<16xi32>, vector<16xi32>], vector<16xf32>,
      %max3A_502 = arith.maximumf %max3A_498, %gather3A_501 : vector<16xf32>
      %broadcast_in_dim3A_503 = arith.constant 11 : i32
      %broadcast_in_dim3A_504 = vector.broadcast %broadcast_in_dim3A_503 : i32 to vector<16xi32>
      %gather3A_505 = tpu.vector_load_idx %arg12[%rem3A_457, %broadcast_in_dim3A_504] : memref<8x16xf32, #tpu.memory_space<vmem>>[vector<16xi32>, vector<16xi32>], vector<16xf32>,
      %max3A_506 = arith.maximumf %max3A_502, %gather3A_505 : vector<16xf32>
      %broadcast_in_dim3A_507 = arith.constant 12 : i32
      %broadcast_in_dim3A_508 = vector.broadcast %broadcast_in_dim3A_507 : i32 to vector<16xi32>
      %gather3A_509 = tpu.vector_load_idx %arg12[%rem3A_457, %broadcast_in_dim3A_508] : memref<8x16xf32, #tpu.memory_space<vmem>>[vector<16xi32>, vector<16xi32>], vector<16xf32>,
      %max3A_510 = arith.maximumf %max3A_506, %gather3A_509 : vector<16xf32>
      %broadcast_in_dim3A_511 = arith.constant 13 : i32
      %broadcast_in_dim3A_512 = vector.broadcast %broadcast_in_dim3A_511 : i32 to vector<16xi32>
      %gather3A_513 = tpu.vector_load_idx %arg12[%rem3A_457, %broadcast_in_dim3A_512] : memref<8x16xf32, #tpu.memory_space<vmem>>[vector<16xi32>, vector<16xi32>], vector<16xf32>,
      %max3A_514 = arith.maximumf %max3A_510, %gather3A_513 : vector<16xf32>
      %broadcast_in_dim3A_515 = arith.constant 14 : i32
      %broadcast_in_dim3A_516 = vector.broadcast %broadcast_in_dim3A_515 : i32 to vector<16xi32>
      %gather3A_517 = tpu.vector_load_idx %arg12[%rem3A_457, %broadcast_in_dim3A_516] : memref<8x16xf32, #tpu.memory_space<vmem>>[vector<16xi32>, vector<16xi32>], vector<16xf32>,
      %max3A_518 = arith.maximumf %max3A_514, %gather3A_517 : vector<16xf32>
      %broadcast_in_dim3A_519 = arith.constant 15 : i32
      %broadcast_in_dim3A_520 = vector.broadcast %broadcast_in_dim3A_519 : i32 to vector<16xi32>
      %gather3A_521 = tpu.vector_load_idx %arg12[%rem3A_457, %broadcast_in_dim3A_520] : memref<8x16xf32, #tpu.memory_space<vmem>>[vector<16xi32>, vector<16xi32>], vector<16xf32>,
      %max3A_522 = arith.maximumf %max3A_518, %gather3A_521 : vector<16xf32>
      %add3A_523 = arith.constant 2.000000e-01 : f32
      %add3A_524 = vector.broadcast %add3A_523 : f32 to vector<16xf32>
      %add3A_525 = arith.addf %max3A_522, %add3A_524 : vector<16xf32>
      %sub3A_526 = arith.subf %add3A_525, %min3A_453 : vector<16xf32>
      %max3A_527 = arith.constant 0.000000e+00 : f32
      %max3A_528 = vector.broadcast %max3A_527 : f32 to vector<16xf32>
      %max3A_529 = arith.maximumf %sub3A_526, %max3A_528 : vector<16xf32>
      %iota3A_530 = tpu.iota {dimensions = array<i32: 0>} : vector<16xi32>
      %lt3A = arith.constant 8 : i32
      %lt3A_531 = vector.broadcast %lt3A : i32 to vector<16xi32>
      %lt3A_532 = arith.cmpi slt, %iota3A_530, %lt3A_531 : vector<16xi32>
      %jit3A_533 = arith.constant 0.000000e+00 : f32
      %broadcast_in_dim3A_534 = vector.broadcast %jit3A_533 : f32 to vector<16xf32>
      %select_n3A_535 = arith.select %lt3A_532, %max3A_529, %broadcast_in_dim3A_534 : vector<16xi1>, vector<16xf32>
      %add3A_536 = arith.addf %scan3A_92, %select_n3A_535 : vector<16xf32>
      scf.yield %add3A_536 : vector<16xf32>
    }
    %scan3A_60 = arith.constant 6 : i32
    %dma_wait3A = arith.constant 0 : i32
    %dma_wait3A_61 = arith.constant 0 : i32
    %dma_wait3A_62 = arith.constant 0 : i32
    %dma_wait3A_63 = tpu.memref_slice %arg7[%dma_wait3A, %dma_wait3A_61, %dma_wait3A_62] : memref<2x8x2048xf32, #tpu.memory_space<vmem>> -> memref<1x8x2048xf32, #tpu.memory_space<vmem>>
    %dma_wait3A_64 = tpu.memref_squeeze %dma_wait3A_63 : memref<1x8x2048xf32, #tpu.memory_space<vmem>> -> memref<8x2048xf32, #tpu.memory_space<vmem>>
    %dma_wait3A_65 = arith.constant 0 : i32
    %dma_wait3A_66 = arith.constant 0 : i32
    %dma_wait3A_67 = tpu.memref_slice %arg2[%dma_wait3A_65, %dma_wait3A_66] : memref<4096x4096xf32, #tpu.memory_space<hbm>> -> memref<8x2048xf32, #tpu.memory_space<hbm>>
    %dma_wait3A_68 = arith.constant 0 : i32
    %dma_wait3A_69 = arith.constant 0 : i32
    %dma_wait3A_70 = tpu.memref_slice %arg7[%dma_wait3A, %dma_wait3A_68, %dma_wait3A_69] : memref<2x8x2048xf32, #tpu.memory_space<vmem>> -> memref<1x8x2048xf32, #tpu.memory_space<vmem>>
    %dma_wait3A_71 = tpu.memref_squeeze %dma_wait3A_70 : memref<1x8x2048xf32, #tpu.memory_space<vmem>> -> memref<8x2048xf32, #tpu.memory_space<vmem>>
    %dma_wait3A_72 = arith.constant 0 : i32
    %dma_wait3A_73 = arith.constant 0 : i32
    %dma_wait3A_74 = tpu.memref_slice %arg2[%dma_wait3A_72, %dma_wait3A_73] : memref<4096x4096xf32, #tpu.memory_space<hbm>> -> memref<8x2048xf32, #tpu.memory_space<hbm>>
    tpu.wait_dma2 semaphore(%arg14 : memref<!tpu.dma_semaphore, #tpu.memory_space<semaphore_mem>>) src(%dma_wait3A_74 : memref<8x2048xf32, #tpu.memory_space<hbm>>) dst(%dma_wait3A_71 : memref<8x2048xf32, #tpu.memory_space<vmem>>)
    %dma_wait3A_75 = arith.constant 0 : i32
    %dma_wait3A_76 = arith.constant 0 : i32
    %dma_wait3A_77 = arith.constant 0 : i32
    %dma_wait3A_78 = tpu.memref_slice %arg8[%dma_wait3A_75, %dma_wait3A_76, %dma_wait3A_77] : memref<2x8x2048xf32, #tpu.memory_space<vmem>> -> memref<1x8x2048xf32, #tpu.memory_space<vmem>>
    %dma_wait3A_79 = tpu.memref_squeeze %dma_wait3A_78 : memref<1x8x2048xf32, #tpu.memory_space<vmem>> -> memref<8x2048xf32, #tpu.memory_space<vmem>>
    %dma_wait3A_80 = arith.constant 0 : i32
    %dma_wait3A_81 = arith.constant 0 : i32
    %dma_wait3A_82 = tpu.memref_slice %arg3[%dma_wait3A_80, %dma_wait3A_81] : memref<4096x4096xf32, #tpu.memory_space<hbm>> -> memref<8x2048xf32, #tpu.memory_space<hbm>>
    %dma_wait3A_83 = arith.constant 0 : i32
    %dma_wait3A_84 = arith.constant 0 : i32
    %dma_wait3A_85 = tpu.memref_slice %arg8[%dma_wait3A_75, %dma_wait3A_83, %dma_wait3A_84] : memref<2x8x2048xf32, #tpu.memory_space<vmem>> -> memref<1x8x2048xf32, #tpu.memory_space<vmem>>
    %dma_wait3A_86 = tpu.memref_squeeze %dma_wait3A_85 : memref<1x8x2048xf32, #tpu.memory_space<vmem>> -> memref<8x2048xf32, #tpu.memory_space<vmem>>
    %dma_wait3A_87 = arith.constant 0 : i32
    %dma_wait3A_88 = arith.constant 0 : i32
    %dma_wait3A_89 = tpu.memref_slice %arg3[%dma_wait3A_87, %dma_wait3A_88] : memref<4096x4096xf32, #tpu.memory_space<hbm>> -> memref<8x2048xf32, #tpu.memory_space<hbm>>
    tpu.wait_dma2 semaphore(%arg16 : memref<!tpu.dma_semaphore, #tpu.memory_space<semaphore_mem>>) src(%dma_wait3A_89 : memref<8x2048xf32, #tpu.memory_space<hbm>>) dst(%dma_wait3A_86 : memref<8x2048xf32, #tpu.memory_space<vmem>>)
    %swap3A = arith.constant 0 : index
    %swap3A_90 = tpu.vector_load %arg13[%swap3A] {strides = array<i32>} : memref<16xf32, #tpu.memory_space<vmem>>, vector<16xf32>,
    tpu.vector_store %arg13[%swap3A], %scan3A_59 {strides = array<i32>} : memref<16xf32, #tpu.memory_space<vmem>>, vector<16xf32>,
    "tpu.region"() ({
      %run_scoped3A = tpu.sem_alloc : memref<!tpu.dma_semaphore, #tpu.memory_space<semaphore_mem>>
      %dma_start3A_91 = arith.constant 0 : i32
      %dma_start3A_92 = tpu.memref_slice %arg4[%add3A, %dma_start3A_91] : memref<32x4096xf32, #tpu.memory_space<hbm>> -> memref<1x4096xf32, #tpu.memory_space<hbm>>
      %dma_start3A_93 = tpu.memref_squeeze %dma_start3A_92 : memref<1x4096xf32, #tpu.memory_space<hbm>> -> memref<4096xf32, #tpu.memory_space<hbm>>
      %dma_start3A_94 = arith.constant 0 : i32
      %dma_start3A_95 = tpu.memref_slice %arg4[%add3A, %dma_start3A_94] : memref<32x4096xf32, #tpu.memory_space<hbm>> -> memref<1x4096xf32, #tpu.memory_space<hbm>>
      %dma_start3A_96 = tpu.memref_squeeze %dma_start3A_95 : memref<1x4096xf32, #tpu.memory_space<hbm>> -> memref<4096xf32, #tpu.memory_space<hbm>>
      tpu.enqueue_dma source(%arg9 : memref<4096xf32, #tpu.memory_space<vmem>>) target(%dma_start3A_96 : memref<4096xf32, #tpu.memory_space<hbm>>) target_semaphore(%run_scoped3A : memref<!tpu.dma_semaphore, #tpu.memory_space<semaphore_mem>>)
      %dma_wait3A_97 = arith.constant 0 : i32
      %dma_wait3A_98 = tpu.memref_slice %arg4[%add3A, %dma_wait3A_97] : memref<32x4096xf32, #tpu.memory_space<hbm>> -> memref<1x4096xf32, #tpu.memory_space<hbm>>
      %dma_wait3A_99 = tpu.memref_squeeze %dma_wait3A_98 : memref<1x4096xf32, #tpu.memory_space<hbm>> -> memref<4096xf32, #tpu.memory_space<hbm>>
      %dma_wait3A_100 = arith.constant 0 : i32
      %dma_wait3A_101 = tpu.memref_slice %arg4[%add3A, %dma_wait3A_100] : memref<32x4096xf32, #tpu.memory_space<hbm>> -> memref<1x4096xf32, #tpu.memory_space<hbm>>
      %dma_wait3A_102 = tpu.memref_squeeze %dma_wait3A_101 : memref<1x4096xf32, #tpu.memory_space<hbm>> -> memref<4096xf32, #tpu.memory_space<hbm>>
      tpu.wait_dma2 semaphore(%run_scoped3A : memref<!tpu.dma_semaphore, #tpu.memory_space<semaphore_mem>>) src(%arg9 : memref<4096xf32, #tpu.memory_space<vmem>>) dst(%dma_wait3A_102 : memref<4096xf32, #tpu.memory_space<hbm>>)
      tpu.yield
    }) : () -> ()
    "tpu.region"() ({
      %run_scoped3A = tpu.sem_alloc : memref<!tpu.dma_semaphore, #tpu.memory_space<semaphore_mem>>
      %dma_start3A_91 = arith.constant 0 : i32
      %dma_start3A_92 = tpu.memref_slice %arg5[%add3A, %dma_start3A_91] : memref<32x4096xf32, #tpu.memory_space<hbm>> -> memref<1x4096xf32, #tpu.memory_space<hbm>>
      %dma_start3A_93 = tpu.memref_squeeze %dma_start3A_92 : memref<1x4096xf32, #tpu.memory_space<hbm>> -> memref<4096xf32, #tpu.memory_space<hbm>>
      %dma_start3A_94 = arith.constant 0 : i32
      %dma_start3A_95 = tpu.memref_slice %arg5[%add3A, %dma_start3A_94] : memref<32x4096xf32, #tpu.memory_space<hbm>> -> memref<1x4096xf32, #tpu.memory_space<hbm>>
      %dma_start3A_96 = tpu.memref_squeeze %dma_start3A_95 : memref<1x4096xf32, #tpu.memory_space<hbm>> -> memref<4096xf32, #tpu.memory_space<hbm>>
      tpu.enqueue_dma source(%arg10 : memref<4096xf32, #tpu.memory_space<vmem>>) target(%dma_start3A_96 : memref<4096xf32, #tpu.memory_space<hbm>>) target_semaphore(%run_scoped3A : memref<!tpu.dma_semaphore, #tpu.memory_space<semaphore_mem>>)
      %dma_wait3A_97 = arith.constant 0 : i32
      %dma_wait3A_98 = tpu.memref_slice %arg5[%add3A, %dma_wait3A_97] : memref<32x4096xf32, #tpu.memory_space<hbm>> -> memref<1x4096xf32, #tpu.memory_space<hbm>>
      %dma_wait3A_99 = tpu.memref_squeeze %dma_wait3A_98 : memref<1x4096xf32, #tpu.memory_space<hbm>> -> memref<4096xf32, #tpu.memory_space<hbm>>
      %dma_wait3A_100 = arith.constant 0 : i32
      %dma_wait3A_101 = tpu.memref_slice %arg5[%add3A, %dma_wait3A_100] : memref<32x4096xf32, #tpu.memory_space<hbm>> -> memref<1x4096xf32, #tpu.memory_space<hbm>>
      %dma_wait3A_102 = tpu.memref_squeeze %dma_wait3A_101 : memref<1x4096xf32, #tpu.memory_space<hbm>> -> memref<4096xf32, #tpu.memory_space<hbm>>
      tpu.wait_dma2 semaphore(%run_scoped3A : memref<!tpu.dma_semaphore, #tpu.memory_space<semaphore_mem>>) src(%arg10 : memref<4096xf32, #tpu.memory_space<vmem>>) dst(%dma_wait3A_102 : memref<4096xf32, #tpu.memory_space<hbm>>)
      tpu.yield
    }) : () -> ()
    "tpu.region"() ({
      %run_scoped3A = tpu.sem_alloc : memref<!tpu.dma_semaphore, #tpu.memory_space<semaphore_mem>>
      %dma_start3A_91 = arith.constant 0 : i32
      %dma_start3A_92 = tpu.memref_slice %arg6[%add3A, %dma_start3A_91] : memref<32x16xf32, #tpu.memory_space<hbm>> -> memref<1x16xf32, #tpu.memory_space<hbm>>
      %dma_start3A_93 = tpu.memref_squeeze %dma_start3A_92 : memref<1x16xf32, #tpu.memory_space<hbm>> -> memref<16xf32, #tpu.memory_space<hbm>>
      %dma_start3A_94 = arith.constant 0 : i32
      %dma_start3A_95 = tpu.memref_slice %arg6[%add3A, %dma_start3A_94] : memref<32x16xf32, #tpu.memory_space<hbm>> -> memref<1x16xf32, #tpu.memory_space<hbm>>
      %dma_start3A_96 = tpu.memref_squeeze %dma_start3A_95 : memref<1x16xf32, #tpu.memory_space<hbm>> -> memref<16xf32, #tpu.memory_space<hbm>>
      tpu.enqueue_dma source(%arg13 : memref<16xf32, #tpu.memory_space<vmem>>) target(%dma_start3A_96 : memref<16xf32, #tpu.memory_space<hbm>>) target_semaphore(%run_scoped3A : memref<!tpu.dma_semaphore, #tpu.memory_space<semaphore_mem>>)
      %dma_wait3A_97 = arith.constant 0 : i32
      %dma_wait3A_98 = tpu.memref_slice %arg6[%add3A, %dma_wait3A_97] : memref<32x16xf32, #tpu.memory_space<hbm>> -> memref<1x16xf32, #tpu.memory_space<hbm>>
      %dma_wait3A_99 = tpu.memref_squeeze %dma_wait3A_98 : memref<1x16xf32, #tpu.memory_space<hbm>> -> memref<16xf32, #tpu.memory_space<hbm>>
      %dma_wait3A_100 = arith.constant 0 : i32
      %dma_wait3A_101 = tpu.memref_slice %arg6[%add3A, %dma_wait3A_100] : memref<32x16xf32, #tpu.memory_space<hbm>> -> memref<1x16xf32, #tpu.memory_space<hbm>>
      %dma_wait3A_102 = tpu.memref_squeeze %dma_wait3A_101 : memref<1x16xf32, #tpu.memory_space<hbm>> -> memref<16xf32, #tpu.memory_space<hbm>>
      tpu.wait_dma2 semaphore(%run_scoped3A : memref<!tpu.dma_semaphore, #tpu.memory_space<semaphore_mem>>) src(%arg13 : memref<16xf32, #tpu.memory_space<vmem>>) dst(%dma_wait3A_102 : memref<16xf32, #tpu.memory_space<hbm>>)
      tpu.yield
    }) : () -> ()
    return
  }
}

module attributes {stable_mosaic.version = 14 : i64} {
  func.func @_finish_body(%arg0: memref<32x4096xf32, #tpu.memory_space<vmem>>, %arg1: memref<32x4096xf32, #tpu.memory_space<vmem>>, %arg2: memref<32x16xf32, #tpu.memory_space<vmem>>, %arg3: memref<1x4096xf32, #tpu.memory_space<vmem>>, %arg4: memref<1x4096xf32, #tpu.memory_space<vmem>>, %arg5: memref<10x256xf32, #tpu.memory_space<vmem>>, %arg6: memref<1x1xf32, #tpu.memory_space<smem>>) attributes {dimension_semantics = [], scalar_prefetch = 0 : i64, scratch_operands = 0 : i64, tpu.core_type = #tpu.core_type<tc>} {
    %get3A = arith.constant 0 : index
    %get3A_0 = arith.constant 0 : index
    %get3A_1 = vector.load %arg0[%get3A, %get3A_0] : memref<32x4096xf32, #tpu.memory_space<vmem>>, vector<32x4096xf32>
    %reduce_min3A = arith.constant dense<0x7F800000> : vector<4096xf32>
    %reduce_min3A_2 = vector.multi_reduction <minimumf>, %get3A_1, %reduce_min3A [0] : vector<32x4096xf32> to vector<4096xf32>
    %broadcast_in_dim3A = vector.shape_cast %reduce_min3A_2 : vector<4096xf32> to vector<1x4096xf32>
    %get3A_3 = arith.constant 0 : index
    %get3A_4 = arith.constant 0 : index
    %get3A_5 = vector.load %arg3[%get3A_3, %get3A_4] : memref<1x4096xf32, #tpu.memory_space<vmem>>, vector<1x4096xf32>
    %min3A = arith.minimumf %broadcast_in_dim3A, %get3A_5 : vector<1x4096xf32>
    %get3A_6 = arith.constant 0 : index
    %get3A_7 = arith.constant 0 : index
    %get3A_8 = vector.load %arg1[%get3A_6, %get3A_7] : memref<32x4096xf32, #tpu.memory_space<vmem>>, vector<32x4096xf32>
    %reduce_max3A = arith.constant dense<0xFF800000> : vector<4096xf32>
    %reduce_max3A_9 = vector.multi_reduction <maximumf>, %get3A_8, %reduce_max3A [0] : vector<32x4096xf32> to vector<4096xf32>
    %broadcast_in_dim3A_10 = vector.shape_cast %reduce_max3A_9 : vector<4096xf32> to vector<1x4096xf32>
    %get3A_11 = arith.constant 0 : index
    %get3A_12 = arith.constant 0 : index
    %get3A_13 = vector.load %arg4[%get3A_11, %get3A_12] : memref<1x4096xf32, #tpu.memory_space<vmem>>, vector<1x4096xf32>
    %max3A = arith.maximumf %broadcast_in_dim3A_10, %get3A_13 : vector<1x4096xf32>
    %add3A = arith.constant 2.000000e-01 : f32
    %add3A_14 = vector.broadcast %add3A : f32 to vector<1x4096xf32>
    %add3A_15 = arith.addf %max3A, %add3A_14 : vector<1x4096xf32>
    %sub3A = arith.subf %add3A_15, %min3A : vector<1x4096xf32>
    %max3A_16 = arith.constant 0.000000e+00 : f32
    %max3A_17 = vector.broadcast %max3A_16 : f32 to vector<1x4096xf32>
    %max3A_18 = arith.maximumf %sub3A, %max3A_17 : vector<1x4096xf32>
    %reduce_sum3A = vector.shape_cast %max3A_18 : vector<1x4096xf32> to vector<1x1x4096xf32>
    %reduce_sum3A_19 = arith.constant dense<0.000000e+00> : vector<1xf32>
    %reduce_sum3A_20 = vector.multi_reduction <add>, %reduce_sum3A, %reduce_sum3A_19 [1, 2] : vector<1x1x4096xf32> to vector<1xf32>
    %reduce_sum3A_21 = vector.shape_cast %reduce_sum3A_20 : vector<1xf32> to vector<1x1x1xf32>
    %reduce_sum3A_22 = vector.extract %reduce_sum3A_21[0, 0, 0] : f32 from vector<1x1x1xf32>
    %get3A_23 = arith.constant 0 : index
    %get3A_24 = arith.constant 0 : index
    %get3A_25 = vector.load %arg2[%get3A_23, %get3A_24] : memref<32x16xf32, #tpu.memory_space<vmem>>, vector<32x16xf32>
    %reduce_sum3A_26 = vector.shape_cast %get3A_25 : vector<32x16xf32> to vector<1x32x16xf32>
    %reduce_sum3A_27 = arith.constant dense<0.000000e+00> : vector<1xf32>
    %reduce_sum3A_28 = vector.multi_reduction <add>, %reduce_sum3A_26, %reduce_sum3A_27 [1, 2] : vector<1x32x16xf32> to vector<1xf32>
    %reduce_sum3A_29 = vector.shape_cast %reduce_sum3A_28 : vector<1xf32> to vector<1x1x1xf32>
    %reduce_sum3A_30 = vector.extract %reduce_sum3A_29[0, 0, 0] : f32 from vector<1x1x1xf32>
    %add3A_31 = arith.addf %reduce_sum3A_22, %reduce_sum3A_30 : f32
    %get3A_32 = arith.constant 0 : index
    %get3A_33 = arith.constant 0 : index
    %get3A_34 = vector.load %arg5[%get3A_32, %get3A_33] : memref<10x256xf32, #tpu.memory_space<vmem>>, vector<10x256xf32>
    %reduce_sum3A_35 = vector.shape_cast %get3A_34 : vector<10x256xf32> to vector<1x10x256xf32>
    %reduce_sum3A_36 = arith.constant dense<0.000000e+00> : vector<1xf32>
    %reduce_sum3A_37 = vector.multi_reduction <add>, %reduce_sum3A_35, %reduce_sum3A_36 [1, 2] : vector<1x10x256xf32> to vector<1xf32>
    %reduce_sum3A_38 = vector.shape_cast %reduce_sum3A_37 : vector<1xf32> to vector<1x1x1xf32>
    %reduce_sum3A_39 = vector.extract %reduce_sum3A_38[0, 0, 0] : f32 from vector<1x1x1xf32>
    %add3A_40 = arith.addf %add3A_31, %reduce_sum3A_39 : f32
    %div3A = arith.constant 1.638400e+03 : f32
    %div3A_41 = arith.divf %add3A_40, %div3A : f32
    %swap3A = arith.constant 0 : index
    %swap3A_42 = arith.constant 0 : index
    %swap3A_43 = memref.load %arg6[%swap3A, %swap3A_42] : memref<1x1xf32, #tpu.memory_space<smem>>
    memref.store %div3A_41, %arg6[%swap3A, %swap3A_42] : memref<1x1xf32, #tpu.memory_space<smem>>
    return
  }
}

module attributes {stable_mosaic.version = 14 : i64} {
  func.func @_tcmain_body(%arg0: i32, %arg1: memref<256x4096xf32, #tpu.memory_space<vmem>>, %arg2: memref<256x4096xf32, #tpu.memory_space<vmem>>, %arg3: memref<1x4096xf32, #tpu.memory_space<vmem>>, %arg4: memref<1x4096xf32, #tpu.memory_space<vmem>>, %arg5: memref<10x256xf32, #tpu.memory_space<vmem>>) attributes {dimension_semantics = [#tpu.dimension_semantics<arbitrary>], iteration_bounds = array<i64: 10>, scalar_prefetch = 0 : i64, scratch_operands = 0 : i64, tpu.core_type = #tpu.core_type<tc>, window_params = [{transform_indices = @transform_0, window_bounds = array<i64: 256, 4096>}, {transform_indices = @transform_1, window_bounds = array<i64: 256, 4096>}, {pipeline_mode = #tpu.pipeline_mode<synchronous>, transform_indices = @transform_2, window_bounds = array<i64: 1, 4096>}, {pipeline_mode = #tpu.pipeline_mode<synchronous>, transform_indices = @transform_3, window_bounds = array<i64: 1, 4096>}, {pipeline_mode = #tpu.pipeline_mode<synchronous>, transform_indices = @transform_4, window_bounds = array<i64: 10, 256>}]} {
    %get3A = arith.constant 0 : index
    %get3A_0 = arith.constant 0 : index
    %get3A_1 = vector.load %arg1[%get3A, %get3A_0] : memref<256x4096xf32, #tpu.memory_space<vmem>>, vector<256x4096xf32>
    %get3A_2 = arith.constant 0 : index
    %get3A_3 = arith.constant 0 : index
    %get3A_4 = vector.load %arg2[%get3A_2, %get3A_3] : memref<256x4096xf32, #tpu.memory_space<vmem>>, vector<256x4096xf32>
    %ge3A = arith.constant 5.000000e-01 : f32
    %ge3A_5 = vector.broadcast %ge3A : f32 to vector<256x4096xf32>
    %ge3A_6 = arith.cmpf oge, %get3A_4, %ge3A_5 : vector<256x4096xf32>
    %jit3A = arith.constant 0x7F800000 : f32
    %broadcast_in_dim3A = vector.broadcast %jit3A : f32 to vector<256x4096xf32>
    %select_n3A = arith.select %ge3A_6, %get3A_1, %broadcast_in_dim3A : vector<256x4096xi1>, vector<256x4096xf32>
    %jit3A_7 = arith.constant 0xFF800000 : f32
    %broadcast_in_dim3A_8 = vector.broadcast %jit3A_7 : f32 to vector<256x4096xf32>
    %select_n3A_9 = arith.select %ge3A_6, %broadcast_in_dim3A_8, %get3A_1 : vector<256x4096xi1>, vector<256x4096xf32>
    %reduce_min3A = arith.constant dense<0x7F800000> : vector<256xf32>
    %reduce_min3A_10 = vector.multi_reduction <minimumf>, %select_n3A, %reduce_min3A [1] : vector<256x4096xf32> to vector<256xf32>
    %reduce_max3A = arith.constant dense<0xFF800000> : vector<256xf32>
    %reduce_max3A_11 = vector.multi_reduction <maximumf>, %select_n3A_9, %reduce_max3A [1] : vector<256x4096xf32> to vector<256xf32>
    %add3A = arith.constant 2.000000e-01 : f32
    %add3A_12 = vector.broadcast %add3A : f32 to vector<256xf32>
    %add3A_13 = arith.addf %reduce_max3A_11, %add3A_12 : vector<256xf32>
    %sub3A = arith.subf %add3A_13, %reduce_min3A_10 : vector<256xf32>
    %max3A = arith.constant 0.000000e+00 : f32
    %max3A_14 = vector.broadcast %max3A : f32 to vector<256xf32>
    %max3A_15 = arith.maximumf %sub3A, %max3A_14 : vector<256xf32>
    %swap3A = arith.index_cast %arg0 : i32 to index
    %swap3A_16 = arith.constant 0 : index
    %swap3A_17 = vector.load %arg5[%swap3A, %swap3A_16] : memref<10x256xf32, #tpu.memory_space<vmem>>, vector<1x256xf32>
    %swap3A_18 = vector.shape_cast %swap3A_17 : vector<1x256xf32> to vector<256xf32>
    %swap3A_19 = vector.shape_cast %max3A_15 : vector<256xf32> to vector<1x256xf32>
    tpu.vector_store %arg5[%swap3A, %swap3A_16], %swap3A_19 {strides = array<i32>} : memref<10x256xf32, #tpu.memory_space<vmem>>, vector<1x256xf32>,
    %reduce_min3A_20 = arith.constant dense<0x7F800000> : vector<4096xf32>
    %reduce_min3A_21 = vector.multi_reduction <minimumf>, %select_n3A, %reduce_min3A_20 [0] : vector<256x4096xf32> to vector<4096xf32>
    %broadcast_in_dim3A_22 = vector.shape_cast %reduce_min3A_21 : vector<4096xf32> to vector<1x4096xf32>
    %reduce_max3A_23 = arith.constant dense<0xFF800000> : vector<4096xf32>
    %reduce_max3A_24 = vector.multi_reduction <maximumf>, %select_n3A_9, %reduce_max3A_23 [0] : vector<256x4096xf32> to vector<4096xf32>
    %broadcast_in_dim3A_25 = vector.shape_cast %reduce_max3A_24 : vector<4096xf32> to vector<1x4096xf32>
    %eq3A = arith.constant 0 : i32
    %eq3A_26 = arith.cmpi eq, %arg0, %eq3A : i32
    %convert_element_type3A = arith.extui %eq3A_26 : i1 to i32
    %cond3A = arith.constant 0 : i32
    %cond3A_27 = arith.cmpi ne, %convert_element_type3A, %cond3A : i32
    scf.if %cond3A_27 {
      %swap3A_32 = arith.constant 0 : index
      %swap3A_33 = arith.constant 0 : index
      %swap3A_34 = vector.load %arg3[%swap3A_32, %swap3A_33] : memref<1x4096xf32, #tpu.memory_space<vmem>>, vector<1x4096xf32>
      tpu.vector_store %arg3[%swap3A_32, %swap3A_33], %broadcast_in_dim3A_22 {strides = array<i32>} : memref<1x4096xf32, #tpu.memory_space<vmem>>, vector<1x4096xf32>,
      %swap3A_35 = arith.constant 0 : index
      %swap3A_36 = arith.constant 0 : index
      %swap3A_37 = vector.load %arg4[%swap3A_35, %swap3A_36] : memref<1x4096xf32, #tpu.memory_space<vmem>>, vector<1x4096xf32>
      tpu.vector_store %arg4[%swap3A_35, %swap3A_36], %broadcast_in_dim3A_25 {strides = array<i32>} : memref<1x4096xf32, #tpu.memory_space<vmem>>, vector<1x4096xf32>,
    } else {
    }
    %gt3A = arith.constant 0 : i32
    %gt3A_28 = arith.cmpi sgt, %arg0, %gt3A : i32
    %convert_element_type3A_29 = arith.extui %gt3A_28 : i1 to i32
    %cond3A_30 = arith.constant 0 : i32
    %cond3A_31 = arith.cmpi ne, %convert_element_type3A_29, %cond3A_30 : i32
    scf.if %cond3A_31 {
      %get3A_32 = arith.constant 0 : index
      %get3A_33 = arith.constant 0 : index
      %get3A_34 = vector.load %arg3[%get3A_32, %get3A_33] : memref<1x4096xf32, #tpu.memory_space<vmem>>, vector<1x4096xf32>
      %min3A = arith.minimumf %get3A_34, %broadcast_in_dim3A_22 : vector<1x4096xf32>
      %swap3A_35 = arith.constant 0 : index
      %swap3A_36 = arith.constant 0 : index
      %swap3A_37 = vector.load %arg3[%swap3A_35, %swap3A_36] : memref<1x4096xf32, #tpu.memory_space<vmem>>, vector<1x4096xf32>
      tpu.vector_store %arg3[%swap3A_35, %swap3A_36], %min3A {strides = array<i32>} : memref<1x4096xf32, #tpu.memory_space<vmem>>, vector<1x4096xf32>,
      %get3A_38 = arith.constant 0 : index
      %get3A_39 = arith.constant 0 : index
      %get3A_40 = vector.load %arg4[%get3A_38, %get3A_39] : memref<1x4096xf32, #tpu.memory_space<vmem>>, vector<1x4096xf32>
      %max3A_41 = arith.maximumf %get3A_40, %broadcast_in_dim3A_25 : vector<1x4096xf32>
      %swap3A_42 = arith.constant 0 : index
      %swap3A_43 = arith.constant 0 : index
      %swap3A_44 = vector.load %arg4[%swap3A_42, %swap3A_43] : memref<1x4096xf32, #tpu.memory_space<vmem>>, vector<1x4096xf32>
      tpu.vector_store %arg4[%swap3A_42, %swap3A_43], %max3A_41 {strides = array<i32>} : memref<1x4096xf32, #tpu.memory_space<vmem>>, vector<1x4096xf32>,
    } else {
    }
    return
  }
  func.func @transform_0(%arg0: i32) -> (i32, i32) {
    %add3A = arith.constant 6 : i32
    %add3A_0 = arith.addi %add3A, %arg0 : i32
    %c0_i32 = arith.constant 0 : i32
    %c0_i32_1 = arith.constant 0 : i32
    return %add3A_0, %c0_i32 : i32, i32
  }
  func.func @transform_1(%arg0: i32) -> (i32, i32) {
    %add3A = arith.constant 6 : i32
    %add3A_0 = arith.addi %add3A, %arg0 : i32
    %c0_i32 = arith.constant 0 : i32
    %c0_i32_1 = arith.constant 0 : i32
    return %add3A_0, %c0_i32 : i32, i32
  }
  func.func @transform_2(%arg0: i32) -> (i32, i32) {
    %c0_i32 = arith.constant 0 : i32
    %c0_i32_0 = arith.constant 0 : i32
    %c0_i32_1 = arith.constant 0 : i32
    return %c0_i32, %c0_i32_0 : i32, i32
  }
  func.func @transform_3(%arg0: i32) -> (i32, i32) {
    %c0_i32 = arith.constant 0 : i32
    %c0_i32_0 = arith.constant 0 : i32
    %c0_i32_1 = arith.constant 0 : i32
    return %c0_i32, %c0_i32_0 : i32, i32
  }
  func.func @transform_4(%arg0: i32) -> (i32, i32) {
    %c0_i32 = arith.constant 0 : i32
    %c0_i32_0 = arith.constant 0 : i32
    %c0_i32_1 = arith.constant 0 : i32
    return %c0_i32, %c0_i32_0 : i32, i32
  }
}

</mosaic_0001>

<sc_bundles>
// kernel: kernel.5.cloned.1.call-start
scs
__scs_entry_jumppad:
0x0: {  	(pc) =	sbr.rel $0x88, $3  }
0x1: {  	(tag) =	ssettag $0x0;
	lr =	simm.s32 $0x1  }
0x2: {  	[smem:$0x3F9F] =	sst lr;
	_ =	strace $0xD0000000  }
0x3: {  	_ = 	snop  }
0x4: {  	_ = 	snop  }
0x5: {  	_ = 	snop  }
0x6: {  	_ = 	snop  }
0x7: {  	_ = 	snop  }
__scs_overlays_trampoline_lowered:
0x8: {  	[smem:$0x3FAE] =	sst s0  }
0x9: {  	[smem:$0x3FAF] =	sst s1  }
0xa: {  	[smem:$0x3FB0] =	sst s2  }
0xb: {  	[smem:$0x3FB1] =	sst s3  }
0xc: {  	[smem:$0x3FB2] =	sst s4  }
0xd: {  	[smem:$0x3FB3] =	sst s5  }
0xe: {  	[smem:$0x3FB4] =	sst s6  }
0xf: {  	[smem:$0x3FB5] =	sst s7  }
0x10: {  	[smem:$0x3FB6] =	sst s8  }
0x11: {  	[smem:$0x3FB7] =	sst s9;
	s0 =	simm.s32 @!p0 $0x0  }
0x12: {  	s1 =	sld [smem:$0x3F9D];
	s0 =	simm.s32 @p0 $0x1  }
0x13: {  	[smem:$0x3FB8] =	sst s0;
	s0 =	simm.s32 @!p1 $0x0  }
0x14: {  	s2 =	sld [smem:$0x3F9C];
	s0 =	simm.s32 @p1 $0x1  }
0x15: {  	[smem:$0x3FB9] =	sst s0;
	s0 =	simm.s32 @!p2 $0x0  }
0x16: {  	s3 =	sld [smem:$0x3FDB];
	s0 =	simm.s32 @p2 $0x1  }
0x17: {  	s4 =	simm.s32 $0x1BF5;
	[smem:$0x3FBB] =	sst s0  }
0x18: {  	s0 =	sld [smem:$0x3F9E];
	_ =	swait.ge [sflag:s4], $0x0  }
0x19: {  	s7 =	sld [smem:$0x3F9F]  }
0x1a: {  	s8 =	sadd.s32 $0xFFFFE003, lr  }
0x1b: {  	s9 =	sadd.s32 $0xFFFFFEF7, lr;
	s5 =	simm.s32 $0xFFFFFFFF;
	p2 =	slt.u32 s8, $0xFFFFF086  }
0x1c: {  	p1 =	slt.u32 s9, $0xF7A;
	s5 =	simm.s32 @!p2 $0x0  }
0x1d: {  	s5 =	simm.s32 @p1 $0x1;
	p0 =	seq.s32 s7, s2  }
0x1e: {  	s7 =	smul.u32 @!p0 $0xF7A, s2;
	p2 =	seq.s32 @!p0 s5, $0x0  }
0x1f: {  	s9 =	smul.u32 $0xF7A, s1;
	s8 =	simm.s32 @!p0 $0x1BF5;
	p2 =	por !p2, p0  }
0x20: {  	[sflag:s8] =	ssyncset.s32 @!p0 $0xFFFFF086;
	s6 =	sadd.s32 @!p0 s3, s7;
	s7 =	simm.s32 @!p0 $0x108  }
0x21: {  	s3 =	sadd.s32 s3, s9;
	s6 =	sadd.s32 @!p0 $0x88, s6;
	s7 =	simm.s32 @p2 $0x1082  }
0x22: {  	[simem:s7], [sflag:s8] =	dma.local @!p0 [hbm:s6], $0xF7A  }
0x23: {  	s9 =	sor.u32 $0xD0000000, s2;
	s6 =	simm.s32 $0x108;
	_ =	swait.ge @!p0 [sflag:s8], $0x0  }
0x24: {  	s3 =	sadd.s32 $0x88, s3;
	s6 =	simm.s32 @!p1 $0x1082;
	[sflag:s4] =	ssyncset.s32 $0xFFFFF086  }
0x25: {  	[simem:s6], [sflag:s4] =	dma.local [hbm:s3], $0xF7A  }
0x26: {  	[smem:$0x3F9F] =	sst s1;
	(tag) =	ssettag s2;
	_ =	strace s9  }
0x27: {  	s1 =	sld [smem:$0x3FAF]  }
0x28: {  	s2 =	sld [smem:$0x3FB0]  }
0x29: {  	s4 =	sld [smem:$0x3FB2]  }
0x2a: {  	p0 =	seq.s32 s5, $0x0;
	s5 =	sld [smem:$0x3FB3]  }
0x2b: {  	s6 =	sld [smem:$0x3FB4]  }
0x2c: {  	s7 =	sld [smem:$0x3FB5]  }
0x2d: {  	s3 =	simm.s32 $0x108;
	s8 =	sld [smem:$0x3FB6]  }
0x2e: {  	s3 =	simm.s32 @!p0 $0x1082;
	s9 =	sld [smem:$0x3FB7]  }
0x2f: {  	lr =	sadd.s32 s0, s3;
	s0 =	sld [smem:$0x3FAE]  }
0x30: {  	s3 =	sld [smem:$0x3FB1]  }
0x31: {  	[smem:$0x3FBA] =	sst s10  }
0x32: {  	s10 =	sld [smem:$0x3FB8];
	_ =	sdelay $0x3  }
0x33: {  	p0 =	seq.s32 s10, $0x1;
	s10 =	sld [smem:$0x3FBA];
	_ =	sdelay $0x3  }
0x34: {  	[smem:$0x3FBA] =	sst s10  }
0x35: {  	s10 =	sld [smem:$0x3FB9];
	_ =	sdelay $0x3  }
0x36: {  	p1 =	seq.s32 s10, $0x1;
	s10 =	sld [smem:$0x3FBA];
	_ =	sdelay $0x3  }
0x37: {  	[smem:$0x3FBA] =	sst s10  }
0x38: {  	s10 =	sld [smem:$0x3FBB]  }
0x39: {  	_ = 	snop;
	(pc) =	sbr.ind lr, $3  }
0x3a: {  	_ = 	snop  }
0x3b: {  	_ = 	snop  }
0x3c: {  	p2 =	seq.s32 s10, $0x1;
	s10 =	sld [smem:$0x3FBA]  }
0x3d: {  	_ =	shalt  }
0x3e: {  	_ =	shalt  }
0x3f: {  	_ =	shalt  }
0x40: {  	_ =	shalt  }
0x41: {  	_ =	shalt  }
0x42: {  	_ =	shalt  }
0x43: {  	_ =	shalt  }
0x44: {  	_ =	shalt  }
0x45: {  	_ =	shalt  }
0x46: {  	_ =	shalt  }
0x47: {  	_ =	shalt  }
0x48: {  	_ =	shalt  }
0x49: {  	_ =	shalt  }
0x4a: {  	_ =	shalt  }
0x4b: {  	_ =	shalt  }
0x4c: {  	_ =	shalt  }
0x4d: {  	_ =	shalt  }
0x4e: {  	_ =	shalt  }
0x4f: {  	_ =	shalt  }
0x50: {  	_ =	shalt  }
0x51: {  	_ =	shalt  }
0x52: {  	_ =	shalt  }
0x53: {  	_ =	shalt  }
0x54: {  	_ =	shalt  }
0x55: {  	_ =	shalt  }
0x56: {  	_ =	shalt  }
0x57: {  	_ =	shalt  }
0x58: {  	_ =	shalt  }
0x59: {  	_ =	shalt  }
0x5a: {  	_ =	shalt  }
0x5b: {  	_ =	shalt  }
0x5c: {  	_ =	shalt  }
0x5d: {  	_ =	shalt  }
0x5e: {  	_ =	shalt  }
0x5f: {  	_ =	shalt  }
0x60: {  	_ =	shalt  }
0x61: {  	_ =	shalt  }
0x62: {  	_ =	shalt  }
0x63: {  	_ =	shalt  }
0x64: {  	_ =	shalt  }
0x65: {  	_ =	shalt  }
0x66: {  	_ =	shalt  }
0x67: {  	_ =	shalt  }
0x68: {  	_ =	shalt  }
0x69: {  	_ =	shalt  }
0x6a: {  	_ =	shalt  }
0x6b: {  	_ =	shalt  }
0x6c: {  	_ =	shalt  }
0x6d: {  	_ =	shalt  }
0x6e: {  	_ =	shalt  }
0x6f: {  	_ =	shalt  }
0x70: {  	_ =	shalt  }
0x71: {  	_ =	shalt  }
0x72: {  	_ =	shalt  }
0x73: {  	_ =	shalt  }
0x74: {  	_ =	shalt  }
0x75: {  	_ =	shalt  }
0x76: {  	_ =	shalt  }
0x77: {  	_ =	shalt  }
0x78: {  	_ =	shalt  }
0x79: {  	_ =	shalt  }
0x7a: {  	_ =	shalt  }
0x7b: {  	_ =	shalt  }
0x7c: {  	_ =	shalt  }
0x7d: {  	_ =	shalt  }
0x7e: {  	_ =	shalt  }
0x7f: {  	_ =	shalt  }
0x80: {  	_ =	shalt  }
0x81: {  	_ =	shalt  }
0x82: {  	_ =	shalt  }
0x83: {  	_ =	shalt  }
0x84: {  	_ =	shalt  }
0x85: {  	_ =	shalt  }
0x86: {  	_ =	shalt  }
0x87: {  	_ =	shalt  }
.Lfunc_end0:
.L_simem_size_0:
called_computation_lowered:
.L_overlay_start_0:
0x88: {  	s2 =	sld [smem:$0x3FD9]  }
0x89: {  	s3 =	sld [smem:$0x3FFE];
	_ =	sdelay $0x1  }
0x8a: {  	s1 =	srdreg.scid  }
0x8b: {  	s0 =	sand.u32 $0x1, s1  }
0x8c: {  	s17 =	sshll.u32 s0, $0xA;
	s2 =	sadd.s32 s3, s2  }
0x8d: {  	s2 =	sadd.s32 s2, s17  }
0x8e: {  	[smem:$0x3FC6] =	sst s2  }
0x8f: {  	_ = 	snop  }
0x90: {  	s2 =	sld [smem:$0x3FC9]  }
0x91: {  	s18 =	sld [smem:$0x3FC8];
	(tm) =	ssettm $0x1  }
0x92: {  	s4 =	sld [smem:$0x3FFB];
	_ =	sdelay $0x3  }
0x93: {  	_ =	strace s4  }
0x94: {  	s4 =	sld [smem:$0x3FFC];
	_ =	sdelay $0x3  }
0x95: {  	_ =	strace s4  }
0x96: {  	s4 =	sld [smem:$0x3FFD];
	_ =	sdelay $0x3  }
0x97: {  	_ =	strace s4  }
0x98: {  	_ =	strace $0x8FFFFFFF  }
0x99: {  	s19 =	sld [smem:$0x3FDB];
	_ =	sdelay $0x1  }
0x9a: {  	s5 =	simm.s32 $_scs_section_size  }
0x9b: {  	s6 =	simm.s32 $_size__tile_overlayer_lowered;
	s7 =	simm.s32 $_tile_overlayer_lowered  }
0x9c: {  	s22 =	simm.s32 $0x1BFF;
	s21 =	sshll.u32 s7, $0x1;
	s4 =	sadd.s32 s5, s19  }
0x9d: {  	s8 =	simm.s32 $0x0;
	s20 =	sshll.u32 s6, $0x1;
	s6 =	sadd.s32 s21, s4  }
0x9e: {  	[timem:s8], [sflag:s22] =	dma.local [hbm:s6], s20  }
0x9f: {  	_ =	swait.ge [sflag:s22], s20  }
0xa0: {  	s5 =	ssub.s32 $0x0, s20;
	[sflag:s22] =	ssyncset.done $0x0  }
0xa1: {  	[sflag:s22] =	ssyncadd.s32 s5;
	_ =	sdelay $0x1  }
0xa2: {  	s23 =	simm.s32 $0x1B8B  }
0xa3: {  	_ =	swait.ge [sflag:s23], $0x1  }
0xa4: {  	[sflag:s23] =	ssyncset.done $0x0  }
0xa5: {  	s25 =	simm.s32 $0x1B8E;
	s24 =	sld [smem:$0x3FFE];
	[sflag:s23] =	ssyncadd.s32 $0xFFFFFFFF  }
0xa6: {  	s26 =	simm.s32 $execute0_lowered;
	[smem:$0x3FD2] =	sst s25  }
0xa7: {  	s6 =	sshll.u32 s26, $0x1;
	_ =	strace $0x80000046;
	[dreg:$0x1] =	wrdreg $0xFFFFFFFF  }
0xa8: {  	s28 =	simm.s32 $_size_execute0_lowered;
	s4 =	sadd.s32 s4, s6;
	[dreg:$0x0] =	wrdreg $0x0  }
0xa9: {  	s6 =	sshll.u32 s28, $0x1;
	[dreg:$0x2] =	wrdreg s4  }
0xaa: {  	[dreg:$0x3] =	wrdreg s6  }
0xab: {  	[dreg:$0x4] =	wrdreg $0xC0  }
0xac: {  	_ =	task [dreg:s8], $0x5FFFF  }
0xad: {  	[dreg:$0x1] =	wrdreg $0xFFFFFFFF  }
0xae: {  	[dreg:$0x0] =	wrdreg $0x60  }
0xaf: {  	[dreg:$0x2] =	wrdreg s2  }
0xb0: {  	[dreg:$0x3] =	wrdreg s18  }
0xb1: {  	[dreg:$0x4] =	wrdreg s24  }
0xb2: {  	[dreg:$0x5] =	wrdreg $0x9  }
0xb3: {  	_ =	task.clear_ibuf [dreg:s8], $0x6FFFF;
	_ =	strace $0x90000046  }
0xb4: {  	s29 =	simm.s32 $0x9;
	_ =	strace $0x80000048  }
0xb5: {  	_ =	swait.ge [sflag:s29], $0x1  }
0xb6: {  	[sflag:s29] =	ssyncadd.s32 $0xFFFFFFFF  }
0xb7: {  	_ =	strace $0x90000048  }
0xb8: {  	_ =	sfence  }
0xb9: {  	s30 =	sld [smem:$0x0];
	_ =	sdelay $0x2  }
0xba: {  	s31 =	sshll.u32 s1, $0xD;
	s1 =	sshrl.u32 s1, $0x2  }
0xbb: {  	s3 =	sand.u32 $0x4000, s31;
	s1 =	sadd.s32 s1, s30  }
0xbc: {  	s0 =	sor.u32 s3, s0;
	s1 =	sshll.u32 s1, $0x11  }
0xbd: {  	s0 =	sor.u32 s1, s0  }
0xbe: {  	s0 =	sadd.s32 $0x8F2B, s0  }
0xbf: {  	[sflag:s0] =	ssyncadd.remote.s32 $0x1  }
0xc0: {  	_ =	sfence.sel $0xFFFF  }
0xc1: {  	[dreg:$0x0] =	wrdreg $0xFFFFFFFF;
	(pc) =	sbr.abs _section_cstart, $3  }
0xc2: {  	[dreg:$0x1] =	wrdreg $0xFFFFFFFF  }
0xc3: {  	_ =	task.clear_ibuf [dreg:s8], $0x2FFFF;
	_ =	strace $0x9FFFFFFF  }
0xc4: {  	(tm) =	ssettm $0x7FFFFFFF  }
0xc5: {  	_ =	shalt  }
tec
execute0_lowered:
.L_overlay_start_1:
0x0: {  	(tag) =	ssettag $0x1  }
0x1: {  	s1 =	rddreg [dreg:$0x0]  }
0x2: {  	s3 =	rddreg [dreg:$0x1];
	s0 =	srdreg.scid  }
0x3: {  	s6 =	stileid.u32;
	s2 =	rddreg [dreg:$0x2]  }
0x4: {  	s13 =	simm.s32 $0x8000;
	s14 =	simm.s32 $0x4000;
	s15 =	simm.s32 $0xC000  }
0x5: {  	s16 =	simm.s32 $0x1;
	s17 =	simm.s32 $0x3;
	s18 =	simm.s32 $0x2  }
0x6: {  	s19 =	simm.s32 $0x4;
	s20 =	simm.s32 $0x12000;
	s21 =	simm.s32 $0x12400  }
0x7: {  	s29 =	simm.s32 $0x0;
	s0 =	sand.u32 $0x1, s0;
	s4 =	sshll.u32 s6, $0x1  }
0x8: {  	s30 =	simm.s32 $0x0;
	s6 =	sshrl.u32 s6, $0x2;
	s5 =	sor.u32 s0, s4  }
0x9: {  	s4 =	simm.s32 $0x0;
	s8 =	sshll.u32 s6, $0xF;
	s6 =	sshll.u32 s6, $0xA  }
0xa: {  	s0 =	ssub.s32 $0x2, s0;
	s7 =	sshll.u32 s5, $0x7;
	[smem:$0x7FF] =	sst s4  }
0xb: {  	s24 =	sshrl.u32 s0, $0x1;
	s9 =	smul.u32 $0x6000, s5;
	s7 =	sand.u32 $0x380, s7  }
0xc: {  	_ =	strace $0x80000047;
	s0 =	ssub.s32 s0, s24;
	s8 =	sor.u32 s8, s7  }
0xd: {  	s6 =	sor.u32 s6, s7;
	s25 =	sadd.s32 s1, s9;
	s26 =	sadd.s32 s3, s9  }
0xe: {  	s7 =	smul.u32 $0x6, s5;
	s12 =	smax.u32 s0, $0x1;
	s8 =	sshrl.u32 s8, $0x3  }
0xf: {  	s6 =	sshrl.u32 s6, $0x3;
	[dreg:$0x4] =	wrdreg s25;
	s10 =	sadd.s32 s8, s2  }
0x10: {  	v0 =	vlaneseq.u32;
	[dreg:$0x5] =	wrdreg s26;
	s25 =	simm.s32 $0x5;
	s28 =	sadd.s32 $0x1000, s10  }
0x11: {  	v2 =	vand.u32 $0x7, v0;
	s2 =	sadd.s32 s6, s2;
	s31 =	sadd.s32 $0x5000, s10;
	[dreg:$0x6] =	wrdreg s28  }
0x12: {  	v1 =	vimm.f32 $-Inf;
	v0 =	vimm.f32 $+Inf;
	v2 =	vmul.u32 $0x80, v2;
	s8 =	smul.u32 $0x30000, s5;
	s11 =	sadd.s32 $0x9000, s2;
	[dreg:$0x7] =	wrdreg s31  }
.LBB2_1:
0x13: {  	s0 =	rddreg [dreg:$0x4]  }
0x14: {  	[tilespmem:s4], [sflag:$0x1] =	stream.linear.gather [hbm4b:s0+s4], $0x4000, $0x38;
	[tilespmem:$0x12880] =	vst v63  }
0x15: {  	s31 =	rddreg [dreg:$0x5];
	s0 =	simm.s32 $0x0  }
0x16: {  	[tilespmem:s13], [sflag:$0x3] =	stream.linear.gather [hbm4b:s31+s4], $0x4000, $0x38;
	[tilespmem:$0x12880] =	vst v63  }
.LBB2_2:
0x17: {  	p0 =	sne.s32 s0, $0x3FC0  }
.Ltmp0:
0x18: {  	_ = 	snop;
	(pc) =	sbr.rel @p0 .LBB2_2-.Ltmp0, $4  }
0x19: {  	_ = 	snop  }
0x1a: {  	s2 =	sshra.s32 s0, $0x2  }
0x1b: {  	[tilespmem:s2+$0x10000] =	vst v0  }
0x1c: {  	s0 =	sadd.s32 $0x40, s0;
	[tilespmem:s2+$0x11000] =	vst v1  }
0x1d: {  	v3 =	vimm.f32 $0.0e+00;
	s31 =	simm.s32 $0x0  }
.LBB2_4:
0x1e: {  	s0 =	sadd.s32 s7, s31  }
0x1f: {  	s0 =	sshll.u32 s0, $0xC  }
0x20: {  	s0 =	sor.u32 $0x800, s0  }
0x21: {  	s2 =	sadd.s32 s1, s0  }
0x22: {  	[tilespmem:s14], [sflag:$0x2] =	stream.linear.gather [hbm4b:s2+s30], $0x4000, $0x38;
	[tilespmem:$0x12880] =	vst v63  }
0x23: {  	s0 =	sadd.s32 s3, s0  }
0x24: {  	[tilespmem:s15], [sflag:$0x4] =	stream.linear.gather [hbm4b:s0+s30], $0x4000, $0x38;
	[tilespmem:$0x12880] =	vst v63  }
0x25: {  	v14 =	vimm.f32 $+Inf;
	_ =	swait.ge [sflag:s16], $0x4000  }
0x26: {  	v13 =	vimm.f32 $-Inf;
	v18 =	vimm.f32 $-Inf;
	v15 =	vimm.f32 $-Inf;
	[sflag:s16] =	ssyncset.done $0x0  }
0x27: {  	v12 =	vimm.f32 $-Inf;
	v10 =	vimm.f32 $-Inf;
	v7 =	vimm.f32 $-Inf;
	[sflag:s16] =	ssyncadd.s32 $0xFFFFC000  }
0x28: {  	v6 =	vimm.f32 $-Inf;
	v4 =	vimm.f32 $-Inf;
	v19 =	vimm.f32 $+Inf;
	p0 =	por $0x0, $0x0;
	_ =	swait.ge [sflag:s17], $0x4000  }
0x29: {  	v16 =	vimm.f32 $+Inf;
	v17 =	vimm.f32 $+Inf;
	v11 =	vimm.f32 $+Inf;
	s24 =	simm.s32 $0x0;
	s26 =	simm.s32 $0x0;
	[sflag:s17] =	ssyncset.done $0x0  }
0x2a: {  	v9 =	vimm.f32 $+Inf;
	v8 =	vimm.f32 $+Inf;
	v5 =	vimm.f32 $+Inf;
	s2 =	simm.s32 $0x10000;
	s0 =	simm.s32 $0x11000;
	[sflag:s17] =	ssyncadd.s32 $0xFFFFC000  }
.LBB2_5:
0x2b: {  	s6 =	sand.u32 $0x40, s24;
	v20 =	vld [tilespmem:s2+$0x0];
	s5 =	sand.u32 $0x3C00, s26  }
0x2c: {  	v21 =	vld [tilespmem:s0+$0x0];
	s9 =	sor.u32 s6, s5  }
0x2d: {  	v22 =	vld [tilespmem:s9+$0x0]  }
0x2e: {  	v23 =	vld [tilespmem:s9+$0x8000]  }
0x2f: {  	v24 =	vld [tilespmem:s9+$0x80]  }
0x30: {  	s22 =	simm.s32 $0x1;
	v25 =	vld [tilespmem:s9+$0x8080]  }
0x31: {  	s22 =	simm.s32 @!p0 $0x0;
	v26 =	vld [tilespmem:s9+$0x100]  }
0x32: {  	s22 =	sshll.u32 s22, $0x6;
	v27 =	vld [tilespmem:s9+$0x8100]  }
0x33: {  	v29 =	vld [tilespmem:s9+$0x8180];
	s28 =	sadd.s32 s22, s26  }
0x34: {  	v28 =	vld [tilespmem:s9+$0x180];
	s22 =	sor.u32 $0x200, s28  }
0x35: {  	v55 =	vld [tilespmem:s22+$0x0]  }
0x36: {  	s23 =	sor.u32 $0x280, s28;
	v31 =	vld [tilespmem:s22+$0x8000]  }
0x37: {  	s10 =	sor.u32 $0x300, s28;
	v57 =	vld [tilespmem:s23+$0x8000];
	vm0 =	vge.f32 v23, $5.000000000e-01;
	vm9 =	vge.f32 v25, $5.000000000e-01;
	vm10 =	vge.f32 v27, $5.000000000e-01  }
0x38: {  	v58 =	vld [tilespmem:s10+$0x8000];
	vm11 =	vge.f32 v29, $5.000000000e-01;
	v30 =	vnsel vm0, $0x7F800000, v22;
	v22 =	vsel vm0, $0xFF800000, v22  }
0x39: {  	v56 =	vld [tilespmem:s23+$0x0];
	v32 =	vnsel vm9, $0x7F800000, v24;
	v24 =	vsel vm9, $0xFF800000, v24;
	v33 =	vnsel vm10, $0x7F800000, v26  }
0x3a: {  	v34 =	vld [tilespmem:s10+$0x0];
	v26 =	vsel vm10, $0xFF800000, v26;
	v35 =	vnsel vm11, $0x7F800000, v28;
	v20 =	vmin.f32 v20, v30  }
0x3b: {  	s22 =	sor.u32 $0x380, s28;
	v28 =	vsel vm11, $0xFF800000, v28;
	v21 =	vmax.f32 v21, v22;
	v20 =	vmin.f32 v20, v32  }
0x3c: {  	v36 =	vld [tilespmem:s22+$0x8000];
	v21 =	vmax.f32 v21, v24;
	vm12 =	vge.f32 v31, $5.000000000e-01;
	vm13 =	vge.f32 v57, $5.000000000e-01  }
0x3d: {  	v59 =	vld [tilespmem:s22+$0x0];
	vm14 =	vge.f32 v58, $5.000000000e-01;
	v20 =	vmin.f32 v20, v33;
	v21 =	vmax.f32 v21, v26  }
0x3e: {  	v37 =	vnsel vm12, $0x7F800000, v55;
	v23 =	vsel vm12, $0xFF800000, v55;
	v27 =	vnsel vm13, $0x7F800000, v56  }
0x3f: {  	v25 =	vsel vm13, $0xFF800000, v56;
	v29 =	vnsel vm14, $0x7F800000, v34;
	v20 =	vmin.f32 v20, v35  }
0x40: {  	v34 =	vsel vm14, $0xFF800000, v34;
	v21 =	vmax.f32 v21, v28;
	v20 =	vmin.f32 v20, v37  }
0x41: {  	vm15 =	vge.f32 v36, $5.000000000e-01;
	v21 =	vmax.f32 v21, v23;
	v20 =	vmin.f32 v20, v27  }
0x42: {  	v36 =	vnsel vm15, $0x7F800000, v59;
	v21 =	vmax.f32 v21, v25;
	v20 =	vmin.f32 v20, v29  }
0x43: {  	v31 =	vsel vm15, $0xFF800000, v59;
	v21 =	vmax.f32 v21, v34;
	v20 =	vmin.f32 v20, v36  }
0x44: {  	s10 =	sor.u32 $0x10, s6;
	s22 =	sand.u32 $0x780, s24;
	v21 =	vmax.f32 v21, v31;
	[tilespmem:s2+$0x0] =	vst v20  }
0x45: {  	s9 =	sor.u32 s22, s10;
	[tilespmem:s0+$0x0] =	vst v21  }
0x46: {  	v20 =	vld [tilespmem:s9+$0x10000]  }
0x47: {  	s10 =	sor.u32 s5, s10;
	v21 =	vld [tilespmem:s9+$0x11000]  }
0x48: {  	v38 =	vld [tilespmem:s10+$0x0]  }
0x49: {  	v39 =	vld [tilespmem:s10+$0x8000]  }
0x4a: {  	v40 =	vld [tilespmem:s10+$0x80]  }
0x4b: {  	v41 =	vld [tilespmem:s10+$0x8080]  }
0x4c: {  	v42 =	vld [tilespmem:s10+$0x100]  }
0x4d: {  	v43 =	vld [tilespmem:s10+$0x8100]  }
0x4e: {  	s23 =	sadd.s32 $0x10, s28;
	v45 =	vld [tilespmem:s10+$0x8180]  }
0x4f: {  	v44 =	vld [tilespmem:s10+$0x180];
	s10 =	sor.u32 $0x200, s23  }
0x50: {  	v60 =	vld [tilespmem:s10+$0x0]  }
0x51: {  	v47 =	vld [tilespmem:s10+$0x8000];
	s10 =	sor.u32 $0x280, s23  }
0x52: {  	v62 =	vld [tilespmem:s10+$0x8000];
	vm4 =	vge.f32 v39, $5.000000000e-01;
	vm5 =	vge.f32 v41, $5.000000000e-01;
	vm6 =	vge.f32 v43, $5.000000000e-01  }
0x53: {  	v61 =	vld [tilespmem:s10+$0x0];
	s10 =	sor.u32 $0x300, s23;
	vm7 =	vge.f32 v45, $5.000000000e-01;
	v46 =	vnsel vm4, $0x7F800000, v38;
	v38 =	vsel vm4, $0xFF800000, v38  }
0x54: {  	s23 =	sor.u32 $0x380, s23;
	v63 =	vld [tilespmem:s10+$0x8000];
	v48 =	vnsel vm5, $0x7F800000, v40;
	v40 =	vsel vm5, $0xFF800000, v40;
	v49 =	vnsel vm6, $0x7F800000, v42  }
0x55: {  	v52 =	vld [tilespmem:s23+$0x8000];
	v42 =	vsel vm6, $0xFF800000, v42;
	v51 =	vnsel vm7, $0x7F800000, v44;
	v44 =	vsel vm7, $0xFF800000, v44  }
0x56: {  	v50 =	vld [tilespmem:s10+$0x0];
	vm8 =	vge.f32 v47, $5.000000000e-01;
	v20 =	vmin.f32 v20, v46;
	v21 =	vmax.f32 v21, v38  }
0x57: {  	v53 =	vnsel vm8, $0x7F800000, v60;
	v39 =	vsel vm8, $0xFF800000, v60;
	vm9 =	vge.f32 v62, $5.000000000e-01  }
0x58: {  	v56 =	vld [tilespmem:s23+$0x0];
	v20 =	vmin.f32 v20, v48;
	v21 =	vmax.f32 v21, v40;
	v43 =	vnsel vm9, $0x7F800000, v61  }
0x59: {  	v41 =	vsel vm9, $0xFF800000, v61;
	vm10 =	vge.f32 v63, $5.000000000e-01;
	v20 =	vmin.f32 v20, v49  }
0x5a: {  	vm11 =	vge.f32 v52, $5.000000000e-01;
	v21 =	vmax.f32 v21, v42;
	v20 =	vmin.f32 v20, v51  }
0x5b: {  	v45 =	vnsel vm10, $0x7F800000, v50;
	v21 =	vmax.f32 v21, v44;
	v20 =	vmin.f32 v20, v53  }
0x5c: {  	v50 =	vsel vm10, $0xFF800000, v50;
	v21 =	vmax.f32 v21, v39;
	v20 =	vmin.f32 v20, v43  }
0x5d: {  	v52 =	vnsel vm11, $0x7F800000, v56;
	v21 =	vmax.f32 v21, v41;
	v20 =	vmin.f32 v20, v45  }
0x5e: {  	v47 =	vsel vm11, $0xFF800000, v56;
	v21 =	vmax.f32 v21, v50;
	v20 =	vmin.f32 v20, v52  }
0x5f: {  	s23 =	sor.u32 $0x20, s6;
	v21 =	vmax.f32 v21, v47;
	[tilespmem:s9+$0x10000] =	vst v20  }
0x60: {  	[tilespmem:s9+$0x11000] =	vst v21;
	s9 =	sor.u32 s22, s23  }
0x61: {  	v20 =	vld [tilespmem:s9+$0x10000]  }
0x62: {  	s10 =	sor.u32 s5, s23;
	v21 =	vld [tilespmem:s9+$0x11000]  }
0x63: {  	v54 =	vld [tilespmem:s10+$0x0]  }
0x64: {  	v55 =	vld [tilespmem:s10+$0x8000]  }
0x65: {  	v57 =	vld [tilespmem:s10+$0x80]  }
0x66: {  	v5 =	vmin.f32 v5, v30;
	v4 =	vmax.f32 v4, v22;
	v58 =	vld [tilespmem:s10+$0x8080]  }
0x67: {  	v8 =	vmin.f32 v8, v32;
	v6 =	vmax.f32 v6, v24;
	v9 =	vmin.f32 v9, v33;
	v60 =	vld [tilespmem:s10+$0x8100]  }
0x68: {  	v7 =	vmax.f32 v7, v26;
	v10 =	vmax.f32 v10, v28;
	v12 =	vmax.f32 v12, v23;
	v62 =	vld [tilespmem:s10+$0x8180]  }
0x69: {  	v16 =	vmin.f32 v16, v27;
	v15 =	vmax.f32 v15, v25;
	v18 =	vmax.f32 v18, v34;
	s23 =	sadd.s32 $0x20, s28;
	v59 =	vld [tilespmem:s10+$0x100]  }
0x6a: {  	v14 =	vmin.f32 v14, v36;
	v13 =	vmax.f32 v13, v31;
	v5 =	vmin.f32 v5, v46;
	v61 =	vld [tilespmem:s10+$0x180];
	s10 =	sor.u32 $0x200, s23  }
0x6b: {  	v8 =	vmin.f32 v8, v48;
	v6 =	vmax.f32 v6, v40;
	v9 =	vmin.f32 v9, v49;
	v48 =	vld [tilespmem:s10+$0x8000]  }
0x6c: {  	v63 =	vld [tilespmem:s10+$0x0];
	s10 =	sor.u32 $0x280, s23;
	vm12 =	vge.f32 v55, $5.000000000e-01;
	vm13 =	vge.f32 v58, $5.000000000e-01;
	vm14 =	vge.f32 v60, $5.000000000e-01  }
0x6d: {  	v49 =	vld [tilespmem:s10+$0x0];
	vm15 =	vge.f32 v62, $5.000000000e-01;
	v40 =	vnsel vm12, $0x7F800000, v54;
	v46 =	vsel vm12, $0xFF800000, v54  }
0x6e: {  	v55 =	vld [tilespmem:s10+$0x8000];
	s10 =	sor.u32 $0x300, s23;
	v54 =	vnsel vm13, $0x7F800000, v57;
	v22 =	vsel vm13, $0xFF800000, v57;
	v56 =	vnsel vm14, $0x7F800000, v59  }
0x6f: {  	s23 =	sor.u32 $0x380, s23;
	v26 =	vsel vm14, $0xFF800000, v59;
	v58 =	vld [tilespmem:s10+$0x8000];
	v59 =	vnsel vm15, $0x7F800000, v61;
	v25 =	vsel vm15, $0xFF800000, v61  }
0x70: {  	v60 =	vld [tilespmem:s23+$0x8000];
	vm4 =	vge.f32 v48, $5.000000000e-01;
	v20 =	vmin.f32 v20, v40;
	v21 =	vmax.f32 v21, v46  }
0x71: {  	v57 =	vld [tilespmem:s10+$0x0];
	v62 =	vnsel vm4, $0x7F800000, v63;
	v20 =	vmin.f32 v20, v54;
	v21 =	vmax.f32 v21, v22  }
0x72: {  	v61 =	vld [tilespmem:s23+$0x0];
	v28 =	vsel vm4, $0xFF800000, v63;
	v20 =	vmin.f32 v20, v56;
	v21 =	vmax.f32 v21, v26  }
0x73: {  	v20 =	vmin.f32 v20, v59;
	v21 =	vmax.f32 v21, v25;
	vm5 =	vge.f32 v55, $5.000000000e-01  }
0x74: {  	v20 =	vmin.f32 v20, v62;
	v21 =	vmax.f32 v21, v28;
	v23 =	vnsel vm5, $0x7F800000, v49  }
0x75: {  	v24 =	vsel vm5, $0xFF800000, v49;
	vm6 =	vge.f32 v58, $5.000000000e-01;
	vm7 =	vge.f32 v60, $5.000000000e-01  }
0x76: {  	v20 =	vmin.f32 v20, v23;
	v27 =	vnsel vm6, $0x7F800000, v57;
	v34 =	vsel vm6, $0xFF800000, v57  }
0x77: {  	v21 =	vmax.f32 v21, v24;
	v36 =	vnsel vm7, $0x7F800000, v61;
	v20 =	vmin.f32 v20, v27  }
0x78: {  	v31 =	vsel vm7, $0xFF800000, v61;
	v21 =	vmax.f32 v21, v34;
	v20 =	vmin.f32 v20, v36  }
0x79: {  	s23 =	sor.u32 $0x30, s6;
	[tilespmem:s9+$0x10000] =	vst v20;
	v20 =	vmax.f32 v21, v31  }
0x7a: {  	s5 =	sor.u32 s5, s23;
	[tilespmem:s9+$0x11000] =	vst v20  }
0x7b: {  	v63 =	vld [tilespmem:s5+$0x8000]  }
0x7c: {  	v4 =	vmax.f32 v4, v38;
	v38 =	vld [tilespmem:s5+$0x0]  }
0x7d: {  	v12 =	vmax.f32 v12, v39;
	v39 =	vld [tilespmem:s5+$0x8080]  }
0x7e: {  	v5 =	vmin.f32 v5, v40;
	v40 =	vld [tilespmem:s5+$0x80]  }
0x7f: {  	v11 =	vmin.f32 v11, v35;
	v17 =	vmin.f32 v17, v37;
	v7 =	vmax.f32 v7, v42;
	v42 =	vld [tilespmem:s5+$0x8100]  }
0x80: {  	v19 =	vmin.f32 v19, v29;
	v11 =	vmin.f32 v11, v51;
	v10 =	vmax.f32 v10, v44;
	s28 =	sadd.s32 $0x30, s28;
	v44 =	vld [tilespmem:s5+$0x100]  }
0x81: {  	v17 =	vmin.f32 v17, v53;
	v16 =	vmin.f32 v16, v43;
	s10 =	sor.u32 $0x200, s28;
	v4 =	vmax.f32 v4, v46;
	v46 =	vld [tilespmem:s5+$0x8180]  }
0x82: {  	v15 =	vmax.f32 v15, v41;
	v19 =	vmin.f32 v19, v45;
	v18 =	vmax.f32 v18, v50;
	s6 =	sor.u32 s22, s23;
	s22 =	sor.u32 $0x280, s28;
	v50 =	vld [tilespmem:s10+$0x8000]  }
0x83: {  	v14 =	vmin.f32 v14, v52;
	v13 =	vmax.f32 v13, v47;
	v8 =	vmin.f32 v8, v54;
	s23 =	sor.u32 $0x300, s28;
	v53 =	vld [tilespmem:s22+$0x8000]  }
0x84: {  	v6 =	vmax.f32 v6, v22;
	v9 =	vmin.f32 v9, v56;
	v7 =	vmax.f32 v7, v26;
	s28 =	sor.u32 $0x380, s28;
	v57 =	vld [tilespmem:s23+$0x8000]  }
0x85: {  	v11 =	vmin.f32 v11, v59;
	v10 =	vmax.f32 v10, v25;
	v17 =	vmin.f32 v17, v62;
	v58 =	vld [tilespmem:s28+$0x8000]  }
0x86: {  	v12 =	vmax.f32 v12, v28;
	v16 =	vmin.f32 v16, v23;
	v15 =	vmax.f32 v15, v24;
	v48 =	vld [tilespmem:s5+$0x180]  }
0x87: {  	v19 =	vmin.f32 v19, v27;
	v18 =	vmax.f32 v18, v34;
	v14 =	vmin.f32 v14, v36;
	v49 =	vld [tilespmem:s10+$0x0]  }
0x88: {  	v13 =	vmax.f32 v13, v31;
	v54 =	vld [tilespmem:s22+$0x0];
	vm8 =	vge.f32 v63, $5.000000000e-01;
	vm9 =	vge.f32 v39, $5.000000000e-01  }
0x89: {  	v56 =	vld [tilespmem:s23+$0x0];
	vm10 =	vge.f32 v42, $5.000000000e-01;
	vm11 =	vge.f32 v46, $5.000000000e-01;
	vm12 =	vge.f32 v50, $5.000000000e-01  }
0x8a: {  	v60 =	vld [tilespmem:s28+$0x0];
	vm13 =	vge.f32 v53, $5.000000000e-01;
	vm14 =	vge.f32 v57, $5.000000000e-01;
	vm15 =	vge.f32 v58, $5.000000000e-01  }
0x8b: {  	v20 =	vld [tilespmem:s6+$0x10000];
	v43 =	vnsel vm8, $0x7F800000, v38;
	v45 =	vsel vm8, $0xFF800000, v38;
	v47 =	vnsel vm9, $0x7F800000, v40  }
0x8c: {  	v41 =	vld [tilespmem:s6+$0x11000];
	v25 =	vsel vm9, $0xFF800000, v40;
	v51 =	vnsel vm10, $0x7F800000, v44;
	v52 =	vsel vm10, $0xFF800000, v44  }
0x8d: {  	v55 =	vnsel vm11, $0x7F800000, v48;
	v28 =	vsel vm11, $0xFF800000, v48;
	v59 =	vnsel vm12, $0x7F800000, v49  }
0x8e: {  	v27 =	vsel vm12, $0xFF800000, v49;
	v61 =	vnsel vm13, $0x7F800000, v54;
	v22 =	vsel vm13, $0xFF800000, v54  }
0x8f: {  	v24 =	vnsel vm14, $0x7F800000, v56;
	v63 =	vnsel vm15, $0x7F800000, v60;
	v26 =	vsel vm15, $0xFF800000, v60  }
0x90: {  	v5 =	vmin.f32 v5, v43;
	v4 =	vmax.f32 v4, v45;
	v20 =	vmin.f32 v20, v43  }
0x91: {  	v23 =	vmax.f32 v41, v45;
	v8 =	vmin.f32 v8, v47;
	v6 =	vmax.f32 v6, v25  }
0x92: {  	v9 =	vmin.f32 v9, v51;
	v7 =	vmax.f32 v7, v52;
	v20 =	vmin.f32 v20, v47  }
0x93: {  	v11 =	vmin.f32 v11, v55;
	v23 =	vmax.f32 v23, v25;
	v20 =	vmin.f32 v20, v51  }
0x94: {  	v10 =	vmax.f32 v10, v28;
	v23 =	vmax.f32 v23, v52;
	v20 =	vmin.f32 v20, v55  }
0x95: {  	p1 =	sne.s32 s26, $0x3E00;
	v17 =	vmin.f32 v17, v59;
	v23 =	vmax.f32 v23, v28;
	v20 =	vmin.f32 v20, v59  }
.Ltmp1:
0x96: {  	v12 =	vmax.f32 v12, v27;
	v23 =	vmax.f32 v23, v27;
	v20 =	vmin.f32 v20, v61;
	(pc) =	sbr.rel @p1 .LBB2_5-.Ltmp1, $4  }
0x97: {  	v25 =	vsel vm14, $0xFF800000, v56;
	v62 =	vmax.f32 v23, v22;
	v20 =	vmin.f32 v20, v24  }
0x98: {  	v16 =	vmin.f32 v16, v61;
	v21 =	vmax.f32 v62, v25;
	v20 =	vmin.f32 v20, v63  }
0x99: {  	p0 =	por !p0, !p0;
	s26 =	sadd.s32 $0x200, s26;
	v15 =	vmax.f32 v15, v22;
	v19 =	vmin.f32 v19, v24;
	[tilespmem:s6+$0x10000] =	vst v20;
	v20 =	vmax.f32 v21, v26  }
0x9a: {  	s24 =	sadd.s32 $0x40, s24;
	s2 =	sadd.s32 $0x40, s2;
	s0 =	sadd.s32 $0x40, s0;
	v14 =	vmin.f32 v14, v63;
	v13 =	vmax.f32 v13, v26;
	v18 =	vmax.f32 v18, v25;
	[tilespmem:s6+$0x11000] =	vst v20  }
0x9b: {  	s0 =	sshll.u32 s31, $0x1  }
0x9c: {  	s0 =	sadd.s32 $0x2, s0  }
0x9d: {  	p0 =	seq.s32 s0, $0xC;
	s0 =	sshll.u32 s0, $0xE  }
0x9e: {  	s0 =	simm.s32 @p0 $0x0  }
0x9f: {  	s0 =	sadd.s32 s8, s0  }
0xa0: {  	s2 =	sshrl.u32 s0, $0x3  }
0xa1: {  	s0 =	simm.s32 $0x0;
	s5 =	sadd.s32 s1, s2  }
0xa2: {  	[tilespmem:s0], [sflag:$0x1] =	stream.linear.gather [hbm4b:s5+s0], $0x4000, $0x38;
	[tilespmem:$0x12880] =	vst v63  }
0xa3: {  	s2 =	sadd.s32 s3, s2  }
0xa4: {  	[tilespmem:s13], [sflag:$0x3] =	stream.linear.gather [hbm4b:s2+s0], $0x4000, $0x38;
	[tilespmem:$0x12880] =	vst v63  }
0xa5: {  	_ =	swait.ge [sflag:s18], $0x4000  }
0xa6: {  	[sflag:s18] =	ssyncset.done $0x0  }
0xa7: {  	[sflag:s18] =	ssyncadd.s32 $0xFFFFC000  }
0xa8: {  	_ =	swait.ge [sflag:s19], $0x4000  }
0xa9: {  	s24 =	simm.s32 $0x11830;
	s26 =	simm.s32 $0x0;
	[sflag:s19] =	ssyncset.done $0x0  }
0xaa: {  	p0 =	por $0x0, $0x0;
	s2 =	simm.s32 $0x10830;
	[sflag:s19] =	ssyncadd.s32 $0xFFFFC000  }
.LBB2_7:
0xab: {  	v20 =	vld [tilespmem:s2+$0xFFFFFFD0];
	s5 =	sand.u32 $0x40, s0;
	s6 =	sand.u32 $0x3C00, s26  }
0xac: {  	v21 =	vld [tilespmem:s24+$0xFFFFFFD0];
	s28 =	sor.u32 s5, s6  }
0xad: {  	v22 =	vld [tilespmem:s28+$0x4000]  }
0xae: {  	v23 =	vld [tilespmem:s28+$0xC000]  }
0xaf: {  	v24 =	vld [tilespmem:s28+$0x4080]  }
0xb0: {  	s5 =	simm.s32 $0x1;
	v25 =	vld [tilespmem:s28+$0xC080]  }
0xb1: {  	s5 =	simm.s32 @!p0 $0x0;
	v26 =	vld [tilespmem:s28+$0x4100]  }
0xb2: {  	v27 =	vld [tilespmem:s28+$0xC100];
	s5 =	sshll.u32 s5, $0x6  }
0xb3: {  	v29 =	vld [tilespmem:s28+$0xC180];
	s5 =	sadd.s32 s5, s26  }
0xb4: {  	v28 =	vld [tilespmem:s28+$0x4180];
	s22 =	sor.u32 $0x200, s5  }
0xb5: {  	v55 =	vld [tilespmem:s22+$0x4000]  }
0xb6: {  	s23 =	sor.u32 $0x280, s5;
	v31 =	vld [tilespmem:s22+$0xC000]  }
0xb7: {  	s9 =	sor.u32 $0x300, s5;
	v57 =	vld [tilespmem:s23+$0xC000];
	vm0 =	vge.f32 v23, $5.000000000e-01;
	vm9 =	vge.f32 v25, $5.000000000e-01;
	vm10 =	vge.f32 v27, $5.000000000e-01  }
0xb8: {  	s10 =	sor.u32 $0x380, s5;
	v58 =	vld [tilespmem:s9+$0xC000];
	vm11 =	vge.f32 v29, $5.000000000e-01;
	v30 =	vnsel vm0, $0x7F800000, v22;
	v22 =	vsel vm0, $0xFF800000, v22  }
0xb9: {  	v36 =	vld [tilespmem:s10+$0xC000];
	v32 =	vnsel vm9, $0x7F800000, v24;
	v24 =	vsel vm9, $0xFF800000, v24;
	v33 =	vnsel vm10, $0x7F800000, v26  }
0xba: {  	v56 =	vld [tilespmem:s23+$0x4000];
	v26 =	vsel vm10, $0xFF800000, v26;
	v20 =	vmin.f32 v20, v30;
	v21 =	vmax.f32 v21, v22  }
0xbb: {  	v34 =	vld [tilespmem:s9+$0x4000];
	v35 =	vnsel vm11, $0x7F800000, v28;
	v20 =	vmin.f32 v20, v32;
	v21 =	vmax.f32 v21, v24  }
0xbc: {  	v28 =	vsel vm11, $0xFF800000, v28;
	v20 =	vmin.f32 v20, v33;
	v21 =	vmax.f32 v21, v26  }
0xbd: {  	v59 =	vld [tilespmem:s10+$0x4000];
	vm12 =	vge.f32 v31, $5.000000000e-01;
	vm13 =	vge.f32 v57, $5.000000000e-01;
	vm14 =	vge.f32 v58, $5.000000000e-01  }
0xbe: {  	vm15 =	vge.f32 v36, $5.000000000e-01;
	v20 =	vmin.f32 v20, v35;
	v21 =	vmax.f32 v21, v28  }
0xbf: {  	v37 =	vnsel vm12, $0x7F800000, v55;
	v23 =	vsel vm12, $0xFF800000, v55;
	v27 =	vnsel vm13, $0x7F800000, v56  }
0xc0: {  	v25 =	vsel vm13, $0xFF800000, v56;
	v29 =	vnsel vm14, $0x7F800000, v34;
	v20 =	vmin.f32 v20, v37  }
0xc1: {  	v34 =	vsel vm14, $0xFF800000, v34;
	v21 =	vmax.f32 v21, v23;
	v20 =	vmin.f32 v20, v27  }
0xc2: {  	v36 =	vnsel vm15, $0x7F800000, v59;
	v21 =	vmax.f32 v21, v25;
	v20 =	vmin.f32 v20, v29  }
0xc3: {  	v31 =	vsel vm15, $0xFF800000, v59;
	v21 =	vmax.f32 v21, v34;
	v20 =	vmin.f32 v20, v36  }
0xc4: {  	v21 =	vmax.f32 v21, v31;
	[tilespmem:s2+$0xFFFFFFD0] =	vst v20  }
0xc5: {  	[tilespmem:s24+$0xFFFFFFD0] =	vst v21  }
0xc6: {  	v20 =	vld [tilespmem:s2+$0xFFFFFFE0]  }
0xc7: {  	v38 =	vld [tilespmem:s28+$0x4010]  }
0xc8: {  	v39 =	vld [tilespmem:s28+$0xC010]  }
0xc9: {  	v40 =	vld [tilespmem:s28+$0x4090]  }
0xca: {  	v41 =	vld [tilespmem:s28+$0xC090]  }
0xcb: {  	s22 =	sadd.s32 $0x10, s5;
	v43 =	vld [tilespmem:s28+$0xC110]  }
0xcc: {  	s9 =	sor.u32 $0x200, s22;
	v45 =	vld [tilespmem:s28+$0xC190]  }
0xcd: {  	s23 =	sor.u32 $0x280, s22;
	v47 =	vld [tilespmem:s9+$0xC000]  }
0xce: {  	s10 =	sor.u32 $0x300, s22;
	v63 =	vld [tilespmem:s23+$0xC000]  }
0xcf: {  	s6 =	sor.u32 $0x380, s22;
	v56 =	vld [tilespmem:s10+$0xC000]  }
0xd0: {  	v52 =	vld [tilespmem:s6+$0xC000]  }
0xd1: {  	v42 =	vld [tilespmem:s28+$0x4110]  }
0xd2: {  	v44 =	vld [tilespmem:s28+$0x4190]  }
0xd3: {  	v61 =	vld [tilespmem:s9+$0x4000];
	vm4 =	vge.f32 v39, $5.000000000e-01;
	vm5 =	vge.f32 v41, $5.000000000e-01;
	vm6 =	vge.f32 v43, $5.000000000e-01  }
0xd4: {  	v60 =	vld [tilespmem:s24+$0xFFFFFFE0];
	vm7 =	vge.f32 v45, $5.000000000e-01;
	vm8 =	vge.f32 v47, $5.000000000e-01;
	vm9 =	vge.f32 v63, $5.000000000e-01  }
0xd5: {  	v62 =	vld [tilespmem:s23+$0x4000];
	vm10 =	vge.f32 v56, $5.000000000e-01;
	vm11 =	vge.f32 v52, $5.000000000e-01;
	v46 =	vnsel vm4, $0x7F800000, v38  }
0xd6: {  	v38 =	vsel vm4, $0xFF800000, v38;
	v48 =	vnsel vm5, $0x7F800000, v40;
	v40 =	vsel vm5, $0xFF800000, v40  }
0xd7: {  	v50 =	vld [tilespmem:s10+$0x4000];
	v49 =	vnsel vm6, $0x7F800000, v42;
	v42 =	vsel vm6, $0xFF800000, v42;
	v51 =	vnsel vm7, $0x7F800000, v44  }
0xd8: {  	v44 =	vsel vm7, $0xFF800000, v44;
	v53 =	vnsel vm8, $0x7F800000, v61;
	v20 =	vmin.f32 v20, v46  }
0xd9: {  	v57 =	vld [tilespmem:s6+$0x4000];
	v39 =	vsel vm8, $0xFF800000, v61;
	v21 =	vmax.f32 v60, v38;
	v20 =	vmin.f32 v20, v48  }
0xda: {  	v43 =	vnsel vm9, $0x7F800000, v62;
	v21 =	vmax.f32 v21, v40;
	v20 =	vmin.f32 v20, v49  }
0xdb: {  	v41 =	vsel vm9, $0xFF800000, v62;
	v21 =	vmax.f32 v21, v42;
	v20 =	vmin.f32 v20, v51  }
0xdc: {  	v45 =	vnsel vm10, $0x7F800000, v50;
	v21 =	vmax.f32 v21, v44;
	v20 =	vmin.f32 v20, v53  }
0xdd: {  	v50 =	vsel vm10, $0xFF800000, v50;
	v21 =	vmax.f32 v21, v39;
	v20 =	vmin.f32 v20, v43  }
0xde: {  	v52 =	vnsel vm11, $0x7F800000, v57;
	v21 =	vmax.f32 v21, v41;
	v20 =	vmin.f32 v20, v45  }
0xdf: {  	v47 =	vsel vm11, $0xFF800000, v57;
	v21 =	vmax.f32 v21, v50;
	v20 =	vmin.f32 v20, v52  }
0xe0: {  	v21 =	vmax.f32 v21, v47;
	[tilespmem:s2+$0xFFFFFFE0] =	vst v20  }
0xe1: {  	[tilespmem:s24+$0xFFFFFFE0] =	vst v21;
	v21 =	vld [tilespmem:s24+$0xFFFFFFF0]  }
0xe2: {  	v54 =	vld [tilespmem:s28+$0x4020]  }
0xe3: {  	v55 =	vld [tilespmem:s28+$0xC020]  }
0xe4: {  	v56 =	vld [tilespmem:s28+$0x40A0]  }
0xe5: {  	v58 =	vld [tilespmem:s28+$0xC0A0]  }
0xe6: {  	s6 =	sadd.s32 $0x20, s5;
	v60 =	vld [tilespmem:s28+$0xC120]  }
0xe7: {  	s22 =	sor.u32 $0x200, s6;
	v62 =	vld [tilespmem:s28+$0xC1A0]  }
0xe8: {  	v5 =	vmin.f32 v5, v30;
	v4 =	vmax.f32 v4, v22;
	v6 =	vmax.f32 v6, v24;
	v63 =	vld [tilespmem:s22+$0xC000]  }
0xe9: {  	v7 =	vmax.f32 v7, v26;
	v10 =	vmax.f32 v10, v28;
	v12 =	vmax.f32 v12, v23;
	v59 =	vld [tilespmem:s28+$0x4120]  }
0xea: {  	v16 =	vmin.f32 v16, v27;
	v15 =	vmax.f32 v15, v25;
	v19 =	vmin.f32 v19, v29;
	v61 =	vld [tilespmem:s28+$0x41A0]  }
0xeb: {  	v18 =	vmax.f32 v18, v34;
	v14 =	vmin.f32 v14, v36;
	v5 =	vmin.f32 v5, v46;
	v20 =	vld [tilespmem:s2+$0xFFFFFFF0]  }
0xec: {  	s23 =	sor.u32 $0x280, s6;
	v27 =	vld [tilespmem:s22+$0x4000];
	vm12 =	vge.f32 v55, $5.000000000e-01;
	vm13 =	vge.f32 v58, $5.000000000e-01;
	vm14 =	vge.f32 v60, $5.000000000e-01  }
0xed: {  	v46 =	vld [tilespmem:s23+$0x4000];
	vm15 =	vge.f32 v62, $5.000000000e-01;
	vm4 =	vge.f32 v63, $5.000000000e-01;
	v28 =	vnsel vm12, $0x7F800000, v54  }
0xee: {  	s10 =	sor.u32 $0x300, s6;
	v29 =	vsel vm12, $0xFF800000, v54;
	v54 =	vnsel vm13, $0x7F800000, v56;
	v55 =	vsel vm13, $0xFF800000, v56;
	v56 =	vld [tilespmem:s23+$0xC000]  }
0xef: {  	s6 =	sor.u32 $0x380, s6;
	v57 =	vnsel vm14, $0x7F800000, v59;
	v24 =	vsel vm14, $0xFF800000, v59;
	v59 =	vld [tilespmem:s10+$0xC000];
	v60 =	vnsel vm15, $0x7F800000, v61  }
0xf0: {  	v23 =	vsel vm15, $0xFF800000, v61;
	v61 =	vld [tilespmem:s6+$0xC000];
	v20 =	vmin.f32 v20, v28;
	v21 =	vmax.f32 v21, v29  }
0xf1: {  	v58 =	vld [tilespmem:s10+$0x4000];
	v63 =	vnsel vm4, $0x7F800000, v27;
	v20 =	vmin.f32 v20, v54;
	v21 =	vmax.f32 v21, v55  }
0xf2: {  	v62 =	vld [tilespmem:s6+$0x4000];
	v27 =	vsel vm4, $0xFF800000, v27;
	v20 =	vmin.f32 v20, v57;
	v21 =	vmax.f32 v21, v24  }
0xf3: {  	v20 =	vmin.f32 v20, v60;
	v21 =	vmax.f32 v21, v23;
	vm5 =	vge.f32 v56, $5.000000000e-01  }
0xf4: {  	v20 =	vmin.f32 v20, v63;
	v21 =	vmax.f32 v21, v27;
	vm6 =	vge.f32 v59, $5.000000000e-01  }
0xf5: {  	vm7 =	vge.f32 v61, $5.000000000e-01;
	v26 =	vnsel vm5, $0x7F800000, v46;
	v22 =	vsel vm5, $0xFF800000, v46  }
0xf6: {  	v25 =	vnsel vm6, $0x7F800000, v58;
	v34 =	vsel vm6, $0xFF800000, v58;
	v20 =	vmin.f32 v20, v26  }
0xf7: {  	v36 =	vnsel vm7, $0x7F800000, v62;
	v21 =	vmax.f32 v21, v22;
	v20 =	vmin.f32 v20, v25  }
0xf8: {  	v30 =	vsel vm7, $0xFF800000, v62;
	v21 =	vmax.f32 v21, v34;
	v20 =	vmin.f32 v20, v36  }
0xf9: {  	[tilespmem:s2+$0xFFFFFFF0] =	vst v20;
	v20 =	vmax.f32 v21, v30  }
0xfa: {  	v16 =	vmin.f32 v16, v43;
	[tilespmem:s24+$0xFFFFFFF0] =	vst v20;
	v43 =	vld [tilespmem:s24+$0x0]  }
0xfb: {  	v10 =	vmax.f32 v10, v44;
	v44 =	vld [tilespmem:s28+$0xC030]  }
0xfc: {  	v8 =	vmin.f32 v8, v32;
	v9 =	vmin.f32 v9, v33;
	v19 =	vmin.f32 v19, v45;
	v45 =	vld [tilespmem:s28+$0x4030]  }
0xfd: {  	v11 =	vmin.f32 v11, v35;
	v17 =	vmin.f32 v17, v37;
	v13 =	vmax.f32 v13, v31;
	v46 =	vld [tilespmem:s28+$0xC0B0]  }
0xfe: {  	v4 =	vmax.f32 v4, v38;
	v8 =	vmin.f32 v8, v48;
	v13 =	vmax.f32 v13, v47;
	v47 =	vld [tilespmem:s28+$0x40B0]  }
0xff: {  	v6 =	vmax.f32 v6, v40;
	v9 =	vmin.f32 v9, v49;
	v7 =	vmax.f32 v7, v42;
	v48 =	vld [tilespmem:s28+$0x4130]  }
0x100: {  	v11 =	vmin.f32 v11, v51;
	v17 =	vmin.f32 v17, v53;
	v12 =	vmax.f32 v12, v39;
	v49 =	vld [tilespmem:s28+$0xC130]  }
0x101: {  	s5 =	sadd.s32 $0x30, s5;
	v15 =	vmax.f32 v15, v41;
	v18 =	vmax.f32 v18, v50;
	v14 =	vmin.f32 v14, v52;
	v51 =	vld [tilespmem:s28+$0x41B0]  }
0x102: {  	s22 =	sor.u32 $0x200, s5;
	v5 =	vmin.f32 v5, v28;
	v4 =	vmax.f32 v4, v29;
	v8 =	vmin.f32 v8, v54;
	v52 =	vld [tilespmem:s28+$0xC1B0]  }
0x103: {  	s23 =	sor.u32 $0x280, s5;
	v6 =	vmax.f32 v6, v55;
	v9 =	vmin.f32 v9, v57;
	v7 =	vmax.f32 v7, v24;
	v55 =	vld [tilespmem:s22+$0xC000]  }
0x104: {  	v11 =	vmin.f32 v11, v60;
	v10 =	vmax.f32 v10, v23;
	v17 =	vmin.f32 v17, v63;
	v58 =	vld [tilespmem:s23+$0xC000]  }
0x105: {  	v12 =	vmax.f32 v12, v27;
	v16 =	vmin.f32 v16, v26;
	v15 =	vmax.f32 v15, v22;
	v54 =	vld [tilespmem:s22+$0x4000]  }
0x106: {  	v19 =	vmin.f32 v19, v25;
	v18 =	vmax.f32 v18, v34;
	v14 =	vmin.f32 v14, v36;
	v56 =	vld [tilespmem:s23+$0x4000];
	s28 =	sor.u32 $0x300, s5  }
0x107: {  	v13 =	vmax.f32 v13, v30;
	s5 =	sor.u32 $0x380, s5;
	v61 =	vld [tilespmem:s28+$0xC000];
	vm8 =	vge.f32 v44, $5.000000000e-01;
	vm9 =	vge.f32 v46, $5.000000000e-01  }
0x108: {  	v62 =	vld [tilespmem:s5+$0xC000];
	vm10 =	vge.f32 v49, $5.000000000e-01;
	vm11 =	vge.f32 v52, $5.000000000e-01;
	vm12 =	vge.f32 v55, $5.000000000e-01  }
0x109: {  	v20 =	vld [tilespmem:s2+$0x0];
	vm13 =	vge.f32 v58, $5.000000000e-01;
	v50 =	vnsel vm8, $0x7F800000, v45;
	v28 =	vsel vm8, $0xFF800000, v45  }
0x10a: {  	v53 =	vnsel vm9, $0x7F800000, v47;
	v23 =	vsel vm9, $0xFF800000, v47;
	v57 =	vnsel vm10, $0x7F800000, v48  }
0x10b: {  	v22 =	vsel vm10, $0xFF800000, v48;
	v60 =	vnsel vm11, $0x7F800000, v51;
	v27 =	vsel vm11, $0xFF800000, v51  }
0x10c: {  	v59 =	vld [tilespmem:s28+$0x4000];
	v29 =	vsel vm12, $0xFF800000, v54;
	v26 =	vnsel vm13, $0x7F800000, v56;
	v25 =	vsel vm13, $0xFF800000, v56  }
0x10d: {  	vm14 =	vge.f32 v61, $5.000000000e-01;
	vm15 =	vge.f32 v62, $5.000000000e-01;
	v5 =	vmin.f32 v5, v50  }
0x10e: {  	v4 =	vmax.f32 v4, v28;
	v20 =	vmin.f32 v20, v50;
	v21 =	vmax.f32 v43, v28  }
0x10f: {  	v8 =	vmin.f32 v8, v53;
	v6 =	vmax.f32 v6, v23;
	v9 =	vmin.f32 v9, v57  }
0x110: {  	v7 =	vmax.f32 v7, v22;
	v11 =	vmin.f32 v11, v60;
	v10 =	vmax.f32 v10, v27  }
0x111: {  	v63 =	vld [tilespmem:s5+$0x4000];
	v28 =	vnsel vm12, $0x7F800000, v54;
	v24 =	vsel vm14, $0xFF800000, v59;
	v20 =	vmin.f32 v20, v53  }
0x112: {  	v12 =	vmax.f32 v12, v29;
	v21 =	vmax.f32 v21, v23;
	v20 =	vmin.f32 v20, v57  }
0x113: {  	v16 =	vmin.f32 v16, v26;
	v21 =	vmax.f32 v21, v22;
	v20 =	vmin.f32 v20, v60  }
0x114: {  	p1 =	sne.s32 s26, $0x3E00;
	v15 =	vmax.f32 v15, v25;
	v21 =	vmax.f32 v21, v27;
	v20 =	vmin.f32 v20, v28  }
.Ltmp2:
0x115: {  	v23 =	vnsel vm14, $0x7F800000, v59;
	v21 =	vmax.f32 v21, v29;
	v20 =	vmin.f32 v20, v26;
	(pc) =	sbr.rel @p1 .LBB2_7-.Ltmp2, $4  }
0x116: {  	v22 =	vnsel vm15, $0x7F800000, v63;
	v21 =	vmax.f32 v21, v25;
	v20 =	vmin.f32 v20, v23  }
0x117: {  	v27 =	vsel vm15, $0xFF800000, v63;
	v21 =	vmax.f32 v21, v24;
	v20 =	vmin.f32 v20, v22  }
0x118: {  	s0 =	sadd.s32 $0x40, s0;
	p0 =	por !p0, !p0;
	v17 =	vmin.f32 v17, v28;
	v18 =	vmax.f32 v18, v24;
	[tilespmem:s2+$0x0] =	vst v20;
	v20 =	vmax.f32 v21, v27  }
0x119: {  	s26 =	sadd.s32 $0x200, s26;
	v19 =	vmin.f32 v19, v23;
	v14 =	vmin.f32 v14, v22;
	v13 =	vmax.f32 v13, v27;
	s2 =	sadd.s32 $0x40, s2;
	[tilespmem:s24+$0x0] =	vst v20;
	s24 =	sadd.s32 $0x40, s24  }
0x11a: {  	[tilespmem:$0x12000] =	vst v5  }
0x11b: {  	[tilespmem:$0x12400] =	vst v4  }
0x11c: {  	[tilespmem:$0x12080] =	vst v8  }
0x11d: {  	[tilespmem:$0x12480] =	vst v6  }
0x11e: {  	[tilespmem:$0x12100] =	vst v9  }
0x11f: {  	[tilespmem:$0x12500] =	vst v7  }
0x120: {  	[tilespmem:$0x12180] =	vst v11  }
0x121: {  	[tilespmem:$0x12580] =	vst v10  }
0x122: {  	[tilespmem:$0x12200] =	vst v17  }
0x123: {  	[tilespmem:$0x12600] =	vst v12  }
0x124: {  	[tilespmem:$0x12280] =	vst v16  }
0x125: {  	[tilespmem:$0x12680] =	vst v15  }
0x126: {  	[tilespmem:$0x12300] =	vst v19  }
0x127: {  	v4 =	vor.u32 $0x1, v2;
	[tilespmem:$0x12700] =	vst v18  }
0x128: {  	v5 =	vor.u32 $0x2, v2;
	[tilespmem:$0x12380] =	vst v14  }
0x129: {  	v47 =	vor.u32 $0x3, v2;
	[tilespmem:$0x12780] =	vst v13  }
0x12a: {  	v48 =	vor.u32 $0x4, v2;
	v8 =	vld.idx.msk [tilespmem:v2+s20+$0x0], $0xffff  }
0x12b: {  	v49 =	vor.u32 $0x5, v2;
	v31 =	vld.idx.msk [tilespmem:v2+s21+$0x0], $0xffff  }
0x12c: {  	v50 =	vor.u32 $0x6, v2;
	v10 =	vld.idx.msk [tilespmem:v4+s20+$0x0], $0xffff  }
0x12d: {  	v51 =	vor.u32 $0x7, v2;
	v12 =	vld.idx.msk [tilespmem:v5+s20+$0x0], $0xffff  }
0x12e: {  	v52 =	vor.u32 $0x8, v2;
	v14 =	vld.idx.msk [tilespmem:v47+s20+$0x0], $0xffff  }
0x12f: {  	v53 =	vor.u32 $0x9, v2;
	v16 =	vld.idx.msk [tilespmem:v48+s20+$0x0], $0xffff  }
0x130: {  	v54 =	vor.u32 $0xA, v2;
	v18 =	vld.idx.msk [tilespmem:v49+s20+$0x0], $0xffff  }
0x131: {  	v21 =	vor.u32 $0xB, v2;
	v20 =	vld.idx.msk [tilespmem:v50+s20+$0x0], $0xffff  }
0x132: {  	v23 =	vor.u32 $0xC, v2;
	v22 =	vld.idx.msk [tilespmem:v51+s20+$0x0], $0xffff  }
0x133: {  	v25 =	vor.u32 $0xD, v2;
	v24 =	vld.idx.msk [tilespmem:v52+s20+$0x0], $0xffff  }
0x134: {  	v26 =	vld.idx.msk [tilespmem:v53+s20+$0x0], $0xffff  }
0x135: {  	v27 =	vld.idx.msk [tilespmem:v54+s20+$0x0], $0xffff  }
0x136: {  	v28 =	vld.idx.msk [tilespmem:v21+s20+$0x0], $0xffff  }
0x137: {  	v29 =	vld.idx.msk [tilespmem:v23+s20+$0x0], $0xffff  }
0x138: {  	v30 =	vld.idx.msk [tilespmem:v25+s20+$0x0], $0xffff  }
0x139: {  	v4 =	vld.idx.msk [tilespmem:v4+s21+$0x0], $0xffff  }
0x13a: {  	v5 =	vld.idx.msk [tilespmem:v5+s21+$0x0], $0xffff  }
0x13b: {  	v6 =	vld.idx.msk [tilespmem:v47+s21+$0x0], $0xffff  }
0x13c: {  	v7 =	vld.idx.msk [tilespmem:v48+s21+$0x0], $0xffff  }
0x13d: {  	v9 =	vld.idx.msk [tilespmem:v49+s21+$0x0], $0xffff  }
0x13e: {  	v11 =	vld.idx.msk [tilespmem:v50+s21+$0x0], $0xffff;
	v4 =	vmax.f32 v31, v4  }
0x13f: {  	v4 =	vmax.f32 v4, v5;
	v5 =	vld.idx.msk [tilespmem:v51+s21+$0x0], $0xffff  }
0x140: {  	v55 =	vld.idx.msk [tilespmem:v52+s21+$0x0], $0xffff;
	v8 =	vmin.f32 v8, v10;
	v4 =	vmax.f32 v4, v6  }
0x141: {  	v56 =	vor.u32 $0xE, v2;
	v57 =	vld.idx.msk [tilespmem:v53+s21+$0x0], $0xffff;
	v8 =	vmin.f32 v8, v12;
	v4 =	vmax.f32 v4, v7  }
0x142: {  	v58 =	vor.u32 $0xF, v2;
	v59 =	vld.idx.msk [tilespmem:v54+s21+$0x0], $0xffff;
	v8 =	vmin.f32 v8, v14;
	v4 =	vmax.f32 v4, v9  }
0x143: {  	v60 =	vld.idx.msk [tilespmem:v21+s21+$0x0], $0xffff;
	v8 =	vmin.f32 v8, v16;
	v4 =	vmax.f32 v4, v11  }
0x144: {  	v8 =	vmin.f32 v8, v18;
	v4 =	vmax.f32 v4, v5;
	v5 =	vld.idx.msk [tilespmem:v23+s21+$0x0], $0xffff  }
0x145: {  	v61 =	vld.idx.msk [tilespmem:v25+s21+$0x0], $0xffff;
	v8 =	vmin.f32 v8, v20;
	v4 =	vmax.f32 v4, v55  }
0x146: {  	v62 =	vld.idx.msk [tilespmem:v56+s21+$0x0], $0xffff;
	v8 =	vmin.f32 v8, v22;
	v4 =	vmax.f32 v4, v57  }
0x147: {  	v63 =	vld.idx.msk [tilespmem:v58+s21+$0x0], $0xffff;
	v8 =	vmin.f32 v8, v24;
	v4 =	vmax.f32 v4, v59  }
0x148: {  	v7 =	vld.idx.msk [tilespmem:v56+s20+$0x0], $0xffff;
	v8 =	vmin.f32 v8, v26;
	v4 =	vmax.f32 v4, v60  }
0x149: {  	v9 =	vld.idx.msk [tilespmem:v58+s20+$0x0], $0xffff;
	v8 =	vmin.f32 v8, v27;
	v4 =	vmax.f32 v4, v5  }
0x14a: {  	v5 =	vmin.f32 v8, v28;
	v4 =	vmax.f32 v4, v61  }
0x14b: {  	v5 =	vmin.f32 v5, v29;
	v4 =	vmax.f32 v4, v62  }
0x14c: {  	v5 =	vmin.f32 v5, v30;
	v4 =	vmax.f32 v4, v63  }
0x14d: {  	s31 =	sadd.s32 $0x1, s31;
	v5 =	vmin.f32 v5, v7;
	v4 =	vadd.f32 $2.000000030e-01, v4  }
0x14e: {  	p0 =	sne.s32 s31, $0x6;
	v5 =	vmin.f32 v5, v9  }
.Ltmp3:
0x14f: {  	v4 =	vsub.f32 v4, v5;
	(pc) =	sbr.rel @p0 .LBB2_4-.Ltmp3, $4  }
0x150: {  	_ = 	snop  }
0x151: {  	vm0 =	vmmov $0xff;
	v4 =	vmax.f32 v4, $0.0e+00  }
0x152: {  	v4 =	vnsel vm0, $0x0, v4  }
0x153: {  	v3 =	vadd.f32 v4, v3  }
0x154: {  	_ =	swait.ge [sflag:s16], $0x4000  }
0x155: {  	[sflag:s16] =	ssyncset.done $0x0  }
0x156: {  	[sflag:s16] =	ssyncadd.s32 $0xFFFFC000  }
0x157: {  	_ =	swait.ge [sflag:s17], $0x4000  }
0x158: {  	[sflag:s17] =	ssyncset.done $0x0  }
0x159: {  	s2 =	simm.s32 $0x80;
	[sflag:s17] =	ssyncadd.s32 $0xFFFFC000  }
0x15a: {  	s5 =	simm.s32 $0x400;
	s6 =	simm.s32 $0x10000;
	s0 =	rddreg [dreg:$0x6];
	[tilespmem:$0x12800] =	vst v3  }
0x15b: {  	[hbm4b:s0+s2] =	stream.strided.scatter [tilespmem:s6], [sflag:$0x5], $0x1000, s5, s2, $0x38;
	[tilespmem:$0x12880] =	vst v63  }
0x15c: {  	_ =	swait.ge [sflag:s25], $0x1000  }
0x15d: {  	[sflag:s25] =	ssyncset.done $0x0  }
0x15e: {  	s28 =	simm.s32 $0x11000;
	s26 =	rddreg [dreg:$0x7];
	[sflag:s25] =	ssyncadd.s32 $0xFFFFF000  }
0x15f: {  	[hbm4b:s26+s2] =	stream.strided.scatter [tilespmem:s28], [sflag:$0x5], $0x1000, s5, s2, $0x38;
	[tilespmem:$0x12880] =	vst v63  }
0x160: {  	s29 =	sadd.s32 $0x1, s29;
	_ =	swait.ge [sflag:s25], $0x1000  }
0x161: {  	p0 =	sne.s32 s29, s12;
	[sflag:s25] =	ssyncset.done $0x0  }
.Ltmp4:
0x162: {  	s31 =	simm.s32 $0x12800;
	[sflag:s25] =	ssyncadd.s32 $0xFFFFF000;
	(pc) =	sbr.rel @p0 .LBB2_1-.Ltmp4, $4  }
0x163: {  	[hbm4b:s11+s4] =	stream.linear.scatter [tilespmem:s31], [sflag:$0x5], $0x80, $0x38;
	[tilespmem:$0x12880] =	vst v63  }
0x164: {  	_ =	swait.ge [sflag:s25], $0x80  }
0x165: {  	[sflag:s25] =	ssyncset.done $0x0  }
0x166: {  	[sflag:s25] =	ssyncadd.s32 $0xFFFFFF80  }
0x167: {  	_ =	sfence.sel $0x180000  }
0x168: {  	[bflag:$0x0] =	sbarrier.arrive $0xFFFF  }
0x169: {  	_ =	strace $0x90000047  }
0x16a: {  	s0 =	stileid.u32;
	[bflag:$0x2] =	sbarrier.arrive $0xFFFF  }
0x16b: {  	p0 =	sne.s32 s0, $0x0;
	s0 =	rddreg [dreg:$0x3]  }
0x16c: {  	s0 =	sadd.s32 @!p0 $0x100000, s0  }
0x16d: {  	[sflag:s0] =	ssyncadd.tile.s32 @!p0 $0x1;
	_ =	shalt  }
.Lfunc_end2:
_tile_overlayer_lowered:
.L_overlay_start_2:
0x16e: {  	(tag) =	ssettag $0x2  }
0x16f: {  	s0 =	rddreg [dreg:$0x0];
	s2 =	stileid.u32  }
0x170: {  	s1 =	rddreg [dreg:$0x1];
	p0 =	sne.s32 s2, $0x0  }
0x171: {  	s3 =	rddreg [dreg:$0x2];
	[bflag:$0x3] =	sbarrier.arrive $0xFFFF;
	s2 =	simm.s32 @!p0 $0x1C05  }
0x172: {  	[timem:s3], [sflag:s2] =	dma.local @!p0 [hbm:s0], s1  }
0x173: {  	s0 =	simm.s32 @!p0 $0x5  }
0x174: {  	_ =	swait.ge @!p0 [sflag:s0], s1  }
0x175: {  	s1 =	ssub.s32 @!p0 $0x0, s1;
	[sflag:s0] =	ssyncset.done @!p0 $0x0  }
0x176: {  	[sflag:s0] =	ssyncadd.s32 @!p0 s1  }
0x177: {  	[bflag:$0x3] =	sbarrier.arrive $0xFFFF  }
0x178: {  	_ =	shalt  }

</sc_bundles>
